<compile_context>
chip_gen: v7x
topology: tpu7x:2x2x1
jax: 0.10.2.dev20260603
libtpu: 0.0.44.dev20260713+nightly
codegen_flags: <defaults>
</compile_context>

<pallas_src>
import jax
import jax.numpy as jnp
from jax import lax
from jax.experimental import pallas as pl
from jax.experimental.pallas import tpu as pltpu
from jax.experimental.pallas import tpu_sc as plsc

T, D, F, E = 2048, 768, 3072, 8
BT = 256
NBLK = (2 * T) // BT + E
P = NBLK * BT

NC, NS = 2, 16
NW = NC * NS
TPW = T // NW



def _router_body(x_ref, wr_ref, br_ref, pos1_ref, pos2_ref,
                 g1_ref, g2_ref, bexp_ref, valid_ref):
    x = x_ref[...]
    logits = lax.dot_general(x, wr_ref[...], (((1,), (1,)), ((), ())))
    logits = logits + br_ref[...]
    m = jnp.max(logits, axis=1, keepdims=True)
    p = jnp.exp(logits - m)
    probs = p / jnp.sum(p, axis=1, keepdims=True)

    idx = lax.broadcasted_iota(jnp.int32, (T, E), 1)
    m1 = jnp.max(probs, axis=1, keepdims=True)
    sel1 = jnp.min(jnp.where(probs >= m1, idx, E), axis=1, keepdims=True)
    oh1 = (idx == sel1)
    probs_rest = jnp.where(oh1, -1.0, probs)
    m2 = jnp.max(probs_rest, axis=1, keepdims=True)
    sel2 = jnp.min(jnp.where(probs_rest >= m2, idx, E), axis=1, keepdims=True)
    oh2 = (idx == sel2)

    lanes = jnp.ones((1, 16), jnp.float32)
    g1_ref[...] = (m1 / (m1 + m2)) * lanes
    g2_ref[...] = (m2 / (m1 + m2)) * lanes

    oh1f = oh1.astype(jnp.float32)
    oh2f = oh2.astype(jnp.float32)
    ohf = oh1f + oh2f

    cume = ohf
    shift = 1
    while shift < T:
        cume = cume + jnp.concatenate(
            [jnp.zeros((shift, E), jnp.float32), cume[:T - shift]], axis=0)
        shift *= 2
    counts = cume[T - 1:T, :]
    cume = cume - ohf

    nb = jnp.floor((counts + (BT - 1)) * (1.0 / BT))
    upper = (lax.broadcasted_iota(jnp.int32, (E, E), 0)
             <= lax.broadcasted_iota(jnp.int32, (E, E), 1)).astype(jnp.float32)
    cum_nb = lax.dot_general(nb, upper, (((1,), (0,)), ((), ())))
    row_off = (cum_nb - nb) * BT

    rank1 = jnp.sum(oh1f * cume, axis=1, keepdims=True)
    rank2 = jnp.sum(oh2f * cume, axis=1, keepdims=True)
    off1 = jnp.sum(oh1f * row_off, axis=1, keepdims=True)
    off2 = jnp.sum(oh2f * row_off, axis=1, keepdims=True)
    pos1_ref[...] = (off1 + rank1).astype(jnp.int32)
    pos2_ref[...] = (off2 + rank2).astype(jnp.int32)

    bidx = lax.broadcasted_iota(jnp.int32, (NBLK, E), 0).astype(jnp.float32)
    bexp = jnp.sum((bidx >= cum_nb).astype(jnp.float32), axis=1, keepdims=True)
    bexp_ref[...] = jnp.minimum(bexp, E - 1).astype(jnp.int32)
    total_nb = cum_nb[:, E - 1:E]
    valid_ref[...] = (bidx[:, 0:1] < total_nb).astype(jnp.int32)



def _sc_scatter_body(x_hbm, pos1_hbm, pos2_hbm, xs_hbm, idx1_v, idx2_v,
                     rows_v, sem1, sem2):
    wid = lax.axis_index("s") * NC + lax.axis_index("c")
    base = wid * TPW
    pltpu.sync_copy(pos1_hbm.at[pl.ds(base, TPW)], idx1_v)
    pltpu.sync_copy(pos2_hbm.at[pl.ds(base, TPW)], idx2_v)
    pltpu.sync_copy(x_hbm.at[pl.ds(base, TPW)], rows_v)
    cp1 = pltpu.async_copy(rows_v, xs_hbm.at[idx1_v], sem1)
    cp2 = pltpu.async_copy(rows_v, xs_hbm.at[idx2_v], sem2)
    cp1.wait()
    cp2.wait()


def _sc_comb_body(ys_hbm, pos1_hbm, pos2_hbm, g1_hbm, g2_hbm, out_hbm,
                  idx1_v, idx2_v, g1_v, g2_v, r1_v, r2_v, sem1, sem2):
    wid = lax.axis_index("s") * NC + lax.axis_index("c")
    base = wid * TPW
    pltpu.sync_copy(pos1_hbm.at[pl.ds(base, TPW)], idx1_v)
    cp1 = pltpu.async_copy(ys_hbm.at[idx1_v], r1_v, sem1)
    pltpu.sync_copy(pos2_hbm.at[pl.ds(base, TPW)], idx2_v)
    cp2 = pltpu.async_copy(ys_hbm.at[idx2_v], r2_v, sem2)
    pltpu.sync_copy(g1_hbm.at[pl.ds(base, TPW)], g1_v)
    pltpu.sync_copy(g2_hbm.at[pl.ds(base, TPW)], g2_v)
    cp1.wait()
    cp2.wait()

    @plsc.parallel_loop(0, TPW, 1, unroll=4)
    def _row(i):
        a1 = g1_v[i]
        a2 = g2_v[i]
        for j in range(D // 16):
            sl = pl.ds(j * 16, 16)
            r1_v[i, sl] = a1 * r1_v[i, sl] + a2 * r2_v[i, sl]
    pltpu.sync_copy(r1_v, out_hbm.at[pl.ds(base, TPW)])



def _ffn_body(be_ref, va_ref, xs_ref, w1_ref, w3_ref, w2_ref,
              gam_ref, bet_ref, ys_ref):
    b = pl.program_id(0)

    @pl.when(va_ref[b] != 0)
    def _():
        xb = xs_ref[...]
        h1 = lax.dot_general(xb, w1_ref[0], (((1,), (1,)), ((), ())))
        h3 = lax.dot_general(xb, w3_ref[0], (((1,), (1,)), ((), ())))
        a = h1 * jax.nn.sigmoid(h1) * h3
        y = lax.dot_general(a, w2_ref[0], (((1,), (1,)), ((), ())))
        mu = jnp.mean(y, axis=1, keepdims=True)
        yc = y - mu
        var = jnp.mean(yc * yc, axis=1, keepdims=True)
        ys_ref[...] = (yc * lax.rsqrt(var + 1e-5) * gam_ref[0]
                       + bet_ref[0])



def kernel(x, Wr, br, W1, W2, W3, gamma, beta):
    Bx, N, Dx = x.shape
    xf = x.reshape(T, D)

    pos1, pos2, g1, g2, bexp, valid = pl.pallas_call(
        _router_body,
        out_shape=[
            jax.ShapeDtypeStruct((T, 1), jnp.int32),
            jax.ShapeDtypeStruct((T, 1), jnp.int32),
            jax.ShapeDtypeStruct((T, 16), jnp.float32),
            jax.ShapeDtypeStruct((T, 16), jnp.float32),
            jax.ShapeDtypeStruct((NBLK, 1), jnp.int32),
            jax.ShapeDtypeStruct((NBLK, 1), jnp.int32),
        ],
    )(xf, Wr, br.reshape(1, E))

    pos1f = pos1.reshape(T)
    pos2f = pos2.reshape(T)

    xs = pl.kernel(
        _sc_scatter_body,
        out_type=jax.ShapeDtypeStruct((P, D), jnp.float32),
        mesh=plsc.VectorSubcoreMesh(core_axis_name="c", subcore_axis_name="s"),
        scratch_types=[
            pltpu.VMEM((TPW,), jnp.int32),
            pltpu.VMEM((TPW,), jnp.int32),
            pltpu.VMEM((TPW, D), jnp.float32),
            pltpu.SemaphoreType.DMA,
            pltpu.SemaphoreType.DMA,
        ],
    )(xf, pos1f, pos2f)

    bexp_s = bexp.reshape(NBLK)
    valid_s = valid.reshape(NBLK)

    ys = pl.pallas_call(
        _ffn_body,
        grid_spec=pltpu.PrefetchScalarGridSpec(
            num_scalar_prefetch=2,
            grid=(NBLK,),
            in_specs=[
                pl.BlockSpec((BT, D), lambda b, be, va: (b * va[b], 0)),
                pl.BlockSpec((1, F, D), lambda b, be, va: (be[b], 0, 0)),
                pl.BlockSpec((1, F, D), lambda b, be, va: (be[b], 0, 0)),
                pl.BlockSpec((1, D, F), lambda b, be, va: (be[b], 0, 0)),
                pl.BlockSpec((1, 1, D), lambda b, be, va: (be[b], 0, 0)),
                pl.BlockSpec((1, 1, D), lambda b, be, va: (be[b], 0, 0)),
            ],
            out_specs=pl.BlockSpec(
                (BT, D),
                lambda b, be, va: (b * va[b] + (NBLK - 1) * (1 - va[b]), 0)),
        ),
        out_shape=jax.ShapeDtypeStruct((P, D), jnp.float32),
        compiler_params=pltpu.CompilerParams(
            vmem_limit_bytes=100 * 1024 * 1024),
    )(bexp_s, valid_s, xs, W1, W3, W2,
      gamma.reshape(E, 1, D), beta.reshape(E, 1, D))

    out = pl.kernel(
        _sc_comb_body,
        out_type=jax.ShapeDtypeStruct((T, D), jnp.float32),
        mesh=plsc.VectorSubcoreMesh(core_axis_name="c", subcore_axis_name="s"),
        scratch_types=[
            pltpu.VMEM((TPW,), jnp.int32),
            pltpu.VMEM((TPW,), jnp.int32),
            pltpu.VMEM((TPW, 16), jnp.float32),
            pltpu.VMEM((TPW, 16), jnp.float32),
            pltpu.VMEM((TPW, D), jnp.float32),
            pltpu.VMEM((TPW, D), jnp.float32),
            pltpu.SemaphoreType.DMA,
            pltpu.SemaphoreType.DMA,
        ],
    )(ys, pos1f, pos2f, g1, g2)

    return out.reshape(Bx, N, Dx)

# --- scband reference (transcript-rebuilt; emitter-appended) ---
"""Pipeline reference for scband-sparse-mixture-of-experts-60868276519715 (READ-ONLY COPY).

The authoritative reference and input builder live on the scoring server;
editing this copy changes nothing except your own understanding.
"""

import jax, jax.numpy as jnp
import numpy as np

B, N, D = 1, 2048, 768
E = 8
DFF = 3072


def setup_inputs(seed: int = 0) -> dict:
    key = jax.random.key(seed)
    ks = jax.random.split(key, 6)
    x = jax.random.normal(ks[0], (B, N, D), dtype=jnp.float32)
    Wr = jax.random.normal(ks[1], (E, D), dtype=jnp.float32) * 0.02
    br = jnp.zeros((E,), dtype=jnp.float32)
    W1 = jax.random.normal(ks[2], (E, DFF, D), dtype=jnp.float32) * 0.02
    W2 = jax.random.normal(ks[3], (E, D, DFF), dtype=jnp.float32) * 0.02
    W3 = jax.random.normal(ks[4], (E, DFF, D), dtype=jnp.float32) * 0.02
    gamma = jnp.ones((E, D), dtype=jnp.float32)
    beta = jnp.zeros((E, D), dtype=jnp.float32)
    return {"x": x, "Wr": Wr, "br": br, "W1": W1, "W2": W2, "W3": W3, "gamma": gamma, "beta": beta}


def reference(x, Wr, br, W1, W2, W3, gamma, beta):
    # Eval-mode forward (no router noise, no dropout), matching the torch module.
    Bx, Nx, Dx = x.shape
    num_experts = Wr.shape[0]
    xf = x.reshape(-1, Dx)
    router_logits = xf @ Wr.T + br
    probs = jax.nn.softmax(router_logits, axis=-1)
    k = min(2, num_experts)
    w, sel = jax.lax.top_k(probs, k)
    w = w / jnp.sum(w, axis=-1, keepdims=True)
    # per-token, per-expert combined gate: sum_k w[t,k] * [sel[t,k]==e]
    oh = jax.nn.one_hot(sel, num_experts, dtype=xf.dtype)  # [T, k, E]
    comb = jnp.sum(w[..., None] * oh, axis=1)  # [T, E]
    out = jnp.zeros_like(xf)
    for e in range(num_experts):
        a = jax.nn.silu(xf @ W1[e].T) * (xf @ W3[e].T)
        y = a @ W2[e].T
        mu = jnp.mean(y, axis=-1, keepdims=True)
        var = jnp.mean((y - mu) ** 2, axis=-1, keepdims=True)
        yn = (y - mu) / jnp.sqrt(var + 1e-5) * gamma[e] + beta[e]
        out = out + comb[:, e:e + 1] * yn
    return out.reshape(Bx, Nx, Dx)

if __name__ == "__main__":
    import jax
    _d = setup_inputs()
    print(jax.jit(kernel)(*tuple(_d.values())))

</pallas_src>

<mosaic_0001>
#map = affine_map<(d0, d1) -> (0, 0)>
#map1 = affine_map<(d0, d1) -> (0)>
module attributes {stable_mosaic.version = 14 : i64} {
  func.func @_sc_comb_body(%arg0: i32, %arg1: i32, %arg2: memref<6144x768xf32, #tpu.memory_space<hbm>>, %arg3: memref<2048xi32, #tpu.memory_space<hbm>>, %arg4: memref<2048xi32, #tpu.memory_space<hbm>>, %arg5: memref<2048x16xf32, #tpu.memory_space<hbm>>, %arg6: memref<2048x16xf32, #tpu.memory_space<hbm>>, %arg7: memref<2048x768xf32, #tpu.memory_space<hbm>>, %arg8: memref<64xi32, #tpu.memory_space<vmem>>, %arg9: memref<64xi32, #tpu.memory_space<vmem>>, %arg10: memref<64x16xf32, #tpu.memory_space<vmem>>, %arg11: memref<64x16xf32, #tpu.memory_space<vmem>>, %arg12: memref<64x768xf32, #tpu.memory_space<vmem>>, %arg13: memref<64x768xf32, #tpu.memory_space<vmem>>, %arg14: memref<!tpu.dma_semaphore, #tpu.memory_space<semaphore_mem>>, %arg15: memref<!tpu.dma_semaphore, #tpu.memory_space<semaphore_mem>>) attributes {dimension_semantics = [#tpu.dimension_semantics<core_parallel>, #tpu.dimension_semantics<subcore_parallel>], iteration_bounds = array<i64: 2, 16>, scalar_prefetch = 0 : i64, scratch_operands = 8 : i64, tpu.core_type = #tpu.core_type<sc_vector_subcore>, window_params = [{transform_indices = #map}, {transform_indices = #map1}, {transform_indices = #map1}, {transform_indices = #map}, {transform_indices = #map}, {transform_indices = #map}]} {
    %mul3A = arith.constant 2 : i32
    %mul3A_0 = arith.muli %arg1, %mul3A : i32
    %add3A = arith.addi %mul3A_0, %arg0 : i32
    %mul3A_1 = arith.constant 64 : i32
    %mul3A_2 = arith.muli %add3A, %mul3A_1 : i32
    "tpu.region"() ({
      %run_scoped3A = tpu.sem_alloc : memref<!tpu.dma_semaphore, #tpu.memory_space<semaphore_mem>>
      %dma_start3A_15 = tpu.memref_slice %arg3[%mul3A_2] : memref<2048xi32, #tpu.memory_space<hbm>> -> memref<64xi32, #tpu.memory_space<hbm>>
      %dma_start3A_16 = tpu.memref_slice %arg3[%mul3A_2] : memref<2048xi32, #tpu.memory_space<hbm>> -> memref<64xi32, #tpu.memory_space<hbm>>
      tpu.enqueue_dma source(%dma_start3A_16 : memref<64xi32, #tpu.memory_space<hbm>>) target(%arg8 : memref<64xi32, #tpu.memory_space<vmem>>) target_semaphore(%run_scoped3A : memref<!tpu.dma_semaphore, #tpu.memory_space<semaphore_mem>>)
      %dma_wait3A_17 = tpu.memref_slice %arg3[%mul3A_2] : memref<2048xi32, #tpu.memory_space<hbm>> -> memref<64xi32, #tpu.memory_space<hbm>>
      %dma_wait3A_18 = tpu.memref_slice %arg3[%mul3A_2] : memref<2048xi32, #tpu.memory_space<hbm>> -> memref<64xi32, #tpu.memory_space<hbm>>
      tpu.wait_dma2 semaphore(%run_scoped3A : memref<!tpu.dma_semaphore, #tpu.memory_space<semaphore_mem>>) src(%dma_wait3A_18 : memref<64xi32, #tpu.memory_space<hbm>>) dst(%arg8 : memref<64xi32, #tpu.memory_space<vmem>>)
      tpu.yield
    }) : () -> ()
    %dma_start3A = arith.constant 0 : i32
    %dma_start3A_3 = arith.constant 0 : i32
    %dma_start3A_4 = tpu.memref_slice %arg2[%dma_start3A, %dma_start3A_3] : memref<6144x768xf32, #tpu.memory_space<hbm>> -> memref<6144x768xf32, #tpu.memory_space<hbm>>
    tpu.enqueue_indirect_dma source(%dma_start3A_4 : memref<6144x768xf32, #tpu.memory_space<hbm>>) target(%arg12 : memref<64x768xf32, #tpu.memory_space<vmem>>) offsets(%arg8 : memref<64xi32, #tpu.memory_space<vmem>>) semaphore(%arg14 : memref<!tpu.dma_semaphore, #tpu.memory_space<semaphore_mem>>)
    "tpu.region"() ({
      %run_scoped3A = tpu.sem_alloc : memref<!tpu.dma_semaphore, #tpu.memory_space<semaphore_mem>>
      %dma_start3A_15 = tpu.memref_slice %arg4[%mul3A_2] : memref<2048xi32, #tpu.memory_space<hbm>> -> memref<64xi32, #tpu.memory_space<hbm>>
      %dma_start3A_16 = tpu.memref_slice %arg4[%mul3A_2] : memref<2048xi32, #tpu.memory_space<hbm>> -> memref<64xi32, #tpu.memory_space<hbm>>
      tpu.enqueue_dma source(%dma_start3A_16 : memref<64xi32, #tpu.memory_space<hbm>>) target(%arg9 : memref<64xi32, #tpu.memory_space<vmem>>) target_semaphore(%run_scoped3A : memref<!tpu.dma_semaphore, #tpu.memory_space<semaphore_mem>>)
      %dma_wait3A_17 = tpu.memref_slice %arg4[%mul3A_2] : memref<2048xi32, #tpu.memory_space<hbm>> -> memref<64xi32, #tpu.memory_space<hbm>>
      %dma_wait3A_18 = tpu.memref_slice %arg4[%mul3A_2] : memref<2048xi32, #tpu.memory_space<hbm>> -> memref<64xi32, #tpu.memory_space<hbm>>
      tpu.wait_dma2 semaphore(%run_scoped3A : memref<!tpu.dma_semaphore, #tpu.memory_space<semaphore_mem>>) src(%dma_wait3A_18 : memref<64xi32, #tpu.memory_space<hbm>>) dst(%arg9 : memref<64xi32, #tpu.memory_space<vmem>>)
      tpu.yield
    }) : () -> ()
    %dma_start3A_5 = arith.constant 0 : i32
    %dma_start3A_6 = arith.constant 0 : i32
    %dma_start3A_7 = tpu.memref_slice %arg2[%dma_start3A_5, %dma_start3A_6] : memref<6144x768xf32, #tpu.memory_space<hbm>> -> memref<6144x768xf32, #tpu.memory_space<hbm>>
    tpu.enqueue_indirect_dma source(%dma_start3A_7 : memref<6144x768xf32, #tpu.memory_space<hbm>>) target(%arg13 : memref<64x768xf32, #tpu.memory_space<vmem>>) offsets(%arg9 : memref<64xi32, #tpu.memory_space<vmem>>) semaphore(%arg15 : memref<!tpu.dma_semaphore, #tpu.memory_space<semaphore_mem>>)
    "tpu.region"() ({
      %run_scoped3A = tpu.sem_alloc : memref<!tpu.dma_semaphore, #tpu.memory_space<semaphore_mem>>
      %dma_start3A_15 = arith.constant 0 : i32
      %dma_start3A_16 = tpu.memref_slice %arg5[%mul3A_2, %dma_start3A_15] : memref<2048x16xf32, #tpu.memory_space<hbm>> -> memref<64x16xf32, #tpu.memory_space<hbm>>
      %dma_start3A_17 = arith.constant 0 : i32
      %dma_start3A_18 = tpu.memref_slice %arg5[%mul3A_2, %dma_start3A_17] : memref<2048x16xf32, #tpu.memory_space<hbm>> -> memref<64x16xf32, #tpu.memory_space<hbm>>
      tpu.enqueue_dma source(%dma_start3A_18 : memref<64x16xf32, #tpu.memory_space<hbm>>) target(%arg10 : memref<64x16xf32, #tpu.memory_space<vmem>>) target_semaphore(%run_scoped3A : memref<!tpu.dma_semaphore, #tpu.memory_space<semaphore_mem>>)
      %dma_wait3A_19 = arith.constant 0 : i32
      %dma_wait3A_20 = tpu.memref_slice %arg5[%mul3A_2, %dma_wait3A_19] : memref<2048x16xf32, #tpu.memory_space<hbm>> -> memref<64x16xf32, #tpu.memory_space<hbm>>
      %dma_wait3A_21 = arith.constant 0 : i32
      %dma_wait3A_22 = tpu.memref_slice %arg5[%mul3A_2, %dma_wait3A_21] : memref<2048x16xf32, #tpu.memory_space<hbm>> -> memref<64x16xf32, #tpu.memory_space<hbm>>
      tpu.wait_dma2 semaphore(%run_scoped3A : memref<!tpu.dma_semaphore, #tpu.memory_space<semaphore_mem>>) src(%dma_wait3A_22 : memref<64x16xf32, #tpu.memory_space<hbm>>) dst(%arg10 : memref<64x16xf32, #tpu.memory_space<vmem>>)
      tpu.yield
    }) : () -> ()
    "tpu.region"() ({
      %run_scoped3A = tpu.sem_alloc : memref<!tpu.dma_semaphore, #tpu.memory_space<semaphore_mem>>
      %dma_start3A_15 = arith.constant 0 : i32
      %dma_start3A_16 = tpu.memref_slice %arg6[%mul3A_2, %dma_start3A_15] : memref<2048x16xf32, #tpu.memory_space<hbm>> -> memref<64x16xf32, #tpu.memory_space<hbm>>
      %dma_start3A_17 = arith.constant 0 : i32
      %dma_start3A_18 = tpu.memref_slice %arg6[%mul3A_2, %dma_start3A_17] : memref<2048x16xf32, #tpu.memory_space<hbm>> -> memref<64x16xf32, #tpu.memory_space<hbm>>
      tpu.enqueue_dma source(%dma_start3A_18 : memref<64x16xf32, #tpu.memory_space<hbm>>) target(%arg11 : memref<64x16xf32, #tpu.memory_space<vmem>>) target_semaphore(%run_scoped3A : memref<!tpu.dma_semaphore, #tpu.memory_space<semaphore_mem>>)
      %dma_wait3A_19 = arith.constant 0 : i32
      %dma_wait3A_20 = tpu.memref_slice %arg6[%mul3A_2, %dma_wait3A_19] : memref<2048x16xf32, #tpu.memory_space<hbm>> -> memref<64x16xf32, #tpu.memory_space<hbm>>
      %dma_wait3A_21 = arith.constant 0 : i32
      %dma_wait3A_22 = tpu.memref_slice %arg6[%mul3A_2, %dma_wait3A_21] : memref<2048x16xf32, #tpu.memory_space<hbm>> -> memref<64x16xf32, #tpu.memory_space<hbm>>
      tpu.wait_dma2 semaphore(%run_scoped3A : memref<!tpu.dma_semaphore, #tpu.memory_space<semaphore_mem>>) src(%dma_wait3A_22 : memref<64x16xf32, #tpu.memory_space<hbm>>) dst(%arg11 : memref<64x16xf32, #tpu.memory_space<vmem>>)
      tpu.yield
    }) : () -> ()
    %dma_wait3A = arith.constant 0 : i32
    %dma_wait3A_8 = arith.constant 0 : i32
    %dma_wait3A_9 = tpu.memref_slice %arg2[%dma_wait3A, %dma_wait3A_8] : memref<6144x768xf32, #tpu.memory_space<hbm>> -> memref<6144x768xf32, #tpu.memory_space<hbm>>
    tpu.wait_indirect_dma semaphore(%arg14 : memref<!tpu.dma_semaphore, #tpu.memory_space<semaphore_mem>>) src(%dma_wait3A_9 : memref<6144x768xf32, #tpu.memory_space<hbm>>) dst(%arg12 : memref<64x768xf32, #tpu.memory_space<vmem>>)
    %dma_wait3A_10 = arith.constant 0 : i32
    %dma_wait3A_11 = arith.constant 0 : i32
    %dma_wait3A_12 = tpu.memref_slice %arg2[%dma_wait3A_10, %dma_wait3A_11] : memref<6144x768xf32, #tpu.memory_space<hbm>> -> memref<6144x768xf32, #tpu.memory_space<hbm>>
    tpu.wait_indirect_dma semaphore(%arg15 : memref<!tpu.dma_semaphore, #tpu.memory_space<semaphore_mem>>) src(%dma_wait3A_12 : memref<6144x768xf32, #tpu.memory_space<hbm>>) dst(%arg13 : memref<64x768xf32, #tpu.memory_space<vmem>>)
    %parallel_loop3A = arith.constant 0 : i32
    %parallel_loop3A_13 = arith.constant 64 : i32
    %parallel_loop3A_14 = arith.constant 1 : i32
    scf.for %parallel_loop3A_15 = %parallel_loop3A to %parallel_loop3A_13 step %parallel_loop3A_14  : i32 {
      %parallel_loop3A_16 = arith.index_cast %parallel_loop3A_15 : i32 to index
      %parallel_loop3A_17 = arith.constant 0 : index
      %parallel_loop3A_18 = tpu.vector_load %arg10[%parallel_loop3A_16, %parallel_loop3A_17] {strides = array<i32>} : memref<64x16xf32, #tpu.memory_space<vmem>>, vector<1x16xf32>,
      %parallel_loop3A_19 = vector.shape_cast %parallel_loop3A_18 : vector<1x16xf32> to vector<16xf32>
      %parallel_loop3A_20 = arith.index_cast %parallel_loop3A_15 : i32 to index
      %parallel_loop3A_21 = arith.constant 0 : index
      %parallel_loop3A_22 = tpu.vector_load %arg11[%parallel_loop3A_20, %parallel_loop3A_21] {strides = array<i32>} : memref<64x16xf32, #tpu.memory_space<vmem>>, vector<1x16xf32>,
      %parallel_loop3A_23 = vector.shape_cast %parallel_loop3A_22 : vector<1x16xf32> to vector<16xf32>
      %parallel_loop3A_24 = arith.index_cast %parallel_loop3A_15 : i32 to index
      %parallel_loop3A_25 = arith.constant 0 : index
      %parallel_loop3A_26 = tpu.vector_load %arg12[%parallel_loop3A_24, %parallel_loop3A_25] {strides = array<i32>} : memref<64x768xf32, #tpu.memory_space<vmem>>, vector<1x16xf32>,
      %parallel_loop3A_27 = vector.shape_cast %parallel_loop3A_26 : vector<1x16xf32> to vector<16xf32>
      %parallel_loop3A_28 = arith.mulf %parallel_loop3A_19, %parallel_loop3A_27 : vector<16xf32>
      %parallel_loop3A_29 = arith.index_cast %parallel_loop3A_15 : i32 to index
      %parallel_loop3A_30 = arith.constant 0 : index
      %parallel_loop3A_31 = tpu.vector_load %arg13[%parallel_loop3A_29, %parallel_loop3A_30] {strides = array<i32>} : memref<64x768xf32, #tpu.memory_space<vmem>>, vector<1x16xf32>,
      %parallel_loop3A_32 = vector.shape_cast %parallel_loop3A_31 : vector<1x16xf32> to vector<16xf32>
      %parallel_loop3A_33 = arith.mulf %parallel_loop3A_23, %parallel_loop3A_32 : vector<16xf32>
      %parallel_loop3A_34 = arith.addf %parallel_loop3A_28, %parallel_loop3A_33 : vector<16xf32>
      %parallel_loop3A_35 = arith.index_cast %parallel_loop3A_15 : i32 to index
      %parallel_loop3A_36 = arith.constant 0 : index
      %parallel_loop3A_37 = tpu.vector_load %arg12[%parallel_loop3A_35, %parallel_loop3A_36] {strides = array<i32>} : memref<64x768xf32, #tpu.memory_space<vmem>>, vector<1x16xf32>,
      %parallel_loop3A_38 = vector.shape_cast %parallel_loop3A_37 : vector<1x16xf32> to vector<16xf32>
      %parallel_loop3A_39 = vector.shape_cast %parallel_loop3A_34 : vector<16xf32> to vector<1x16xf32>
      tpu.vector_store %arg12[%parallel_loop3A_35, %parallel_loop3A_36], %parallel_loop3A_39 {strides = array<i32>} : memref<64x768xf32, #tpu.memory_space<vmem>>, vector<1x16xf32>,
      %parallel_loop3A_40 = arith.index_cast %parallel_loop3A_15 : i32 to index
      %parallel_loop3A_41 = arith.constant 16 : index
      %parallel_loop3A_42 = tpu.vector_load %arg12[%parallel_loop3A_40, %parallel_loop3A_41] {strides = array<i32>} : memref<64x768xf32, #tpu.memory_space<vmem>>, vector<1x16xf32>,
      %parallel_loop3A_43 = vector.shape_cast %parallel_loop3A_42 : vector<1x16xf32> to vector<16xf32>
      %parallel_loop3A_44 = arith.mulf %parallel_loop3A_19, %parallel_loop3A_43 : vector<16xf32>
      %parallel_loop3A_45 = arith.index_cast %parallel_loop3A_15 : i32 to index
      %parallel_loop3A_46 = arith.constant 16 : index
      %parallel_loop3A_47 = tpu.vector_load %arg13[%parallel_loop3A_45, %parallel_loop3A_46] {strides = array<i32>} : memref<64x768xf32, #tpu.memory_space<vmem>>, vector<1x16xf32>,
      %parallel_loop3A_48 = vector.shape_cast %parallel_loop3A_47 : vector<1x16xf32> to vector<16xf32>
      %parallel_loop3A_49 = arith.mulf %parallel_loop3A_23, %parallel_loop3A_48 : vector<16xf32>
      %parallel_loop3A_50 = arith.addf %parallel_loop3A_44, %parallel_loop3A_49 : vector<16xf32>
      %parallel_loop3A_51 = arith.index_cast %parallel_loop3A_15 : i32 to index
      %parallel_loop3A_52 = arith.constant 16 : index
      %parallel_loop3A_53 = tpu.vector_load %arg12[%parallel_loop3A_51, %parallel_loop3A_52] {strides = array<i32>} : memref<64x768xf32, #tpu.memory_space<vmem>>, vector<1x16xf32>,
      %parallel_loop3A_54 = vector.shape_cast %parallel_loop3A_53 : vector<1x16xf32> to vector<16xf32>
      %parallel_loop3A_55 = vector.shape_cast %parallel_loop3A_50 : vector<16xf32> to vector<1x16xf32>
      tpu.vector_store %arg12[%parallel_loop3A_51, %parallel_loop3A_52], %parallel_loop3A_55 {strides = array<i32>} : memref<64x768xf32, #tpu.memory_space<vmem>>, vector<1x16xf32>,
      %parallel_loop3A_56 = arith.index_cast %parallel_loop3A_15 : i32 to index
      %parallel_loop3A_57 = arith.constant 32 : index
      %parallel_loop3A_58 = tpu.vector_load %arg12[%parallel_loop3A_56, %parallel_loop3A_57] {strides = array<i32>} : memref<64x768xf32, #tpu.memory_space<vmem>>, vector<1x16xf32>,
      %parallel_loop3A_59 = vector.shape_cast %parallel_loop3A_58 : vector<1x16xf32> to vector<16xf32>
      %parallel_loop3A_60 = arith.mulf %parallel_loop3A_19, %parallel_loop3A_59 : vector<16xf32>
      %parallel_loop3A_61 = arith.index_cast %parallel_loop3A_15 : i32 to index
      %parallel_loop3A_62 = arith.constant 32 : index
      %parallel_loop3A_63 = tpu.vector_load %arg13[%parallel_loop3A_61, %parallel_loop3A_62] {strides = array<i32>} : memref<64x768xf32, #tpu.memory_space<vmem>>, vector<1x16xf32>,
      %parallel_loop3A_64 = vector.shape_cast %parallel_loop3A_63 : vector<1x16xf32> to vector<16xf32>
      %parallel_loop3A_65 = arith.mulf %parallel_loop3A_23, %parallel_loop3A_64 : vector<16xf32>
      %parallel_loop3A_66 = arith.addf %parallel_loop3A_60, %parallel_loop3A_65 : vector<16xf32>
      %parallel_loop3A_67 = arith.index_cast %parallel_loop3A_15 : i32 to index
      %parallel_loop3A_68 = arith.constant 32 : index
      %parallel_loop3A_69 = tpu.vector_load %arg12[%parallel_loop3A_67, %parallel_loop3A_68] {strides = array<i32>} : memref<64x768xf32, #tpu.memory_space<vmem>>, vector<1x16xf32>,
      %parallel_loop3A_70 = vector.shape_cast %parallel_loop3A_69 : vector<1x16xf32> to vector<16xf32>
      %parallel_loop3A_71 = vector.shape_cast %parallel_loop3A_66 : vector<16xf32> to vector<1x16xf32>
      tpu.vector_store %arg12[%parallel_loop3A_67, %parallel_loop3A_68], %parallel_loop3A_71 {strides = array<i32>} : memref<64x768xf32, #tpu.memory_space<vmem>>, vector<1x16xf32>,
      %parallel_loop3A_72 = arith.index_cast %parallel_loop3A_15 : i32 to index
      %parallel_loop3A_73 = arith.constant 48 : index
      %parallel_loop3A_74 = tpu.vector_load %arg12[%parallel_loop3A_72, %parallel_loop3A_73] {strides = array<i32>} : memref<64x768xf32, #tpu.memory_space<vmem>>, vector<1x16xf32>,
      %parallel_loop3A_75 = vector.shape_cast %parallel_loop3A_74 : vector<1x16xf32> to vector<16xf32>
      %parallel_loop3A_76 = arith.mulf %parallel_loop3A_19, %parallel_loop3A_75 : vector<16xf32>
      %parallel_loop3A_77 = arith.index_cast %parallel_loop3A_15 : i32 to index
      %parallel_loop3A_78 = arith.constant 48 : index
      %parallel_loop3A_79 = tpu.vector_load %arg13[%parallel_loop3A_77, %parallel_loop3A_78] {strides = array<i32>} : memref<64x768xf32, #tpu.memory_space<vmem>>, vector<1x16xf32>,
      %parallel_loop3A_80 = vector.shape_cast %parallel_loop3A_79 : vector<1x16xf32> to vector<16xf32>
      %parallel_loop3A_81 = arith.mulf %parallel_loop3A_23, %parallel_loop3A_80 : vector<16xf32>
      %parallel_loop3A_82 = arith.addf %parallel_loop3A_76, %parallel_loop3A_81 : vector<16xf32>
      %parallel_loop3A_83 = arith.index_cast %parallel_loop3A_15 : i32 to index
      %parallel_loop3A_84 = arith.constant 48 : index
      %parallel_loop3A_85 = tpu.vector_load %arg12[%parallel_loop3A_83, %parallel_loop3A_84] {strides = array<i32>} : memref<64x768xf32, #tpu.memory_space<vmem>>, vector<1x16xf32>,
      %parallel_loop3A_86 = vector.shape_cast %parallel_loop3A_85 : vector<1x16xf32> to vector<16xf32>
      %parallel_loop3A_87 = vector.shape_cast %parallel_loop3A_82 : vector<16xf32> to vector<1x16xf32>
      tpu.vector_store %arg12[%parallel_loop3A_83, %parallel_loop3A_84], %parallel_loop3A_87 {strides = array<i32>} : memref<64x768xf32, #tpu.memory_space<vmem>>, vector<1x16xf32>,
      %parallel_loop3A_88 = arith.index_cast %parallel_loop3A_15 : i32 to index
      %parallel_loop3A_89 = arith.constant 64 : index
      %parallel_loop3A_90 = tpu.vector_load %arg12[%parallel_loop3A_88, %parallel_loop3A_89] {strides = array<i32>} : memref<64x768xf32, #tpu.memory_space<vmem>>, vector<1x16xf32>,
      %parallel_loop3A_91 = vector.shape_cast %parallel_loop3A_90 : vector<1x16xf32> to vector<16xf32>
      %parallel_loop3A_92 = arith.mulf %parallel_loop3A_19, %parallel_loop3A_91 : vector<16xf32>
      %parallel_loop3A_93 = arith.index_cast %parallel_loop3A_15 : i32 to index
      %parallel_loop3A_94 = arith.constant 64 : index
      %parallel_loop3A_95 = tpu.vector_load %arg13[%parallel_loop3A_93, %parallel_loop3A_94] {strides = array<i32>} : memref<64x768xf32, #tpu.memory_space<vmem>>, vector<1x16xf32>,
      %parallel_loop3A_96 = vector.shape_cast %parallel_loop3A_95 : vector<1x16xf32> to vector<16xf32>
      %parallel_loop3A_97 = arith.mulf %parallel_loop3A_23, %parallel_loop3A_96 : vector<16xf32>
      %parallel_loop3A_98 = arith.addf %parallel_loop3A_92, %parallel_loop3A_97 : vector<16xf32>
      %parallel_loop3A_99 = arith.index_cast %parallel_loop3A_15 : i32 to index
      %parallel_loop3A_100 = arith.constant 64 : index
      %parallel_loop3A_101 = tpu.vector_load %arg12[%parallel_loop3A_99, %parallel_loop3A_100] {strides = array<i32>} : memref<64x768xf32, #tpu.memory_space<vmem>>, vector<1x16xf32>,
      %parallel_loop3A_102 = vector.shape_cast %parallel_loop3A_101 : vector<1x16xf32> to vector<16xf32>
      %parallel_loop3A_103 = vector.shape_cast %parallel_loop3A_98 : vector<16xf32> to vector<1x16xf32>
      tpu.vector_store %arg12[%parallel_loop3A_99, %parallel_loop3A_100], %parallel_loop3A_103 {strides = array<i32>} : memref<64x768xf32, #tpu.memory_space<vmem>>, vector<1x16xf32>,
      %parallel_loop3A_104 = arith.index_cast %parallel_loop3A_15 : i32 to index
      %parallel_loop3A_105 = arith.constant 80 : index
      %parallel_loop3A_106 = tpu.vector_load %arg12[%parallel_loop3A_104, %parallel_loop3A_105] {strides = array<i32>} : memref<64x768xf32, #tpu.memory_space<vmem>>, vector<1x16xf32>,
      %parallel_loop3A_107 = vector.shape_cast %parallel_loop3A_106 : vector<1x16xf32> to vector<16xf32>
      %parallel_loop3A_108 = arith.mulf %parallel_loop3A_19, %parallel_loop3A_107 : vector<16xf32>
      %parallel_loop3A_109 = arith.index_cast %parallel_loop3A_15 : i32 to index
      %parallel_loop3A_110 = arith.constant 80 : index
      %parallel_loop3A_111 = tpu.vector_load %arg13[%parallel_loop3A_109, %parallel_loop3A_110] {strides = array<i32>} : memref<64x768xf32, #tpu.memory_space<vmem>>, vector<1x16xf32>,
      %parallel_loop3A_112 = vector.shape_cast %parallel_loop3A_111 : vector<1x16xf32> to vector<16xf32>
      %parallel_loop3A_113 = arith.mulf %parallel_loop3A_23, %parallel_loop3A_112 : vector<16xf32>
      %parallel_loop3A_114 = arith.addf %parallel_loop3A_108, %parallel_loop3A_113 : vector<16xf32>
      %parallel_loop3A_115 = arith.index_cast %parallel_loop3A_15 : i32 to index
      %parallel_loop3A_116 = arith.constant 80 : index
      %parallel_loop3A_117 = tpu.vector_load %arg12[%parallel_loop3A_115, %parallel_loop3A_116] {strides = array<i32>} : memref<64x768xf32, #tpu.memory_space<vmem>>, vector<1x16xf32>,
      %parallel_loop3A_118 = vector.shape_cast %parallel_loop3A_117 : vector<1x16xf32> to vector<16xf32>
      %parallel_loop3A_119 = vector.shape_cast %parallel_loop3A_114 : vector<16xf32> to vector<1x16xf32>
      tpu.vector_store %arg12[%parallel_loop3A_115, %parallel_loop3A_116], %parallel_loop3A_119 {strides = array<i32>} : memref<64x768xf32, #tpu.memory_space<vmem>>, vector<1x16xf32>,
      %parallel_loop3A_120 = arith.index_cast %parallel_loop3A_15 : i32 to index
      %parallel_loop3A_121 = arith.constant 96 : index
      %parallel_loop3A_122 = tpu.vector_load %arg12[%parallel_loop3A_120, %parallel_loop3A_121] {strides = array<i32>} : memref<64x768xf32, #tpu.memory_space<vmem>>, vector<1x16xf32>,
      %parallel_loop3A_123 = vector.shape_cast %parallel_loop3A_122 : vector<1x16xf32> to vector<16xf32>
      %parallel_loop3A_124 = arith.mulf %parallel_loop3A_19, %parallel_loop3A_123 : vector<16xf32>
      %parallel_loop3A_125 = arith.index_cast %parallel_loop3A_15 : i32 to index
      %parallel_loop3A_126 = arith.constant 96 : index
      %parallel_loop3A_127 = tpu.vector_load %arg13[%parallel_loop3A_125, %parallel_loop3A_126] {strides = array<i32>} : memref<64x768xf32, #tpu.memory_space<vmem>>, vector<1x16xf32>,
      %parallel_loop3A_128 = vector.shape_cast %parallel_loop3A_127 : vector<1x16xf32> to vector<16xf32>
      %parallel_loop3A_129 = arith.mulf %parallel_loop3A_23, %parallel_loop3A_128 : vector<16xf32>
      %parallel_loop3A_130 = arith.addf %parallel_loop3A_124, %parallel_loop3A_129 : vector<16xf32>
      %parallel_loop3A_131 = arith.index_cast %parallel_loop3A_15 : i32 to index
      %parallel_loop3A_132 = arith.constant 96 : index
      %parallel_loop3A_133 = tpu.vector_load %arg12[%parallel_loop3A_131, %parallel_loop3A_132] {strides = array<i32>} : memref<64x768xf32, #tpu.memory_space<vmem>>, vector<1x16xf32>,
      %parallel_loop3A_134 = vector.shape_cast %parallel_loop3A_133 : vector<1x16xf32> to vector<16xf32>
      %parallel_loop3A_135 = vector.shape_cast %parallel_loop3A_130 : vector<16xf32> to vector<1x16xf32>
      tpu.vector_store %arg12[%parallel_loop3A_131, %parallel_loop3A_132], %parallel_loop3A_135 {strides = array<i32>} : memref<64x768xf32, #tpu.memory_space<vmem>>, vector<1x16xf32>,
      %parallel_loop3A_136 = arith.index_cast %parallel_loop3A_15 : i32 to index
      %parallel_loop3A_137 = arith.constant 112 : index
      %parallel_loop3A_138 = tpu.vector_load %arg12[%parallel_loop3A_136, %parallel_loop3A_137] {strides = array<i32>} : memref<64x768xf32, #tpu.memory_space<vmem>>, vector<1x16xf32>,
      %parallel_loop3A_139 = vector.shape_cast %parallel_loop3A_138 : vector<1x16xf32> to vector<16xf32>
      %parallel_loop3A_140 = arith.mulf %parallel_loop3A_19, %parallel_loop3A_139 : vector<16xf32>
      %parallel_loop3A_141 = arith.index_cast %parallel_loop3A_15 : i32 to index
      %parallel_loop3A_142 = arith.constant 112 : index
      %parallel_loop3A_143 = tpu.vector_load %arg13[%parallel_loop3A_141, %parallel_loop3A_142] {strides = array<i32>} : memref<64x768xf32, #tpu.memory_space<vmem>>, vector<1x16xf32>,
      %parallel_loop3A_144 = vector.shape_cast %parallel_loop3A_143 : vector<1x16xf32> to vector<16xf32>
      %parallel_loop3A_145 = arith.mulf %parallel_loop3A_23, %parallel_loop3A_144 : vector<16xf32>
      %parallel_loop3A_146 = arith.addf %parallel_loop3A_140, %parallel_loop3A_145 : vector<16xf32>
      %parallel_loop3A_147 = arith.index_cast %parallel_loop3A_15 : i32 to index
      %parallel_loop3A_148 = arith.constant 112 : index
      %parallel_loop3A_149 = tpu.vector_load %arg12[%parallel_loop3A_147, %parallel_loop3A_148] {strides = array<i32>} : memref<64x768xf32, #tpu.memory_space<vmem>>, vector<1x16xf32>,
      %parallel_loop3A_150 = vector.shape_cast %parallel_loop3A_149 : vector<1x16xf32> to vector<16xf32>
      %parallel_loop3A_151 = vector.shape_cast %parallel_loop3A_146 : vector<16xf32> to vector<1x16xf32>
      tpu.vector_store %arg12[%parallel_loop3A_147, %parallel_loop3A_148], %parallel_loop3A_151 {strides = array<i32>} : memref<64x768xf32, #tpu.memory_space<vmem>>, vector<1x16xf32>,
      %parallel_loop3A_152 = arith.index_cast %parallel_loop3A_15 : i32 to index
      %parallel_loop3A_153 = arith.constant 128 : index
      %parallel_loop3A_154 = tpu.vector_load %arg12[%parallel_loop3A_152, %parallel_loop3A_153] {strides = array<i32>} : memref<64x768xf32, #tpu.memory_space<vmem>>, vector<1x16xf32>,
      %parallel_loop3A_155 = vector.shape_cast %parallel_loop3A_154 : vector<1x16xf32> to vector<16xf32>
      %parallel_loop3A_156 = arith.mulf %parallel_loop3A_19, %parallel_loop3A_155 : vector<16xf32>
      %parallel_loop3A_157 = arith.index_cast %parallel_loop3A_15 : i32 to index
      %parallel_loop3A_158 = arith.constant 128 : index
      %parallel_loop3A_159 = tpu.vector_load %arg13[%parallel_loop3A_157, %parallel_loop3A_158] {strides = array<i32>} : memref<64x768xf32, #tpu.memory_space<vmem>>, vector<1x16xf32>,
      %parallel_loop3A_160 = vector.shape_cast %parallel_loop3A_159 : vector<1x16xf32> to vector<16xf32>
      %parallel_loop3A_161 = arith.mulf %parallel_loop3A_23, %parallel_loop3A_160 : vector<16xf32>
      %parallel_loop3A_162 = arith.addf %parallel_loop3A_156, %parallel_loop3A_161 : vector<16xf32>
      %parallel_loop3A_163 = arith.index_cast %parallel_loop3A_15 : i32 to index
      %parallel_loop3A_164 = arith.constant 128 : index
      %parallel_loop3A_165 = tpu.vector_load %arg12[%parallel_loop3A_163, %parallel_loop3A_164] {strides = array<i32>} : memref<64x768xf32, #tpu.memory_space<vmem>>, vector<1x16xf32>,
      %parallel_loop3A_166 = vector.shape_cast %parallel_loop3A_165 : vector<1x16xf32> to vector<16xf32>
      %parallel_loop3A_167 = vector.shape_cast %parallel_loop3A_162 : vector<16xf32> to vector<1x16xf32>
      tpu.vector_store %arg12[%parallel_loop3A_163, %parallel_loop3A_164], %parallel_loop3A_167 {strides = array<i32>} : memref<64x768xf32, #tpu.memory_space<vmem>>, vector<1x16xf32>,
      %parallel_loop3A_168 = arith.index_cast %parallel_loop3A_15 : i32 to index
      %parallel_loop3A_169 = arith.constant 144 : index
      %parallel_loop3A_170 = tpu.vector_load %arg12[%parallel_loop3A_168, %parallel_loop3A_169] {strides = array<i32>} : memref<64x768xf32, #tpu.memory_space<vmem>>, vector<1x16xf32>,
      %parallel_loop3A_171 = vector.shape_cast %parallel_loop3A_170 : vector<1x16xf32> to vector<16xf32>
      %parallel_loop3A_172 = arith.mulf %parallel_loop3A_19, %parallel_loop3A_171 : vector<16xf32>
      %parallel_loop3A_173 = arith.index_cast %parallel_loop3A_15 : i32 to index
      %parallel_loop3A_174 = arith.constant 144 : index
      %parallel_loop3A_175 = tpu.vector_load %arg13[%parallel_loop3A_173, %parallel_loop3A_174] {strides = array<i32>} : memref<64x768xf32, #tpu.memory_space<vmem>>, vector<1x16xf32>,
      %parallel_loop3A_176 = vector.shape_cast %parallel_loop3A_175 : vector<1x16xf32> to vector<16xf32>
      %parallel_loop3A_177 = arith.mulf %parallel_loop3A_23, %parallel_loop3A_176 : vector<16xf32>
      %parallel_loop3A_178 = arith.addf %parallel_loop3A_172, %parallel_loop3A_177 : vector<16xf32>
      %parallel_loop3A_179 = arith.index_cast %parallel_loop3A_15 : i32 to index
      %parallel_loop3A_180 = arith.constant 144 : index
      %parallel_loop3A_181 = tpu.vector_load %arg12[%parallel_loop3A_179, %parallel_loop3A_180] {strides = array<i32>} : memref<64x768xf32, #tpu.memory_space<vmem>>, vector<1x16xf32>,
      %parallel_loop3A_182 = vector.shape_cast %parallel_loop3A_181 : vector<1x16xf32> to vector<16xf32>
      %parallel_loop3A_183 = vector.shape_cast %parallel_loop3A_178 : vector<16xf32> to vector<1x16xf32>
      tpu.vector_store %arg12[%parallel_loop3A_179, %parallel_loop3A_180], %parallel_loop3A_183 {strides = array<i32>} : memref<64x768xf32, #tpu.memory_space<vmem>>, vector<1x16xf32>,
      %parallel_loop3A_184 = arith.index_cast %parallel_loop3A_15 : i32 to index
      %parallel_loop3A_185 = arith.constant 160 : index
      %parallel_loop3A_186 = tpu.vector_load %arg12[%parallel_loop3A_184, %parallel_loop3A_185] {strides = array<i32>} : memref<64x768xf32, #tpu.memory_space<vmem>>, vector<1x16xf32>,
      %parallel_loop3A_187 = vector.shape_cast %parallel_loop3A_186 : vector<1x16xf32> to vector<16xf32>
      %parallel_loop3A_188 = arith.mulf %parallel_loop3A_19, %parallel_loop3A_187 : vector<16xf32>
      %parallel_loop3A_189 = arith.index_cast %parallel_loop3A_15 : i32 to index
      %parallel_loop3A_190 = arith.constant 160 : index
      %parallel_loop3A_191 = tpu.vector_load %arg13[%parallel_loop3A_189, %parallel_loop3A_190] {strides = array<i32>} : memref<64x768xf32, #tpu.memory_space<vmem>>, vector<1x16xf32>,
      %parallel_loop3A_192 = vector.shape_cast %parallel_loop3A_191 : vector<1x16xf32> to vector<16xf32>
      %parallel_loop3A_193 = arith.mulf %parallel_loop3A_23, %parallel_loop3A_192 : vector<16xf32>
      %parallel_loop3A_194 = arith.addf %parallel_loop3A_188, %parallel_loop3A_193 : vector<16xf32>
      %parallel_loop3A_195 = arith.index_cast %parallel_loop3A_15 : i32 to index
      %parallel_loop3A_196 = arith.constant 160 : index
      %parallel_loop3A_197 = tpu.vector_load %arg12[%parallel_loop3A_195, %parallel_loop3A_196] {strides = array<i32>} : memref<64x768xf32, #tpu.memory_space<vmem>>, vector<1x16xf32>,
      %parallel_loop3A_198 = vector.shape_cast %parallel_loop3A_197 : vector<1x16xf32> to vector<16xf32>
      %parallel_loop3A_199 = vector.shape_cast %parallel_loop3A_194 : vector<16xf32> to vector<1x16xf32>
      tpu.vector_store %arg12[%parallel_loop3A_195, %parallel_loop3A_196], %parallel_loop3A_199 {strides = array<i32>} : memref<64x768xf32, #tpu.memory_space<vmem>>, vector<1x16xf32>,
      %parallel_loop3A_200 = arith.index_cast %parallel_loop3A_15 : i32 to index
      %parallel_loop3A_201 = arith.constant 176 : index
      %parallel_loop3A_202 = tpu.vector_load %arg12[%parallel_loop3A_200, %parallel_loop3A_201] {strides = array<i32>} : memref<64x768xf32, #tpu.memory_space<vmem>>, vector<1x16xf32>,
      %parallel_loop3A_203 = vector.shape_cast %parallel_loop3A_202 : vector<1x16xf32> to vector<16xf32>
      %parallel_loop3A_204 = arith.mulf %parallel_loop3A_19, %parallel_loop3A_203 : vector<16xf32>
      %parallel_loop3A_205 = arith.index_cast %parallel_loop3A_15 : i32 to index
      %parallel_loop3A_206 = arith.constant 176 : index
      %parallel_loop3A_207 = tpu.vector_load %arg13[%parallel_loop3A_205, %parallel_loop3A_206] {strides = array<i32>} : memref<64x768xf32, #tpu.memory_space<vmem>>, vector<1x16xf32>,
      %parallel_loop3A_208 = vector.shape_cast %parallel_loop3A_207 : vector<1x16xf32> to vector<16xf32>
      %parallel_loop3A_209 = arith.mulf %parallel_loop3A_23, %parallel_loop3A_208 : vector<16xf32>
      %parallel_loop3A_210 = arith.addf %parallel_loop3A_204, %parallel_loop3A_209 : vector<16xf32>
      %parallel_loop3A_211 = arith.index_cast %parallel_loop3A_15 : i32 to index
      %parallel_loop3A_212 = arith.constant 176 : index
      %parallel_loop3A_213 = tpu.vector_load %arg12[%parallel_loop3A_211, %parallel_loop3A_212] {strides = array<i32>} : memref<64x768xf32, #tpu.memory_space<vmem>>, vector<1x16xf32>,
      %parallel_loop3A_214 = vector.shape_cast %parallel_loop3A_213 : vector<1x16xf32> to vector<16xf32>
      %parallel_loop3A_215 = vector.shape_cast %parallel_loop3A_210 : vector<16xf32> to vector<1x16xf32>
      tpu.vector_store %arg12[%parallel_loop3A_211, %parallel_loop3A_212], %parallel_loop3A_215 {strides = array<i32>} : memref<64x768xf32, #tpu.memory_space<vmem>>, vector<1x16xf32>,
      %parallel_loop3A_216 = arith.index_cast %parallel_loop3A_15 : i32 to index
      %parallel_loop3A_217 = arith.constant 192 : index
      %parallel_loop3A_218 = tpu.vector_load %arg12[%parallel_loop3A_216, %parallel_loop3A_217] {strides = array<i32>} : memref<64x768xf32, #tpu.memory_space<vmem>>, vector<1x16xf32>,
      %parallel_loop3A_219 = vector.shape_cast %parallel_loop3A_218 : vector<1x16xf32> to vector<16xf32>
      %parallel_loop3A_220 = arith.mulf %parallel_loop3A_19, %parallel_loop3A_219 : vector<16xf32>
      %parallel_loop3A_221 = arith.index_cast %parallel_loop3A_15 : i32 to index
      %parallel_loop3A_222 = arith.constant 192 : index
      %parallel_loop3A_223 = tpu.vector_load %arg13[%parallel_loop3A_221, %parallel_loop3A_222] {strides = array<i32>} : memref<64x768xf32, #tpu.memory_space<vmem>>, vector<1x16xf32>,
      %parallel_loop3A_224 = vector.shape_cast %parallel_loop3A_223 : vector<1x16xf32> to vector<16xf32>
      %parallel_loop3A_225 = arith.mulf %parallel_loop3A_23, %parallel_loop3A_224 : vector<16xf32>
      %parallel_loop3A_226 = arith.addf %parallel_loop3A_220, %parallel_loop3A_225 : vector<16xf32>
      %parallel_loop3A_227 = arith.index_cast %parallel_loop3A_15 : i32 to index
      %parallel_loop3A_228 = arith.constant 192 : index
      %parallel_loop3A_229 = tpu.vector_load %arg12[%parallel_loop3A_227, %parallel_loop3A_228] {strides = array<i32>} : memref<64x768xf32, #tpu.memory_space<vmem>>, vector<1x16xf32>,
      %parallel_loop3A_230 = vector.shape_cast %parallel_loop3A_229 : vector<1x16xf32> to vector<16xf32>
      %parallel_loop3A_231 = vector.shape_cast %parallel_loop3A_226 : vector<16xf32> to vector<1x16xf32>
      tpu.vector_store %arg12[%parallel_loop3A_227, %parallel_loop3A_228], %parallel_loop3A_231 {strides = array<i32>} : memref<64x768xf32, #tpu.memory_space<vmem>>, vector<1x16xf32>,
      %parallel_loop3A_232 = arith.index_cast %parallel_loop3A_15 : i32 to index
      %parallel_loop3A_233 = arith.constant 208 : index
      %parallel_loop3A_234 = tpu.vector_load %arg12[%parallel_loop3A_232, %parallel_loop3A_233] {strides = array<i32>} : memref<64x768xf32, #tpu.memory_space<vmem>>, vector<1x16xf32>,
      %parallel_loop3A_235 = vector.shape_cast %parallel_loop3A_234 : vector<1x16xf32> to vector<16xf32>
      %parallel_loop3A_236 = arith.mulf %parallel_loop3A_19, %parallel_loop3A_235 : vector<16xf32>
      %parallel_loop3A_237 = arith.index_cast %parallel_loop3A_15 : i32 to index
      %parallel_loop3A_238 = arith.constant 208 : index
      %parallel_loop3A_239 = tpu.vector_load %arg13[%parallel_loop3A_237, %parallel_loop3A_238] {strides = array<i32>} : memref<64x768xf32, #tpu.memory_space<vmem>>, vector<1x16xf32>,
      %parallel_loop3A_240 = vector.shape_cast %parallel_loop3A_239 : vector<1x16xf32> to vector<16xf32>
      %parallel_loop3A_241 = arith.mulf %parallel_loop3A_23, %parallel_loop3A_240 : vector<16xf32>
      %parallel_loop3A_242 = arith.addf %parallel_loop3A_236, %parallel_loop3A_241 : vector<16xf32>
      %parallel_loop3A_243 = arith.index_cast %parallel_loop3A_15 : i32 to index
      %parallel_loop3A_244 = arith.constant 208 : index
      %parallel_loop3A_245 = tpu.vector_load %arg12[%parallel_loop3A_243, %parallel_loop3A_244] {strides = array<i32>} : memref<64x768xf32, #tpu.memory_space<vmem>>, vector<1x16xf32>,
      %parallel_loop3A_246 = vector.shape_cast %parallel_loop3A_245 : vector<1x16xf32> to vector<16xf32>
      %parallel_loop3A_247 = vector.shape_cast %parallel_loop3A_242 : vector<16xf32> to vector<1x16xf32>
      tpu.vector_store %arg12[%parallel_loop3A_243, %parallel_loop3A_244], %parallel_loop3A_247 {strides = array<i32>} : memref<64x768xf32, #tpu.memory_space<vmem>>, vector<1x16xf32>,
      %parallel_loop3A_248 = arith.index_cast %parallel_loop3A_15 : i32 to index
      %parallel_loop3A_249 = arith.constant 224 : index
      %parallel_loop3A_250 = tpu.vector_load %arg12[%parallel_loop3A_248, %parallel_loop3A_249] {strides = array<i32>} : memref<64x768xf32, #tpu.memory_space<vmem>>, vector<1x16xf32>,
      %parallel_loop3A_251 = vector.shape_cast %parallel_loop3A_250 : vector<1x16xf32> to vector<16xf32>
      %parallel_loop3A_252 = arith.mulf %parallel_loop3A_19, %parallel_loop3A_251 : vector<16xf32>
      %parallel_loop3A_253 = arith.index_cast %parallel_loop3A_15 : i32 to index
      %parallel_loop3A_254 = arith.constant 224 : index
      %parallel_loop3A_255 = tpu.vector_load %arg13[%parallel_loop3A_253, %parallel_loop3A_254] {strides = array<i32>} : memref<64x768xf32, #tpu.memory_space<vmem>>, vector<1x16xf32>,
      %parallel_loop3A_256 = vector.shape_cast %parallel_loop3A_255 : vector<1x16xf32> to vector<16xf32>
      %parallel_loop3A_257 = arith.mulf %parallel_loop3A_23, %parallel_loop3A_256 : vector<16xf32>
      %parallel_loop3A_258 = arith.addf %parallel_loop3A_252, %parallel_loop3A_257 : vector<16xf32>
      %parallel_loop3A_259 = arith.index_cast %parallel_loop3A_15 : i32 to index
      %parallel_loop3A_260 = arith.constant 224 : index
      %parallel_loop3A_261 = tpu.vector_load %arg12[%parallel_loop3A_259, %parallel_loop3A_260] {strides = array<i32>} : memref<64x768xf32, #tpu.memory_space<vmem>>, vector<1x16xf32>,
      %parallel_loop3A_262 = vector.shape_cast %parallel_loop3A_261 : vector<1x16xf32> to vector<16xf32>
      %parallel_loop3A_263 = vector.shape_cast %parallel_loop3A_258 : vector<16xf32> to vector<1x16xf32>
      tpu.vector_store %arg12[%parallel_loop3A_259, %parallel_loop3A_260], %parallel_loop3A_263 {strides = array<i32>} : memref<64x768xf32, #tpu.memory_space<vmem>>, vector<1x16xf32>,
      %parallel_loop3A_264 = arith.index_cast %parallel_loop3A_15 : i32 to index
      %parallel_loop3A_265 = arith.constant 240 : index
      %parallel_loop3A_266 = tpu.vector_load %arg12[%parallel_loop3A_264, %parallel_loop3A_265] {strides = array<i32>} : memref<64x768xf32, #tpu.memory_space<vmem>>, vector<1x16xf32>,
      %parallel_loop3A_267 = vector.shape_cast %parallel_loop3A_266 : vector<1x16xf32> to vector<16xf32>
      %parallel_loop3A_268 = arith.mulf %parallel_loop3A_19, %parallel_loop3A_267 : vector<16xf32>
      %parallel_loop3A_269 = arith.index_cast %parallel_loop3A_15 : i32 to index
      %parallel_loop3A_270 = arith.constant 240 : index
      %parallel_loop3A_271 = tpu.vector_load %arg13[%parallel_loop3A_269, %parallel_loop3A_270] {strides = array<i32>} : memref<64x768xf32, #tpu.memory_space<vmem>>, vector<1x16xf32>,
      %parallel_loop3A_272 = vector.shape_cast %parallel_loop3A_271 : vector<1x16xf32> to vector<16xf32>
      %parallel_loop3A_273 = arith.mulf %parallel_loop3A_23, %parallel_loop3A_272 : vector<16xf32>
      %parallel_loop3A_274 = arith.addf %parallel_loop3A_268, %parallel_loop3A_273 : vector<16xf32>
      %parallel_loop3A_275 = arith.index_cast %parallel_loop3A_15 : i32 to index
      %parallel_loop3A_276 = arith.constant 240 : index
      %parallel_loop3A_277 = tpu.vector_load %arg12[%parallel_loop3A_275, %parallel_loop3A_276] {strides = array<i32>} : memref<64x768xf32, #tpu.memory_space<vmem>>, vector<1x16xf32>,
      %parallel_loop3A_278 = vector.shape_cast %parallel_loop3A_277 : vector<1x16xf32> to vector<16xf32>
      %parallel_loop3A_279 = vector.shape_cast %parallel_loop3A_274 : vector<16xf32> to vector<1x16xf32>
      tpu.vector_store %arg12[%parallel_loop3A_275, %parallel_loop3A_276], %parallel_loop3A_279 {strides = array<i32>} : memref<64x768xf32, #tpu.memory_space<vmem>>, vector<1x16xf32>,
      %parallel_loop3A_280 = arith.index_cast %parallel_loop3A_15 : i32 to index
      %parallel_loop3A_281 = arith.constant 256 : index
      %parallel_loop3A_282 = tpu.vector_load %arg12[%parallel_loop3A_280, %parallel_loop3A_281] {strides = array<i32>} : memref<64x768xf32, #tpu.memory_space<vmem>>, vector<1x16xf32>,
      %parallel_loop3A_283 = vector.shape_cast %parallel_loop3A_282 : vector<1x16xf32> to vector<16xf32>
      %parallel_loop3A_284 = arith.mulf %parallel_loop3A_19, %parallel_loop3A_283 : vector<16xf32>
      %parallel_loop3A_285 = arith.index_cast %parallel_loop3A_15 : i32 to index
      %parallel_loop3A_286 = arith.constant 256 : index
      %parallel_loop3A_287 = tpu.vector_load %arg13[%parallel_loop3A_285, %parallel_loop3A_286] {strides = array<i32>} : memref<64x768xf32, #tpu.memory_space<vmem>>, vector<1x16xf32>,
      %parallel_loop3A_288 = vector.shape_cast %parallel_loop3A_287 : vector<1x16xf32> to vector<16xf32>
      %parallel_loop3A_289 = arith.mulf %parallel_loop3A_23, %parallel_loop3A_288 : vector<16xf32>
      %parallel_loop3A_290 = arith.addf %parallel_loop3A_284, %parallel_loop3A_289 : vector<16xf32>
      %parallel_loop3A_291 = arith.index_cast %parallel_loop3A_15 : i32 to index
      %parallel_loop3A_292 = arith.constant 256 : index
      %parallel_loop3A_293 = tpu.vector_load %arg12[%parallel_loop3A_291, %parallel_loop3A_292] {strides = array<i32>} : memref<64x768xf32, #tpu.memory_space<vmem>>, vector<1x16xf32>,
      %parallel_loop3A_294 = vector.shape_cast %parallel_loop3A_293 : vector<1x16xf32> to vector<16xf32>
      %parallel_loop3A_295 = vector.shape_cast %parallel_loop3A_290 : vector<16xf32> to vector<1x16xf32>
      tpu.vector_store %arg12[%parallel_loop3A_291, %parallel_loop3A_292], %parallel_loop3A_295 {strides = array<i32>} : memref<64x768xf32, #tpu.memory_space<vmem>>, vector<1x16xf32>,
      %parallel_loop3A_296 = arith.index_cast %parallel_loop3A_15 : i32 to index
      %parallel_loop3A_297 = arith.constant 272 : index
      %parallel_loop3A_298 = tpu.vector_load %arg12[%parallel_loop3A_296, %parallel_loop3A_297] {strides = array<i32>} : memref<64x768xf32, #tpu.memory_space<vmem>>, vector<1x16xf32>,
      %parallel_loop3A_299 = vector.shape_cast %parallel_loop3A_298 : vector<1x16xf32> to vector<16xf32>
      %parallel_loop3A_300 = arith.mulf %parallel_loop3A_19, %parallel_loop3A_299 : vector<16xf32>
      %parallel_loop3A_301 = arith.index_cast %parallel_loop3A_15 : i32 to index
      %parallel_loop3A_302 = arith.constant 272 : index
      %parallel_loop3A_303 = tpu.vector_load %arg13[%parallel_loop3A_301, %parallel_loop3A_302] {strides = array<i32>} : memref<64x768xf32, #tpu.memory_space<vmem>>, vector<1x16xf32>,
      %parallel_loop3A_304 = vector.shape_cast %parallel_loop3A_303 : vector<1x16xf32> to vector<16xf32>
      %parallel_loop3A_305 = arith.mulf %parallel_loop3A_23, %parallel_loop3A_304 : vector<16xf32>
      %parallel_loop3A_306 = arith.addf %parallel_loop3A_300, %parallel_loop3A_305 : vector<16xf32>
      %parallel_loop3A_307 = arith.index_cast %parallel_loop3A_15 : i32 to index
      %parallel_loop3A_308 = arith.constant 272 : index
      %parallel_loop3A_309 = tpu.vector_load %arg12[%parallel_loop3A_307, %parallel_loop3A_308] {strides = array<i32>} : memref<64x768xf32, #tpu.memory_space<vmem>>, vector<1x16xf32>,
      %parallel_loop3A_310 = vector.shape_cast %parallel_loop3A_309 : vector<1x16xf32> to vector<16xf32>
      %parallel_loop3A_311 = vector.shape_cast %parallel_loop3A_306 : vector<16xf32> to vector<1x16xf32>
      tpu.vector_store %arg12[%parallel_loop3A_307, %parallel_loop3A_308], %parallel_loop3A_311 {strides = array<i32>} : memref<64x768xf32, #tpu.memory_space<vmem>>, vector<1x16xf32>,
      %parallel_loop3A_312 = arith.index_cast %parallel_loop3A_15 : i32 to index
      %parallel_loop3A_313 = arith.constant 288 : index
      %parallel_loop3A_314 = tpu.vector_load %arg12[%parallel_loop3A_312, %parallel_loop3A_313] {strides = array<i32>} : memref<64x768xf32, #tpu.memory_space<vmem>>, vector<1x16xf32>,
      %parallel_loop3A_315 = vector.shape_cast %parallel_loop3A_314 : vector<1x16xf32> to vector<16xf32>
      %parallel_loop3A_316 = arith.mulf %parallel_loop3A_19, %parallel_loop3A_315 : vector<16xf32>
      %parallel_loop3A_317 = arith.index_cast %parallel_loop3A_15 : i32 to index
      %parallel_loop3A_318 = arith.constant 288 : index
      %parallel_loop3A_319 = tpu.vector_load %arg13[%parallel_loop3A_317, %parallel_loop3A_318] {strides = array<i32>} : memref<64x768xf32, #tpu.memory_space<vmem>>, vector<1x16xf32>,
      %parallel_loop3A_320 = vector.shape_cast %parallel_loop3A_319 : vector<1x16xf32> to vector<16xf32>
      %parallel_loop3A_321 = arith.mulf %parallel_loop3A_23, %parallel_loop3A_320 : vector<16xf32>
      %parallel_loop3A_322 = arith.addf %parallel_loop3A_316, %parallel_loop3A_321 : vector<16xf32>
      %parallel_loop3A_323 = arith.index_cast %parallel_loop3A_15 : i32 to index
      %parallel_loop3A_324 = arith.constant 288 : index
      %parallel_loop3A_325 = tpu.vector_load %arg12[%parallel_loop3A_323, %parallel_loop3A_324] {strides = array<i32>} : memref<64x768xf32, #tpu.memory_space<vmem>>, vector<1x16xf32>,
      %parallel_loop3A_326 = vector.shape_cast %parallel_loop3A_325 : vector<1x16xf32> to vector<16xf32>
      %parallel_loop3A_327 = vector.shape_cast %parallel_loop3A_322 : vector<16xf32> to vector<1x16xf32>
      tpu.vector_store %arg12[%parallel_loop3A_323, %parallel_loop3A_324], %parallel_loop3A_327 {strides = array<i32>} : memref<64x768xf32, #tpu.memory_space<vmem>>, vector<1x16xf32>,
      %parallel_loop3A_328 = arith.index_cast %parallel_loop3A_15 : i32 to index
      %parallel_loop3A_329 = arith.constant 304 : index
      %parallel_loop3A_330 = tpu.vector_load %arg12[%parallel_loop3A_328, %parallel_loop3A_329] {strides = array<i32>} : memref<64x768xf32, #tpu.memory_space<vmem>>, vector<1x16xf32>,
      %parallel_loop3A_331 = vector.shape_cast %parallel_loop3A_330 : vector<1x16xf32> to vector<16xf32>
      %parallel_loop3A_332 = arith.mulf %parallel_loop3A_19, %parallel_loop3A_331 : vector<16xf32>
      %parallel_loop3A_333 = arith.index_cast %parallel_loop3A_15 : i32 to index
      %parallel_loop3A_334 = arith.constant 304 : index
      %parallel_loop3A_335 = tpu.vector_load %arg13[%parallel_loop3A_333, %parallel_loop3A_334] {strides = array<i32>} : memref<64x768xf32, #tpu.memory_space<vmem>>, vector<1x16xf32>,
      %parallel_loop3A_336 = vector.shape_cast %parallel_loop3A_335 : vector<1x16xf32> to vector<16xf32>
      %parallel_loop3A_337 = arith.mulf %parallel_loop3A_23, %parallel_loop3A_336 : vector<16xf32>
      %parallel_loop3A_338 = arith.addf %parallel_loop3A_332, %parallel_loop3A_337 : vector<16xf32>
      %parallel_loop3A_339 = arith.index_cast %parallel_loop3A_15 : i32 to index
      %parallel_loop3A_340 = arith.constant 304 : index
      %parallel_loop3A_341 = tpu.vector_load %arg12[%parallel_loop3A_339, %parallel_loop3A_340] {strides = array<i32>} : memref<64x768xf32, #tpu.memory_space<vmem>>, vector<1x16xf32>,
      %parallel_loop3A_342 = vector.shape_cast %parallel_loop3A_341 : vector<1x16xf32> to vector<16xf32>
      %parallel_loop3A_343 = vector.shape_cast %parallel_loop3A_338 : vector<16xf32> to vector<1x16xf32>
      tpu.vector_store %arg12[%parallel_loop3A_339, %parallel_loop3A_340], %parallel_loop3A_343 {strides = array<i32>} : memref<64x768xf32, #tpu.memory_space<vmem>>, vector<1x16xf32>,
      %parallel_loop3A_344 = arith.index_cast %parallel_loop3A_15 : i32 to index
      %parallel_loop3A_345 = arith.constant 320 : index
      %parallel_loop3A_346 = tpu.vector_load %arg12[%parallel_loop3A_344, %parallel_loop3A_345] {strides = array<i32>} : memref<64x768xf32, #tpu.memory_space<vmem>>, vector<1x16xf32>,
      %parallel_loop3A_347 = vector.shape_cast %parallel_loop3A_346 : vector<1x16xf32> to vector<16xf32>
      %parallel_loop3A_348 = arith.mulf %parallel_loop3A_19, %parallel_loop3A_347 : vector<16xf32>
      %parallel_loop3A_349 = arith.index_cast %parallel_loop3A_15 : i32 to index
      %parallel_loop3A_350 = arith.constant 320 : index
      %parallel_loop3A_351 = tpu.vector_load %arg13[%parallel_loop3A_349, %parallel_loop3A_350] {strides = array<i32>} : memref<64x768xf32, #tpu.memory_space<vmem>>, vector<1x16xf32>,
      %parallel_loop3A_352 = vector.shape_cast %parallel_loop3A_351 : vector<1x16xf32> to vector<16xf32>
      %parallel_loop3A_353 = arith.mulf %parallel_loop3A_23, %parallel_loop3A_352 : vector<16xf32>
      %parallel_loop3A_354 = arith.addf %parallel_loop3A_348, %parallel_loop3A_353 : vector<16xf32>
      %parallel_loop3A_355 = arith.index_cast %parallel_loop3A_15 : i32 to index
      %parallel_loop3A_356 = arith.constant 320 : index
      %parallel_loop3A_357 = tpu.vector_load %arg12[%parallel_loop3A_355, %parallel_loop3A_356] {strides = array<i32>} : memref<64x768xf32, #tpu.memory_space<vmem>>, vector<1x16xf32>,
      %parallel_loop3A_358 = vector.shape_cast %parallel_loop3A_357 : vector<1x16xf32> to vector<16xf32>
      %parallel_loop3A_359 = vector.shape_cast %parallel_loop3A_354 : vector<16xf32> to vector<1x16xf32>
      tpu.vector_store %arg12[%parallel_loop3A_355, %parallel_loop3A_356], %parallel_loop3A_359 {strides = array<i32>} : memref<64x768xf32, #tpu.memory_space<vmem>>, vector<1x16xf32>,
      %parallel_loop3A_360 = arith.index_cast %parallel_loop3A_15 : i32 to index
      %parallel_loop3A_361 = arith.constant 336 : index
      %parallel_loop3A_362 = tpu.vector_load %arg12[%parallel_loop3A_360, %parallel_loop3A_361] {strides = array<i32>} : memref<64x768xf32, #tpu.memory_space<vmem>>, vector<1x16xf32>,
      %parallel_loop3A_363 = vector.shape_cast %parallel_loop3A_362 : vector<1x16xf32> to vector<16xf32>
      %parallel_loop3A_364 = arith.mulf %parallel_loop3A_19, %parallel_loop3A_363 : vector<16xf32>
      %parallel_loop3A_365 = arith.index_cast %parallel_loop3A_15 : i32 to index
      %parallel_loop3A_366 = arith.constant 336 : index
      %parallel_loop3A_367 = tpu.vector_load %arg13[%parallel_loop3A_365, %parallel_loop3A_366] {strides = array<i32>} : memref<64x768xf32, #tpu.memory_space<vmem>>, vector<1x16xf32>,
      %parallel_loop3A_368 = vector.shape_cast %parallel_loop3A_367 : vector<1x16xf32> to vector<16xf32>
      %parallel_loop3A_369 = arith.mulf %parallel_loop3A_23, %parallel_loop3A_368 : vector<16xf32>
      %parallel_loop3A_370 = arith.addf %parallel_loop3A_364, %parallel_loop3A_369 : vector<16xf32>
      %parallel_loop3A_371 = arith.index_cast %parallel_loop3A_15 : i32 to index
      %parallel_loop3A_372 = arith.constant 336 : index
      %parallel_loop3A_373 = tpu.vector_load %arg12[%parallel_loop3A_371, %parallel_loop3A_372] {strides = array<i32>} : memref<64x768xf32, #tpu.memory_space<vmem>>, vector<1x16xf32>,
      %parallel_loop3A_374 = vector.shape_cast %parallel_loop3A_373 : vector<1x16xf32> to vector<16xf32>
      %parallel_loop3A_375 = vector.shape_cast %parallel_loop3A_370 : vector<16xf32> to vector<1x16xf32>
      tpu.vector_store %arg12[%parallel_loop3A_371, %parallel_loop3A_372], %parallel_loop3A_375 {strides = array<i32>} : memref<64x768xf32, #tpu.memory_space<vmem>>, vector<1x16xf32>,
      %parallel_loop3A_376 = arith.index_cast %parallel_loop3A_15 : i32 to index
      %parallel_loop3A_377 = arith.constant 352 : index
      %parallel_loop3A_378 = tpu.vector_load %arg12[%parallel_loop3A_376, %parallel_loop3A_377] {strides = array<i32>} : memref<64x768xf32, #tpu.memory_space<vmem>>, vector<1x16xf32>,
      %parallel_loop3A_379 = vector.shape_cast %parallel_loop3A_378 : vector<1x16xf32> to vector<16xf32>
      %parallel_loop3A_380 = arith.mulf %parallel_loop3A_19, %parallel_loop3A_379 : vector<16xf32>
      %parallel_loop3A_381 = arith.index_cast %parallel_loop3A_15 : i32 to index
      %parallel_loop3A_382 = arith.constant 352 : index
      %parallel_loop3A_383 = tpu.vector_load %arg13[%parallel_loop3A_381, %parallel_loop3A_382] {strides = array<i32>} : memref<64x768xf32, #tpu.memory_space<vmem>>, vector<1x16xf32>,
      %parallel_loop3A_384 = vector.shape_cast %parallel_loop3A_383 : vector<1x16xf32> to vector<16xf32>
      %parallel_loop3A_385 = arith.mulf %parallel_loop3A_23, %parallel_loop3A_384 : vector<16xf32>
      %parallel_loop3A_386 = arith.addf %parallel_loop3A_380, %parallel_loop3A_385 : vector<16xf32>
      %parallel_loop3A_387 = arith.index_cast %parallel_loop3A_15 : i32 to index
      %parallel_loop3A_388 = arith.constant 352 : index
      %parallel_loop3A_389 = tpu.vector_load %arg12[%parallel_loop3A_387, %parallel_loop3A_388] {strides = array<i32>} : memref<64x768xf32, #tpu.memory_space<vmem>>, vector<1x16xf32>,
      %parallel_loop3A_390 = vector.shape_cast %parallel_loop3A_389 : vector<1x16xf32> to vector<16xf32>
      %parallel_loop3A_391 = vector.shape_cast %parallel_loop3A_386 : vector<16xf32> to vector<1x16xf32>
      tpu.vector_store %arg12[%parallel_loop3A_387, %parallel_loop3A_388], %parallel_loop3A_391 {strides = array<i32>} : memref<64x768xf32, #tpu.memory_space<vmem>>, vector<1x16xf32>,
      %parallel_loop3A_392 = arith.index_cast %parallel_loop3A_15 : i32 to index
      %parallel_loop3A_393 = arith.constant 368 : index
      %parallel_loop3A_394 = tpu.vector_load %arg12[%parallel_loop3A_392, %parallel_loop3A_393] {strides = array<i32>} : memref<64x768xf32, #tpu.memory_space<vmem>>, vector<1x16xf32>,
      %parallel_loop3A_395 = vector.shape_cast %parallel_loop3A_394 : vector<1x16xf32> to vector<16xf32>
      %parallel_loop3A_396 = arith.mulf %parallel_loop3A_19, %parallel_loop3A_395 : vector<16xf32>
      %parallel_loop3A_397 = arith.index_cast %parallel_loop3A_15 : i32 to index
      %parallel_loop3A_398 = arith.constant 368 : index
      %parallel_loop3A_399 = tpu.vector_load %arg13[%parallel_loop3A_397, %parallel_loop3A_398] {strides = array<i32>} : memref<64x768xf32, #tpu.memory_space<vmem>>, vector<1x16xf32>,
      %parallel_loop3A_400 = vector.shape_cast %parallel_loop3A_399 : vector<1x16xf32> to vector<16xf32>
      %parallel_loop3A_401 = arith.mulf %parallel_loop3A_23, %parallel_loop3A_400 : vector<16xf32>
      %parallel_loop3A_402 = arith.addf %parallel_loop3A_396, %parallel_loop3A_401 : vector<16xf32>
      %parallel_loop3A_403 = arith.index_cast %parallel_loop3A_15 : i32 to index
      %parallel_loop3A_404 = arith.constant 368 : index
      %parallel_loop3A_405 = tpu.vector_load %arg12[%parallel_loop3A_403, %parallel_loop3A_404] {strides = array<i32>} : memref<64x768xf32, #tpu.memory_space<vmem>>, vector<1x16xf32>,
      %parallel_loop3A_406 = vector.shape_cast %parallel_loop3A_405 : vector<1x16xf32> to vector<16xf32>
      %parallel_loop3A_407 = vector.shape_cast %parallel_loop3A_402 : vector<16xf32> to vector<1x16xf32>
      tpu.vector_store %arg12[%parallel_loop3A_403, %parallel_loop3A_404], %parallel_loop3A_407 {strides = array<i32>} : memref<64x768xf32, #tpu.memory_space<vmem>>, vector<1x16xf32>,
      %parallel_loop3A_408 = arith.index_cast %parallel_loop3A_15 : i32 to index
      %parallel_loop3A_409 = arith.constant 384 : index
      %parallel_loop3A_410 = tpu.vector_load %arg12[%parallel_loop3A_408, %parallel_loop3A_409] {strides = array<i32>} : memref<64x768xf32, #tpu.memory_space<vmem>>, vector<1x16xf32>,
      %parallel_loop3A_411 = vector.shape_cast %parallel_loop3A_410 : vector<1x16xf32> to vector<16xf32>
      %parallel_loop3A_412 = arith.mulf %parallel_loop3A_19, %parallel_loop3A_411 : vector<16xf32>
      %parallel_loop3A_413 = arith.index_cast %parallel_loop3A_15 : i32 to index
      %parallel_loop3A_414 = arith.constant 384 : index
      %parallel_loop3A_415 = tpu.vector_load %arg13[%parallel_loop3A_413, %parallel_loop3A_414] {strides = array<i32>} : memref<64x768xf32, #tpu.memory_space<vmem>>, vector<1x16xf32>,
      %parallel_loop3A_416 = vector.shape_cast %parallel_loop3A_415 : vector<1x16xf32> to vector<16xf32>
      %parallel_loop3A_417 = arith.mulf %parallel_loop3A_23, %parallel_loop3A_416 : vector<16xf32>
      %parallel_loop3A_418 = arith.addf %parallel_loop3A_412, %parallel_loop3A_417 : vector<16xf32>
      %parallel_loop3A_419 = arith.index_cast %parallel_loop3A_15 : i32 to index
      %parallel_loop3A_420 = arith.constant 384 : index
      %parallel_loop3A_421 = tpu.vector_load %arg12[%parallel_loop3A_419, %parallel_loop3A_420] {strides = array<i32>} : memref<64x768xf32, #tpu.memory_space<vmem>>, vector<1x16xf32>,
      %parallel_loop3A_422 = vector.shape_cast %parallel_loop3A_421 : vector<1x16xf32> to vector<16xf32>
      %parallel_loop3A_423 = vector.shape_cast %parallel_loop3A_418 : vector<16xf32> to vector<1x16xf32>
      tpu.vector_store %arg12[%parallel_loop3A_419, %parallel_loop3A_420], %parallel_loop3A_423 {strides = array<i32>} : memref<64x768xf32, #tpu.memory_space<vmem>>, vector<1x16xf32>,
      %parallel_loop3A_424 = arith.index_cast %parallel_loop3A_15 : i32 to index
      %parallel_loop3A_425 = arith.constant 400 : index
      %parallel_loop3A_426 = tpu.vector_load %arg12[%parallel_loop3A_424, %parallel_loop3A_425] {strides = array<i32>} : memref<64x768xf32, #tpu.memory_space<vmem>>, vector<1x16xf32>,
      %parallel_loop3A_427 = vector.shape_cast %parallel_loop3A_426 : vector<1x16xf32> to vector<16xf32>
      %parallel_loop3A_428 = arith.mulf %parallel_loop3A_19, %parallel_loop3A_427 : vector<16xf32>
      %parallel_loop3A_429 = arith.index_cast %parallel_loop3A_15 : i32 to index
      %parallel_loop3A_430 = arith.constant 400 : index
      %parallel_loop3A_431 = tpu.vector_load %arg13[%parallel_loop3A_429, %parallel_loop3A_430] {strides = array<i32>} : memref<64x768xf32, #tpu.memory_space<vmem>>, vector<1x16xf32>,
      %parallel_loop3A_432 = vector.shape_cast %parallel_loop3A_431 : vector<1x16xf32> to vector<16xf32>
      %parallel_loop3A_433 = arith.mulf %parallel_loop3A_23, %parallel_loop3A_432 : vector<16xf32>
      %parallel_loop3A_434 = arith.addf %parallel_loop3A_428, %parallel_loop3A_433 : vector<16xf32>
      %parallel_loop3A_435 = arith.index_cast %parallel_loop3A_15 : i32 to index
      %parallel_loop3A_436 = arith.constant 400 : index
      %parallel_loop3A_437 = tpu.vector_load %arg12[%parallel_loop3A_435, %parallel_loop3A_436] {strides = array<i32>} : memref<64x768xf32, #tpu.memory_space<vmem>>, vector<1x16xf32>,
      %parallel_loop3A_438 = vector.shape_cast %parallel_loop3A_437 : vector<1x16xf32> to vector<16xf32>
      %parallel_loop3A_439 = vector.shape_cast %parallel_loop3A_434 : vector<16xf32> to vector<1x16xf32>
      tpu.vector_store %arg12[%parallel_loop3A_435, %parallel_loop3A_436], %parallel_loop3A_439 {strides = array<i32>} : memref<64x768xf32, #tpu.memory_space<vmem>>, vector<1x16xf32>,
      %parallel_loop3A_440 = arith.index_cast %parallel_loop3A_15 : i32 to index
      %parallel_loop3A_441 = arith.constant 416 : index
      %parallel_loop3A_442 = tpu.vector_load %arg12[%parallel_loop3A_440, %parallel_loop3A_441] {strides = array<i32>} : memref<64x768xf32, #tpu.memory_space<vmem>>, vector<1x16xf32>,
      %parallel_loop3A_443 = vector.shape_cast %parallel_loop3A_442 : vector<1x16xf32> to vector<16xf32>
      %parallel_loop3A_444 = arith.mulf %parallel_loop3A_19, %parallel_loop3A_443 : vector<16xf32>
      %parallel_loop3A_445 = arith.index_cast %parallel_loop3A_15 : i32 to index
      %parallel_loop3A_446 = arith.constant 416 : index
      %parallel_loop3A_447 = tpu.vector_load %arg13[%parallel_loop3A_445, %parallel_loop3A_446] {strides = array<i32>} : memref<64x768xf32, #tpu.memory_space<vmem>>, vector<1x16xf32>,
      %parallel_loop3A_448 = vector.shape_cast %parallel_loop3A_447 : vector<1x16xf32> to vector<16xf32>
      %parallel_loop3A_449 = arith.mulf %parallel_loop3A_23, %parallel_loop3A_448 : vector<16xf32>
      %parallel_loop3A_450 = arith.addf %parallel_loop3A_444, %parallel_loop3A_449 : vector<16xf32>
      %parallel_loop3A_451 = arith.index_cast %parallel_loop3A_15 : i32 to index
      %parallel_loop3A_452 = arith.constant 416 : index
      %parallel_loop3A_453 = tpu.vector_load %arg12[%parallel_loop3A_451, %parallel_loop3A_452] {strides = array<i32>} : memref<64x768xf32, #tpu.memory_space<vmem>>, vector<1x16xf32>,
      %parallel_loop3A_454 = vector.shape_cast %parallel_loop3A_453 : vector<1x16xf32> to vector<16xf32>
      %parallel_loop3A_455 = vector.shape_cast %parallel_loop3A_450 : vector<16xf32> to vector<1x16xf32>
      tpu.vector_store %arg12[%parallel_loop3A_451, %parallel_loop3A_452], %parallel_loop3A_455 {strides = array<i32>} : memref<64x768xf32, #tpu.memory_space<vmem>>, vector<1x16xf32>,
      %parallel_loop3A_456 = arith.index_cast %parallel_loop3A_15 : i32 to index
      %parallel_loop3A_457 = arith.constant 432 : index
      %parallel_loop3A_458 = tpu.vector_load %arg12[%parallel_loop3A_456, %parallel_loop3A_457] {strides = array<i32>} : memref<64x768xf32, #tpu.memory_space<vmem>>, vector<1x16xf32>,
      %parallel_loop3A_459 = vector.shape_cast %parallel_loop3A_458 : vector<1x16xf32> to vector<16xf32>
      %parallel_loop3A_460 = arith.mulf %parallel_loop3A_19, %parallel_loop3A_459 : vector<16xf32>
      %parallel_loop3A_461 = arith.index_cast %parallel_loop3A_15 : i32 to index
      %parallel_loop3A_462 = arith.constant 432 : index
      %parallel_loop3A_463 = tpu.vector_load %arg13[%parallel_loop3A_461, %parallel_loop3A_462] {strides = array<i32>} : memref<64x768xf32, #tpu.memory_space<vmem>>, vector<1x16xf32>,
      %parallel_loop3A_464 = vector.shape_cast %parallel_loop3A_463 : vector<1x16xf32> to vector<16xf32>
      %parallel_loop3A_465 = arith.mulf %parallel_loop3A_23, %parallel_loop3A_464 : vector<16xf32>
      %parallel_loop3A_466 = arith.addf %parallel_loop3A_460, %parallel_loop3A_465 : vector<16xf32>
      %parallel_loop3A_467 = arith.index_cast %parallel_loop3A_15 : i32 to index
      %parallel_loop3A_468 = arith.constant 432 : index
      %parallel_loop3A_469 = tpu.vector_load %arg12[%parallel_loop3A_467, %parallel_loop3A_468] {strides = array<i32>} : memref<64x768xf32, #tpu.memory_space<vmem>>, vector<1x16xf32>,
      %parallel_loop3A_470 = vector.shape_cast %parallel_loop3A_469 : vector<1x16xf32> to vector<16xf32>
      %parallel_loop3A_471 = vector.shape_cast %parallel_loop3A_466 : vector<16xf32> to vector<1x16xf32>
      tpu.vector_store %arg12[%parallel_loop3A_467, %parallel_loop3A_468], %parallel_loop3A_471 {strides = array<i32>} : memref<64x768xf32, #tpu.memory_space<vmem>>, vector<1x16xf32>,
      %parallel_loop3A_472 = arith.index_cast %parallel_loop3A_15 : i32 to index
      %parallel_loop3A_473 = arith.constant 448 : index
      %parallel_loop3A_474 = tpu.vector_load %arg12[%parallel_loop3A_472, %parallel_loop3A_473] {strides = array<i32>} : memref<64x768xf32, #tpu.memory_space<vmem>>, vector<1x16xf32>,
      %parallel_loop3A_475 = vector.shape_cast %parallel_loop3A_474 : vector<1x16xf32> to vector<16xf32>
      %parallel_loop3A_476 = arith.mulf %parallel_loop3A_19, %parallel_loop3A_475 : vector<16xf32>
      %parallel_loop3A_477 = arith.index_cast %parallel_loop3A_15 : i32 to index
      %parallel_loop3A_478 = arith.constant 448 : index
      %parallel_loop3A_479 = tpu.vector_load %arg13[%parallel_loop3A_477, %parallel_loop3A_478] {strides = array<i32>} : memref<64x768xf32, #tpu.memory_space<vmem>>, vector<1x16xf32>,
      %parallel_loop3A_480 = vector.shape_cast %parallel_loop3A_479 : vector<1x16xf32> to vector<16xf32>
      %parallel_loop3A_481 = arith.mulf %parallel_loop3A_23, %parallel_loop3A_480 : vector<16xf32>
      %parallel_loop3A_482 = arith.addf %parallel_loop3A_476, %parallel_loop3A_481 : vector<16xf32>
      %parallel_loop3A_483 = arith.index_cast %parallel_loop3A_15 : i32 to index
      %parallel_loop3A_484 = arith.constant 448 : index
      %parallel_loop3A_485 = tpu.vector_load %arg12[%parallel_loop3A_483, %parallel_loop3A_484] {strides = array<i32>} : memref<64x768xf32, #tpu.memory_space<vmem>>, vector<1x16xf32>,
      %parallel_loop3A_486 = vector.shape_cast %parallel_loop3A_485 : vector<1x16xf32> to vector<16xf32>
      %parallel_loop3A_487 = vector.shape_cast %parallel_loop3A_482 : vector<16xf32> to vector<1x16xf32>
      tpu.vector_store %arg12[%parallel_loop3A_483, %parallel_loop3A_484], %parallel_loop3A_487 {strides = array<i32>} : memref<64x768xf32, #tpu.memory_space<vmem>>, vector<1x16xf32>,
      %parallel_loop3A_488 = arith.index_cast %parallel_loop3A_15 : i32 to index
      %parallel_loop3A_489 = arith.constant 464 : index
      %parallel_loop3A_490 = tpu.vector_load %arg12[%parallel_loop3A_488, %parallel_loop3A_489] {strides = array<i32>} : memref<64x768xf32, #tpu.memory_space<vmem>>, vector<1x16xf32>,
      %parallel_loop3A_491 = vector.shape_cast %parallel_loop3A_490 : vector<1x16xf32> to vector<16xf32>
      %parallel_loop3A_492 = arith.mulf %parallel_loop3A_19, %parallel_loop3A_491 : vector<16xf32>
      %parallel_loop3A_493 = arith.index_cast %parallel_loop3A_15 : i32 to index
      %parallel_loop3A_494 = arith.constant 464 : index
      %parallel_loop3A_495 = tpu.vector_load %arg13[%parallel_loop3A_493, %parallel_loop3A_494] {strides = array<i32>} : memref<64x768xf32, #tpu.memory_space<vmem>>, vector<1x16xf32>,
      %parallel_loop3A_496 = vector.shape_cast %parallel_loop3A_495 : vector<1x16xf32> to vector<16xf32>
      %parallel_loop3A_497 = arith.mulf %parallel_loop3A_23, %parallel_loop3A_496 : vector<16xf32>
      %parallel_loop3A_498 = arith.addf %parallel_loop3A_492, %parallel_loop3A_497 : vector<16xf32>
      %parallel_loop3A_499 = arith.index_cast %parallel_loop3A_15 : i32 to index
      %parallel_loop3A_500 = arith.constant 464 : index
      %parallel_loop3A_501 = tpu.vector_load %arg12[%parallel_loop3A_499, %parallel_loop3A_500] {strides = array<i32>} : memref<64x768xf32, #tpu.memory_space<vmem>>, vector<1x16xf32>,
      %parallel_loop3A_502 = vector.shape_cast %parallel_loop3A_501 : vector<1x16xf32> to vector<16xf32>
      %parallel_loop3A_503 = vector.shape_cast %parallel_loop3A_498 : vector<16xf32> to vector<1x16xf32>
      tpu.vector_store %arg12[%parallel_loop3A_499, %parallel_loop3A_500], %parallel_loop3A_503 {strides = array<i32>} : memref<64x768xf32, #tpu.memory_space<vmem>>, vector<1x16xf32>,
      %parallel_loop3A_504 = arith.index_cast %parallel_loop3A_15 : i32 to index
      %parallel_loop3A_505 = arith.constant 480 : index
      %parallel_loop3A_506 = tpu.vector_load %arg12[%parallel_loop3A_504, %parallel_loop3A_505] {strides = array<i32>} : memref<64x768xf32, #tpu.memory_space<vmem>>, vector<1x16xf32>,
      %parallel_loop3A_507 = vector.shape_cast %parallel_loop3A_506 : vector<1x16xf32> to vector<16xf32>
      %parallel_loop3A_508 = arith.mulf %parallel_loop3A_19, %parallel_loop3A_507 : vector<16xf32>
      %parallel_loop3A_509 = arith.index_cast %parallel_loop3A_15 : i32 to index
      %parallel_loop3A_510 = arith.constant 480 : index
      %parallel_loop3A_511 = tpu.vector_load %arg13[%parallel_loop3A_509, %parallel_loop3A_510] {strides = array<i32>} : memref<64x768xf32, #tpu.memory_space<vmem>>, vector<1x16xf32>,
      %parallel_loop3A_512 = vector.shape_cast %parallel_loop3A_511 : vector<1x16xf32> to vector<16xf32>
      %parallel_loop3A_513 = arith.mulf %parallel_loop3A_23, %parallel_loop3A_512 : vector<16xf32>
      %parallel_loop3A_514 = arith.addf %parallel_loop3A_508, %parallel_loop3A_513 : vector<16xf32>
      %parallel_loop3A_515 = arith.index_cast %parallel_loop3A_15 : i32 to index
      %parallel_loop3A_516 = arith.constant 480 : index
      %parallel_loop3A_517 = tpu.vector_load %arg12[%parallel_loop3A_515, %parallel_loop3A_516] {strides = array<i32>} : memref<64x768xf32, #tpu.memory_space<vmem>>, vector<1x16xf32>,
      %parallel_loop3A_518 = vector.shape_cast %parallel_loop3A_517 : vector<1x16xf32> to vector<16xf32>
      %parallel_loop3A_519 = vector.shape_cast %parallel_loop3A_514 : vector<16xf32> to vector<1x16xf32>
      tpu.vector_store %arg12[%parallel_loop3A_515, %parallel_loop3A_516], %parallel_loop3A_519 {strides = array<i32>} : memref<64x768xf32, #tpu.memory_space<vmem>>, vector<1x16xf32>,
      %parallel_loop3A_520 = arith.index_cast %parallel_loop3A_15 : i32 to index
      %parallel_loop3A_521 = arith.constant 496 : index
      %parallel_loop3A_522 = tpu.vector_load %arg12[%parallel_loop3A_520, %parallel_loop3A_521] {strides = array<i32>} : memref<64x768xf32, #tpu.memory_space<vmem>>, vector<1x16xf32>,
      %parallel_loop3A_523 = vector.shape_cast %parallel_loop3A_522 : vector<1x16xf32> to vector<16xf32>
      %parallel_loop3A_524 = arith.mulf %parallel_loop3A_19, %parallel_loop3A_523 : vector<16xf32>
      %parallel_loop3A_525 = arith.index_cast %parallel_loop3A_15 : i32 to index
      %parallel_loop3A_526 = arith.constant 496 : index
      %parallel_loop3A_527 = tpu.vector_load %arg13[%parallel_loop3A_525, %parallel_loop3A_526] {strides = array<i32>} : memref<64x768xf32, #tpu.memory_space<vmem>>, vector<1x16xf32>,
      %parallel_loop3A_528 = vector.shape_cast %parallel_loop3A_527 : vector<1x16xf32> to vector<16xf32>
      %parallel_loop3A_529 = arith.mulf %parallel_loop3A_23, %parallel_loop3A_528 : vector<16xf32>
      %parallel_loop3A_530 = arith.addf %parallel_loop3A_524, %parallel_loop3A_529 : vector<16xf32>
      %parallel_loop3A_531 = arith.index_cast %parallel_loop3A_15 : i32 to index
      %parallel_loop3A_532 = arith.constant 496 : index
      %parallel_loop3A_533 = tpu.vector_load %arg12[%parallel_loop3A_531, %parallel_loop3A_532] {strides = array<i32>} : memref<64x768xf32, #tpu.memory_space<vmem>>, vector<1x16xf32>,
      %parallel_loop3A_534 = vector.shape_cast %parallel_loop3A_533 : vector<1x16xf32> to vector<16xf32>
      %parallel_loop3A_535 = vector.shape_cast %parallel_loop3A_530 : vector<16xf32> to vector<1x16xf32>
      tpu.vector_store %arg12[%parallel_loop3A_531, %parallel_loop3A_532], %parallel_loop3A_535 {strides = array<i32>} : memref<64x768xf32, #tpu.memory_space<vmem>>, vector<1x16xf32>,
      %parallel_loop3A_536 = arith.index_cast %parallel_loop3A_15 : i32 to index
      %parallel_loop3A_537 = arith.constant 512 : index
      %parallel_loop3A_538 = tpu.vector_load %arg12[%parallel_loop3A_536, %parallel_loop3A_537] {strides = array<i32>} : memref<64x768xf32, #tpu.memory_space<vmem>>, vector<1x16xf32>,
      %parallel_loop3A_539 = vector.shape_cast %parallel_loop3A_538 : vector<1x16xf32> to vector<16xf32>
      %parallel_loop3A_540 = arith.mulf %parallel_loop3A_19, %parallel_loop3A_539 : vector<16xf32>
      %parallel_loop3A_541 = arith.index_cast %parallel_loop3A_15 : i32 to index
      %parallel_loop3A_542 = arith.constant 512 : index
      %parallel_loop3A_543 = tpu.vector_load %arg13[%parallel_loop3A_541, %parallel_loop3A_542] {strides = array<i32>} : memref<64x768xf32, #tpu.memory_space<vmem>>, vector<1x16xf32>,
      %parallel_loop3A_544 = vector.shape_cast %parallel_loop3A_543 : vector<1x16xf32> to vector<16xf32>
      %parallel_loop3A_545 = arith.mulf %parallel_loop3A_23, %parallel_loop3A_544 : vector<16xf32>
      %parallel_loop3A_546 = arith.addf %parallel_loop3A_540, %parallel_loop3A_545 : vector<16xf32>
      %parallel_loop3A_547 = arith.index_cast %parallel_loop3A_15 : i32 to index
      %parallel_loop3A_548 = arith.constant 512 : index
      %parallel_loop3A_549 = tpu.vector_load %arg12[%parallel_loop3A_547, %parallel_loop3A_548] {strides = array<i32>} : memref<64x768xf32, #tpu.memory_space<vmem>>, vector<1x16xf32>,
      %parallel_loop3A_550 = vector.shape_cast %parallel_loop3A_549 : vector<1x16xf32> to vector<16xf32>
      %parallel_loop3A_551 = vector.shape_cast %parallel_loop3A_546 : vector<16xf32> to vector<1x16xf32>
      tpu.vector_store %arg12[%parallel_loop3A_547, %parallel_loop3A_548], %parallel_loop3A_551 {strides = array<i32>} : memref<64x768xf32, #tpu.memory_space<vmem>>, vector<1x16xf32>,
      %parallel_loop3A_552 = arith.index_cast %parallel_loop3A_15 : i32 to index
      %parallel_loop3A_553 = arith.constant 528 : index
      %parallel_loop3A_554 = tpu.vector_load %arg12[%parallel_loop3A_552, %parallel_loop3A_553] {strides = array<i32>} : memref<64x768xf32, #tpu.memory_space<vmem>>, vector<1x16xf32>,
      %parallel_loop3A_555 = vector.shape_cast %parallel_loop3A_554 : vector<1x16xf32> to vector<16xf32>
      %parallel_loop3A_556 = arith.mulf %parallel_loop3A_19, %parallel_loop3A_555 : vector<16xf32>
      %parallel_loop3A_557 = arith.index_cast %parallel_loop3A_15 : i32 to index
      %parallel_loop3A_558 = arith.constant 528 : index
      %parallel_loop3A_559 = tpu.vector_load %arg13[%parallel_loop3A_557, %parallel_loop3A_558] {strides = array<i32>} : memref<64x768xf32, #tpu.memory_space<vmem>>, vector<1x16xf32>,
      %parallel_loop3A_560 = vector.shape_cast %parallel_loop3A_559 : vector<1x16xf32> to vector<16xf32>
      %parallel_loop3A_561 = arith.mulf %parallel_loop3A_23, %parallel_loop3A_560 : vector<16xf32>
      %parallel_loop3A_562 = arith.addf %parallel_loop3A_556, %parallel_loop3A_561 : vector<16xf32>
      %parallel_loop3A_563 = arith.index_cast %parallel_loop3A_15 : i32 to index
      %parallel_loop3A_564 = arith.constant 528 : index
      %parallel_loop3A_565 = tpu.vector_load %arg12[%parallel_loop3A_563, %parallel_loop3A_564] {strides = array<i32>} : memref<64x768xf32, #tpu.memory_space<vmem>>, vector<1x16xf32>,
      %parallel_loop3A_566 = vector.shape_cast %parallel_loop3A_565 : vector<1x16xf32> to vector<16xf32>
      %parallel_loop3A_567 = vector.shape_cast %parallel_loop3A_562 : vector<16xf32> to vector<1x16xf32>
      tpu.vector_store %arg12[%parallel_loop3A_563, %parallel_loop3A_564], %parallel_loop3A_567 {strides = array<i32>} : memref<64x768xf32, #tpu.memory_space<vmem>>, vector<1x16xf32>,
      %parallel_loop3A_568 = arith.index_cast %parallel_loop3A_15 : i32 to index
      %parallel_loop3A_569 = arith.constant 544 : index
      %parallel_loop3A_570 = tpu.vector_load %arg12[%parallel_loop3A_568, %parallel_loop3A_569] {strides = array<i32>} : memref<64x768xf32, #tpu.memory_space<vmem>>, vector<1x16xf32>,
      %parallel_loop3A_571 = vector.shape_cast %parallel_loop3A_570 : vector<1x16xf32> to vector<16xf32>
      %parallel_loop3A_572 = arith.mulf %parallel_loop3A_19, %parallel_loop3A_571 : vector<16xf32>
      %parallel_loop3A_573 = arith.index_cast %parallel_loop3A_15 : i32 to index
      %parallel_loop3A_574 = arith.constant 544 : index
      %parallel_loop3A_575 = tpu.vector_load %arg13[%parallel_loop3A_573, %parallel_loop3A_574] {strides = array<i32>} : memref<64x768xf32, #tpu.memory_space<vmem>>, vector<1x16xf32>,
      %parallel_loop3A_576 = vector.shape_cast %parallel_loop3A_575 : vector<1x16xf32> to vector<16xf32>
      %parallel_loop3A_577 = arith.mulf %parallel_loop3A_23, %parallel_loop3A_576 : vector<16xf32>
      %parallel_loop3A_578 = arith.addf %parallel_loop3A_572, %parallel_loop3A_577 : vector<16xf32>
      %parallel_loop3A_579 = arith.index_cast %parallel_loop3A_15 : i32 to index
      %parallel_loop3A_580 = arith.constant 544 : index
      %parallel_loop3A_581 = tpu.vector_load %arg12[%parallel_loop3A_579, %parallel_loop3A_580] {strides = array<i32>} : memref<64x768xf32, #tpu.memory_space<vmem>>, vector<1x16xf32>,
      %parallel_loop3A_582 = vector.shape_cast %parallel_loop3A_581 : vector<1x16xf32> to vector<16xf32>
      %parallel_loop3A_583 = vector.shape_cast %parallel_loop3A_578 : vector<16xf32> to vector<1x16xf32>
      tpu.vector_store %arg12[%parallel_loop3A_579, %parallel_loop3A_580], %parallel_loop3A_583 {strides = array<i32>} : memref<64x768xf32, #tpu.memory_space<vmem>>, vector<1x16xf32>,
      %parallel_loop3A_584 = arith.index_cast %parallel_loop3A_15 : i32 to index
      %parallel_loop3A_585 = arith.constant 560 : index
      %parallel_loop3A_586 = tpu.vector_load %arg12[%parallel_loop3A_584, %parallel_loop3A_585] {strides = array<i32>} : memref<64x768xf32, #tpu.memory_space<vmem>>, vector<1x16xf32>,
      %parallel_loop3A_587 = vector.shape_cast %parallel_loop3A_586 : vector<1x16xf32> to vector<16xf32>
      %parallel_loop3A_588 = arith.mulf %parallel_loop3A_19, %parallel_loop3A_587 : vector<16xf32>
      %parallel_loop3A_589 = arith.index_cast %parallel_loop3A_15 : i32 to index
      %parallel_loop3A_590 = arith.constant 560 : index
      %parallel_loop3A_591 = tpu.vector_load %arg13[%parallel_loop3A_589, %parallel_loop3A_590] {strides = array<i32>} : memref<64x768xf32, #tpu.memory_space<vmem>>, vector<1x16xf32>,
      %parallel_loop3A_592 = vector.shape_cast %parallel_loop3A_591 : vector<1x16xf32> to vector<16xf32>
      %parallel_loop3A_593 = arith.mulf %parallel_loop3A_23, %parallel_loop3A_592 : vector<16xf32>
      %parallel_loop3A_594 = arith.addf %parallel_loop3A_588, %parallel_loop3A_593 : vector<16xf32>
      %parallel_loop3A_595 = arith.index_cast %parallel_loop3A_15 : i32 to index
      %parallel_loop3A_596 = arith.constant 560 : index
      %parallel_loop3A_597 = tpu.vector_load %arg12[%parallel_loop3A_595, %parallel_loop3A_596] {strides = array<i32>} : memref<64x768xf32, #tpu.memory_space<vmem>>, vector<1x16xf32>,
      %parallel_loop3A_598 = vector.shape_cast %parallel_loop3A_597 : vector<1x16xf32> to vector<16xf32>
      %parallel_loop3A_599 = vector.shape_cast %parallel_loop3A_594 : vector<16xf32> to vector<1x16xf32>
      tpu.vector_store %arg12[%parallel_loop3A_595, %parallel_loop3A_596], %parallel_loop3A_599 {strides = array<i32>} : memref<64x768xf32, #tpu.memory_space<vmem>>, vector<1x16xf32>,
      %parallel_loop3A_600 = arith.index_cast %parallel_loop3A_15 : i32 to index
      %parallel_loop3A_601 = arith.constant 576 : index
      %parallel_loop3A_602 = tpu.vector_load %arg12[%parallel_loop3A_600, %parallel_loop3A_601] {strides = array<i32>} : memref<64x768xf32, #tpu.memory_space<vmem>>, vector<1x16xf32>,
      %parallel_loop3A_603 = vector.shape_cast %parallel_loop3A_602 : vector<1x16xf32> to vector<16xf32>
      %parallel_loop3A_604 = arith.mulf %parallel_loop3A_19, %parallel_loop3A_603 : vector<16xf32>
      %parallel_loop3A_605 = arith.index_cast %parallel_loop3A_15 : i32 to index
      %parallel_loop3A_606 = arith.constant 576 : index
      %parallel_loop3A_607 = tpu.vector_load %arg13[%parallel_loop3A_605, %parallel_loop3A_606] {strides = array<i32>} : memref<64x768xf32, #tpu.memory_space<vmem>>, vector<1x16xf32>,
      %parallel_loop3A_608 = vector.shape_cast %parallel_loop3A_607 : vector<1x16xf32> to vector<16xf32>
      %parallel_loop3A_609 = arith.mulf %parallel_loop3A_23, %parallel_loop3A_608 : vector<16xf32>
      %parallel_loop3A_610 = arith.addf %parallel_loop3A_604, %parallel_loop3A_609 : vector<16xf32>
      %parallel_loop3A_611 = arith.index_cast %parallel_loop3A_15 : i32 to index
      %parallel_loop3A_612 = arith.constant 576 : index
      %parallel_loop3A_613 = tpu.vector_load %arg12[%parallel_loop3A_611, %parallel_loop3A_612] {strides = array<i32>} : memref<64x768xf32, #tpu.memory_space<vmem>>, vector<1x16xf32>,
      %parallel_loop3A_614 = vector.shape_cast %parallel_loop3A_613 : vector<1x16xf32> to vector<16xf32>
      %parallel_loop3A_615 = vector.shape_cast %parallel_loop3A_610 : vector<16xf32> to vector<1x16xf32>
      tpu.vector_store %arg12[%parallel_loop3A_611, %parallel_loop3A_612], %parallel_loop3A_615 {strides = array<i32>} : memref<64x768xf32, #tpu.memory_space<vmem>>, vector<1x16xf32>,
      %parallel_loop3A_616 = arith.index_cast %parallel_loop3A_15 : i32 to index
      %parallel_loop3A_617 = arith.constant 592 : index
      %parallel_loop3A_618 = tpu.vector_load %arg12[%parallel_loop3A_616, %parallel_loop3A_617] {strides = array<i32>} : memref<64x768xf32, #tpu.memory_space<vmem>>, vector<1x16xf32>,
      %parallel_loop3A_619 = vector.shape_cast %parallel_loop3A_618 : vector<1x16xf32> to vector<16xf32>
      %parallel_loop3A_620 = arith.mulf %parallel_loop3A_19, %parallel_loop3A_619 : vector<16xf32>
      %parallel_loop3A_621 = arith.index_cast %parallel_loop3A_15 : i32 to index
      %parallel_loop3A_622 = arith.constant 592 : index
      %parallel_loop3A_623 = tpu.vector_load %arg13[%parallel_loop3A_621, %parallel_loop3A_622] {strides = array<i32>} : memref<64x768xf32, #tpu.memory_space<vmem>>, vector<1x16xf32>,
      %parallel_loop3A_624 = vector.shape_cast %parallel_loop3A_623 : vector<1x16xf32> to vector<16xf32>
      %parallel_loop3A_625 = arith.mulf %parallel_loop3A_23, %parallel_loop3A_624 : vector<16xf32>
      %parallel_loop3A_626 = arith.addf %parallel_loop3A_620, %parallel_loop3A_625 : vector<16xf32>
      %parallel_loop3A_627 = arith.index_cast %parallel_loop3A_15 : i32 to index
      %parallel_loop3A_628 = arith.constant 592 : index
      %parallel_loop3A_629 = tpu.vector_load %arg12[%parallel_loop3A_627, %parallel_loop3A_628] {strides = array<i32>} : memref<64x768xf32, #tpu.memory_space<vmem>>, vector<1x16xf32>,
      %parallel_loop3A_630 = vector.shape_cast %parallel_loop3A_629 : vector<1x16xf32> to vector<16xf32>
      %parallel_loop3A_631 = vector.shape_cast %parallel_loop3A_626 : vector<16xf32> to vector<1x16xf32>
      tpu.vector_store %arg12[%parallel_loop3A_627, %parallel_loop3A_628], %parallel_loop3A_631 {strides = array<i32>} : memref<64x768xf32, #tpu.memory_space<vmem>>, vector<1x16xf32>,
      %parallel_loop3A_632 = arith.index_cast %parallel_loop3A_15 : i32 to index
      %parallel_loop3A_633 = arith.constant 608 : index
      %parallel_loop3A_634 = tpu.vector_load %arg12[%parallel_loop3A_632, %parallel_loop3A_633] {strides = array<i32>} : memref<64x768xf32, #tpu.memory_space<vmem>>, vector<1x16xf32>,
      %parallel_loop3A_635 = vector.shape_cast %parallel_loop3A_634 : vector<1x16xf32> to vector<16xf32>
      %parallel_loop3A_636 = arith.mulf %parallel_loop3A_19, %parallel_loop3A_635 : vector<16xf32>
      %parallel_loop3A_637 = arith.index_cast %parallel_loop3A_15 : i32 to index
      %parallel_loop3A_638 = arith.constant 608 : index
      %parallel_loop3A_639 = tpu.vector_load %arg13[%parallel_loop3A_637, %parallel_loop3A_638] {strides = array<i32>} : memref<64x768xf32, #tpu.memory_space<vmem>>, vector<1x16xf32>,
      %parallel_loop3A_640 = vector.shape_cast %parallel_loop3A_639 : vector<1x16xf32> to vector<16xf32>
      %parallel_loop3A_641 = arith.mulf %parallel_loop3A_23, %parallel_loop3A_640 : vector<16xf32>
      %parallel_loop3A_642 = arith.addf %parallel_loop3A_636, %parallel_loop3A_641 : vector<16xf32>
      %parallel_loop3A_643 = arith.index_cast %parallel_loop3A_15 : i32 to index
      %parallel_loop3A_644 = arith.constant 608 : index
      %parallel_loop3A_645 = tpu.vector_load %arg12[%parallel_loop3A_643, %parallel_loop3A_644] {strides = array<i32>} : memref<64x768xf32, #tpu.memory_space<vmem>>, vector<1x16xf32>,
      %parallel_loop3A_646 = vector.shape_cast %parallel_loop3A_645 : vector<1x16xf32> to vector<16xf32>
      %parallel_loop3A_647 = vector.shape_cast %parallel_loop3A_642 : vector<16xf32> to vector<1x16xf32>
      tpu.vector_store %arg12[%parallel_loop3A_643, %parallel_loop3A_644], %parallel_loop3A_647 {strides = array<i32>} : memref<64x768xf32, #tpu.memory_space<vmem>>, vector<1x16xf32>,
      %parallel_loop3A_648 = arith.index_cast %parallel_loop3A_15 : i32 to index
      %parallel_loop3A_649 = arith.constant 624 : index
      %parallel_loop3A_650 = tpu.vector_load %arg12[%parallel_loop3A_648, %parallel_loop3A_649] {strides = array<i32>} : memref<64x768xf32, #tpu.memory_space<vmem>>, vector<1x16xf32>,
      %parallel_loop3A_651 = vector.shape_cast %parallel_loop3A_650 : vector<1x16xf32> to vector<16xf32>
      %parallel_loop3A_652 = arith.mulf %parallel_loop3A_19, %parallel_loop3A_651 : vector<16xf32>
      %parallel_loop3A_653 = arith.index_cast %parallel_loop3A_15 : i32 to index
      %parallel_loop3A_654 = arith.constant 624 : index
      %parallel_loop3A_655 = tpu.vector_load %arg13[%parallel_loop3A_653, %parallel_loop3A_654] {strides = array<i32>} : memref<64x768xf32, #tpu.memory_space<vmem>>, vector<1x16xf32>,
      %parallel_loop3A_656 = vector.shape_cast %parallel_loop3A_655 : vector<1x16xf32> to vector<16xf32>
      %parallel_loop3A_657 = arith.mulf %parallel_loop3A_23, %parallel_loop3A_656 : vector<16xf32>
      %parallel_loop3A_658 = arith.addf %parallel_loop3A_652, %parallel_loop3A_657 : vector<16xf32>
      %parallel_loop3A_659 = arith.index_cast %parallel_loop3A_15 : i32 to index
      %parallel_loop3A_660 = arith.constant 624 : index
      %parallel_loop3A_661 = tpu.vector_load %arg12[%parallel_loop3A_659, %parallel_loop3A_660] {strides = array<i32>} : memref<64x768xf32, #tpu.memory_space<vmem>>, vector<1x16xf32>,
      %parallel_loop3A_662 = vector.shape_cast %parallel_loop3A_661 : vector<1x16xf32> to vector<16xf32>
      %parallel_loop3A_663 = vector.shape_cast %parallel_loop3A_658 : vector<16xf32> to vector<1x16xf32>
      tpu.vector_store %arg12[%parallel_loop3A_659, %parallel_loop3A_660], %parallel_loop3A_663 {strides = array<i32>} : memref<64x768xf32, #tpu.memory_space<vmem>>, vector<1x16xf32>,
      %parallel_loop3A_664 = arith.index_cast %parallel_loop3A_15 : i32 to index
      %parallel_loop3A_665 = arith.constant 640 : index
      %parallel_loop3A_666 = tpu.vector_load %arg12[%parallel_loop3A_664, %parallel_loop3A_665] {strides = array<i32>} : memref<64x768xf32, #tpu.memory_space<vmem>>, vector<1x16xf32>,
      %parallel_loop3A_667 = vector.shape_cast %parallel_loop3A_666 : vector<1x16xf32> to vector<16xf32>
      %parallel_loop3A_668 = arith.mulf %parallel_loop3A_19, %parallel_loop3A_667 : vector<16xf32>
      %parallel_loop3A_669 = arith.index_cast %parallel_loop3A_15 : i32 to index
      %parallel_loop3A_670 = arith.constant 640 : index
      %parallel_loop3A_671 = tpu.vector_load %arg13[%parallel_loop3A_669, %parallel_loop3A_670] {strides = array<i32>} : memref<64x768xf32, #tpu.memory_space<vmem>>, vector<1x16xf32>,
      %parallel_loop3A_672 = vector.shape_cast %parallel_loop3A_671 : vector<1x16xf32> to vector<16xf32>
      %parallel_loop3A_673 = arith.mulf %parallel_loop3A_23, %parallel_loop3A_672 : vector<16xf32>
      %parallel_loop3A_674 = arith.addf %parallel_loop3A_668, %parallel_loop3A_673 : vector<16xf32>
      %parallel_loop3A_675 = arith.index_cast %parallel_loop3A_15 : i32 to index
      %parallel_loop3A_676 = arith.constant 640 : index
      %parallel_loop3A_677 = tpu.vector_load %arg12[%parallel_loop3A_675, %parallel_loop3A_676] {strides = array<i32>} : memref<64x768xf32, #tpu.memory_space<vmem>>, vector<1x16xf32>,
      %parallel_loop3A_678 = vector.shape_cast %parallel_loop3A_677 : vector<1x16xf32> to vector<16xf32>
      %parallel_loop3A_679 = vector.shape_cast %parallel_loop3A_674 : vector<16xf32> to vector<1x16xf32>
      tpu.vector_store %arg12[%parallel_loop3A_675, %parallel_loop3A_676], %parallel_loop3A_679 {strides = array<i32>} : memref<64x768xf32, #tpu.memory_space<vmem>>, vector<1x16xf32>,
      %parallel_loop3A_680 = arith.index_cast %parallel_loop3A_15 : i32 to index
      %parallel_loop3A_681 = arith.constant 656 : index
      %parallel_loop3A_682 = tpu.vector_load %arg12[%parallel_loop3A_680, %parallel_loop3A_681] {strides = array<i32>} : memref<64x768xf32, #tpu.memory_space<vmem>>, vector<1x16xf32>,
      %parallel_loop3A_683 = vector.shape_cast %parallel_loop3A_682 : vector<1x16xf32> to vector<16xf32>
      %parallel_loop3A_684 = arith.mulf %parallel_loop3A_19, %parallel_loop3A_683 : vector<16xf32>
      %parallel_loop3A_685 = arith.index_cast %parallel_loop3A_15 : i32 to index
      %parallel_loop3A_686 = arith.constant 656 : index
      %parallel_loop3A_687 = tpu.vector_load %arg13[%parallel_loop3A_685, %parallel_loop3A_686] {strides = array<i32>} : memref<64x768xf32, #tpu.memory_space<vmem>>, vector<1x16xf32>,
      %parallel_loop3A_688 = vector.shape_cast %parallel_loop3A_687 : vector<1x16xf32> to vector<16xf32>
      %parallel_loop3A_689 = arith.mulf %parallel_loop3A_23, %parallel_loop3A_688 : vector<16xf32>
      %parallel_loop3A_690 = arith.addf %parallel_loop3A_684, %parallel_loop3A_689 : vector<16xf32>
      %parallel_loop3A_691 = arith.index_cast %parallel_loop3A_15 : i32 to index
      %parallel_loop3A_692 = arith.constant 656 : index
      %parallel_loop3A_693 = tpu.vector_load %arg12[%parallel_loop3A_691, %parallel_loop3A_692] {strides = array<i32>} : memref<64x768xf32, #tpu.memory_space<vmem>>, vector<1x16xf32>,
      %parallel_loop3A_694 = vector.shape_cast %parallel_loop3A_693 : vector<1x16xf32> to vector<16xf32>
      %parallel_loop3A_695 = vector.shape_cast %parallel_loop3A_690 : vector<16xf32> to vector<1x16xf32>
      tpu.vector_store %arg12[%parallel_loop3A_691, %parallel_loop3A_692], %parallel_loop3A_695 {strides = array<i32>} : memref<64x768xf32, #tpu.memory_space<vmem>>, vector<1x16xf32>,
      %parallel_loop3A_696 = arith.index_cast %parallel_loop3A_15 : i32 to index
      %parallel_loop3A_697 = arith.constant 672 : index
      %parallel_loop3A_698 = tpu.vector_load %arg12[%parallel_loop3A_696, %parallel_loop3A_697] {strides = array<i32>} : memref<64x768xf32, #tpu.memory_space<vmem>>, vector<1x16xf32>,
      %parallel_loop3A_699 = vector.shape_cast %parallel_loop3A_698 : vector<1x16xf32> to vector<16xf32>
      %parallel_loop3A_700 = arith.mulf %parallel_loop3A_19, %parallel_loop3A_699 : vector<16xf32>
      %parallel_loop3A_701 = arith.index_cast %parallel_loop3A_15 : i32 to index
      %parallel_loop3A_702 = arith.constant 672 : index
      %parallel_loop3A_703 = tpu.vector_load %arg13[%parallel_loop3A_701, %parallel_loop3A_702] {strides = array<i32>} : memref<64x768xf32, #tpu.memory_space<vmem>>, vector<1x16xf32>,
      %parallel_loop3A_704 = vector.shape_cast %parallel_loop3A_703 : vector<1x16xf32> to vector<16xf32>
      %parallel_loop3A_705 = arith.mulf %parallel_loop3A_23, %parallel_loop3A_704 : vector<16xf32>
      %parallel_loop3A_706 = arith.addf %parallel_loop3A_700, %parallel_loop3A_705 : vector<16xf32>
      %parallel_loop3A_707 = arith.index_cast %parallel_loop3A_15 : i32 to index
      %parallel_loop3A_708 = arith.constant 672 : index
      %parallel_loop3A_709 = tpu.vector_load %arg12[%parallel_loop3A_707, %parallel_loop3A_708] {strides = array<i32>} : memref<64x768xf32, #tpu.memory_space<vmem>>, vector<1x16xf32>,
      %parallel_loop3A_710 = vector.shape_cast %parallel_loop3A_709 : vector<1x16xf32> to vector<16xf32>
      %parallel_loop3A_711 = vector.shape_cast %parallel_loop3A_706 : vector<16xf32> to vector<1x16xf32>
      tpu.vector_store %arg12[%parallel_loop3A_707, %parallel_loop3A_708], %parallel_loop3A_711 {strides = array<i32>} : memref<64x768xf32, #tpu.memory_space<vmem>>, vector<1x16xf32>,
      %parallel_loop3A_712 = arith.index_cast %parallel_loop3A_15 : i32 to index
      %parallel_loop3A_713 = arith.constant 688 : index
      %parallel_loop3A_714 = tpu.vector_load %arg12[%parallel_loop3A_712, %parallel_loop3A_713] {strides = array<i32>} : memref<64x768xf32, #tpu.memory_space<vmem>>, vector<1x16xf32>,
      %parallel_loop3A_715 = vector.shape_cast %parallel_loop3A_714 : vector<1x16xf32> to vector<16xf32>
      %parallel_loop3A_716 = arith.mulf %parallel_loop3A_19, %parallel_loop3A_715 : vector<16xf32>
      %parallel_loop3A_717 = arith.index_cast %parallel_loop3A_15 : i32 to index
      %parallel_loop3A_718 = arith.constant 688 : index
      %parallel_loop3A_719 = tpu.vector_load %arg13[%parallel_loop3A_717, %parallel_loop3A_718] {strides = array<i32>} : memref<64x768xf32, #tpu.memory_space<vmem>>, vector<1x16xf32>,
      %parallel_loop3A_720 = vector.shape_cast %parallel_loop3A_719 : vector<1x16xf32> to vector<16xf32>
      %parallel_loop3A_721 = arith.mulf %parallel_loop3A_23, %parallel_loop3A_720 : vector<16xf32>
      %parallel_loop3A_722 = arith.addf %parallel_loop3A_716, %parallel_loop3A_721 : vector<16xf32>
      %parallel_loop3A_723 = arith.index_cast %parallel_loop3A_15 : i32 to index
      %parallel_loop3A_724 = arith.constant 688 : index
      %parallel_loop3A_725 = tpu.vector_load %arg12[%parallel_loop3A_723, %parallel_loop3A_724] {strides = array<i32>} : memref<64x768xf32, #tpu.memory_space<vmem>>, vector<1x16xf32>,
      %parallel_loop3A_726 = vector.shape_cast %parallel_loop3A_725 : vector<1x16xf32> to vector<16xf32>
      %parallel_loop3A_727 = vector.shape_cast %parallel_loop3A_722 : vector<16xf32> to vector<1x16xf32>
      tpu.vector_store %arg12[%parallel_loop3A_723, %parallel_loop3A_724], %parallel_loop3A_727 {strides = array<i32>} : memref<64x768xf32, #tpu.memory_space<vmem>>, vector<1x16xf32>,
      %parallel_loop3A_728 = arith.index_cast %parallel_loop3A_15 : i32 to index
      %parallel_loop3A_729 = arith.constant 704 : index
      %parallel_loop3A_730 = tpu.vector_load %arg12[%parallel_loop3A_728, %parallel_loop3A_729] {strides = array<i32>} : memref<64x768xf32, #tpu.memory_space<vmem>>, vector<1x16xf32>,
      %parallel_loop3A_731 = vector.shape_cast %parallel_loop3A_730 : vector<1x16xf32> to vector<16xf32>
      %parallel_loop3A_732 = arith.mulf %parallel_loop3A_19, %parallel_loop3A_731 : vector<16xf32>
      %parallel_loop3A_733 = arith.index_cast %parallel_loop3A_15 : i32 to index
      %parallel_loop3A_734 = arith.constant 704 : index
      %parallel_loop3A_735 = tpu.vector_load %arg13[%parallel_loop3A_733, %parallel_loop3A_734] {strides = array<i32>} : memref<64x768xf32, #tpu.memory_space<vmem>>, vector<1x16xf32>,
      %parallel_loop3A_736 = vector.shape_cast %parallel_loop3A_735 : vector<1x16xf32> to vector<16xf32>
      %parallel_loop3A_737 = arith.mulf %parallel_loop3A_23, %parallel_loop3A_736 : vector<16xf32>
      %parallel_loop3A_738 = arith.addf %parallel_loop3A_732, %parallel_loop3A_737 : vector<16xf32>
      %parallel_loop3A_739 = arith.index_cast %parallel_loop3A_15 : i32 to index
      %parallel_loop3A_740 = arith.constant 704 : index
      %parallel_loop3A_741 = tpu.vector_load %arg12[%parallel_loop3A_739, %parallel_loop3A_740] {strides = array<i32>} : memref<64x768xf32, #tpu.memory_space<vmem>>, vector<1x16xf32>,
      %parallel_loop3A_742 = vector.shape_cast %parallel_loop3A_741 : vector<1x16xf32> to vector<16xf32>
      %parallel_loop3A_743 = vector.shape_cast %parallel_loop3A_738 : vector<16xf32> to vector<1x16xf32>
      tpu.vector_store %arg12[%parallel_loop3A_739, %parallel_loop3A_740], %parallel_loop3A_743 {strides = array<i32>} : memref<64x768xf32, #tpu.memory_space<vmem>>, vector<1x16xf32>,
      %parallel_loop3A_744 = arith.index_cast %parallel_loop3A_15 : i32 to index
      %parallel_loop3A_745 = arith.constant 720 : index
      %parallel_loop3A_746 = tpu.vector_load %arg12[%parallel_loop3A_744, %parallel_loop3A_745] {strides = array<i32>} : memref<64x768xf32, #tpu.memory_space<vmem>>, vector<1x16xf32>,
      %parallel_loop3A_747 = vector.shape_cast %parallel_loop3A_746 : vector<1x16xf32> to vector<16xf32>
      %parallel_loop3A_748 = arith.mulf %parallel_loop3A_19, %parallel_loop3A_747 : vector<16xf32>
      %parallel_loop3A_749 = arith.index_cast %parallel_loop3A_15 : i32 to index
      %parallel_loop3A_750 = arith.constant 720 : index
      %parallel_loop3A_751 = tpu.vector_load %arg13[%parallel_loop3A_749, %parallel_loop3A_750] {strides = array<i32>} : memref<64x768xf32, #tpu.memory_space<vmem>>, vector<1x16xf32>,
      %parallel_loop3A_752 = vector.shape_cast %parallel_loop3A_751 : vector<1x16xf32> to vector<16xf32>
      %parallel_loop3A_753 = arith.mulf %parallel_loop3A_23, %parallel_loop3A_752 : vector<16xf32>
      %parallel_loop3A_754 = arith.addf %parallel_loop3A_748, %parallel_loop3A_753 : vector<16xf32>
      %parallel_loop3A_755 = arith.index_cast %parallel_loop3A_15 : i32 to index
      %parallel_loop3A_756 = arith.constant 720 : index
      %parallel_loop3A_757 = tpu.vector_load %arg12[%parallel_loop3A_755, %parallel_loop3A_756] {strides = array<i32>} : memref<64x768xf32, #tpu.memory_space<vmem>>, vector<1x16xf32>,
      %parallel_loop3A_758 = vector.shape_cast %parallel_loop3A_757 : vector<1x16xf32> to vector<16xf32>
      %parallel_loop3A_759 = vector.shape_cast %parallel_loop3A_754 : vector<16xf32> to vector<1x16xf32>
      tpu.vector_store %arg12[%parallel_loop3A_755, %parallel_loop3A_756], %parallel_loop3A_759 {strides = array<i32>} : memref<64x768xf32, #tpu.memory_space<vmem>>, vector<1x16xf32>,
      %parallel_loop3A_760 = arith.index_cast %parallel_loop3A_15 : i32 to index
      %parallel_loop3A_761 = arith.constant 736 : index
      %parallel_loop3A_762 = tpu.vector_load %arg12[%parallel_loop3A_760, %parallel_loop3A_761] {strides = array<i32>} : memref<64x768xf32, #tpu.memory_space<vmem>>, vector<1x16xf32>,
      %parallel_loop3A_763 = vector.shape_cast %parallel_loop3A_762 : vector<1x16xf32> to vector<16xf32>
      %parallel_loop3A_764 = arith.mulf %parallel_loop3A_19, %parallel_loop3A_763 : vector<16xf32>
      %parallel_loop3A_765 = arith.index_cast %parallel_loop3A_15 : i32 to index
      %parallel_loop3A_766 = arith.constant 736 : index
      %parallel_loop3A_767 = tpu.vector_load %arg13[%parallel_loop3A_765, %parallel_loop3A_766] {strides = array<i32>} : memref<64x768xf32, #tpu.memory_space<vmem>>, vector<1x16xf32>,
      %parallel_loop3A_768 = vector.shape_cast %parallel_loop3A_767 : vector<1x16xf32> to vector<16xf32>
      %parallel_loop3A_769 = arith.mulf %parallel_loop3A_23, %parallel_loop3A_768 : vector<16xf32>
      %parallel_loop3A_770 = arith.addf %parallel_loop3A_764, %parallel_loop3A_769 : vector<16xf32>
      %parallel_loop3A_771 = arith.index_cast %parallel_loop3A_15 : i32 to index
      %parallel_loop3A_772 = arith.constant 736 : index
      %parallel_loop3A_773 = tpu.vector_load %arg12[%parallel_loop3A_771, %parallel_loop3A_772] {strides = array<i32>} : memref<64x768xf32, #tpu.memory_space<vmem>>, vector<1x16xf32>,
      %parallel_loop3A_774 = vector.shape_cast %parallel_loop3A_773 : vector<1x16xf32> to vector<16xf32>
      %parallel_loop3A_775 = vector.shape_cast %parallel_loop3A_770 : vector<16xf32> to vector<1x16xf32>
      tpu.vector_store %arg12[%parallel_loop3A_771, %parallel_loop3A_772], %parallel_loop3A_775 {strides = array<i32>} : memref<64x768xf32, #tpu.memory_space<vmem>>, vector<1x16xf32>,
      %parallel_loop3A_776 = arith.index_cast %parallel_loop3A_15 : i32 to index
      %parallel_loop3A_777 = arith.constant 752 : index
      %parallel_loop3A_778 = tpu.vector_load %arg12[%parallel_loop3A_776, %parallel_loop3A_777] {strides = array<i32>} : memref<64x768xf32, #tpu.memory_space<vmem>>, vector<1x16xf32>,
      %parallel_loop3A_779 = vector.shape_cast %parallel_loop3A_778 : vector<1x16xf32> to vector<16xf32>
      %parallel_loop3A_780 = arith.mulf %parallel_loop3A_19, %parallel_loop3A_779 : vector<16xf32>
      %parallel_loop3A_781 = arith.index_cast %parallel_loop3A_15 : i32 to index
      %parallel_loop3A_782 = arith.constant 752 : index
      %parallel_loop3A_783 = tpu.vector_load %arg13[%parallel_loop3A_781, %parallel_loop3A_782] {strides = array<i32>} : memref<64x768xf32, #tpu.memory_space<vmem>>, vector<1x16xf32>,
      %parallel_loop3A_784 = vector.shape_cast %parallel_loop3A_783 : vector<1x16xf32> to vector<16xf32>
      %parallel_loop3A_785 = arith.mulf %parallel_loop3A_23, %parallel_loop3A_784 : vector<16xf32>
      %parallel_loop3A_786 = arith.addf %parallel_loop3A_780, %parallel_loop3A_785 : vector<16xf32>
      %parallel_loop3A_787 = arith.index_cast %parallel_loop3A_15 : i32 to index
      %parallel_loop3A_788 = arith.constant 752 : index
      %parallel_loop3A_789 = tpu.vector_load %arg12[%parallel_loop3A_787, %parallel_loop3A_788] {strides = array<i32>} : memref<64x768xf32, #tpu.memory_space<vmem>>, vector<1x16xf32>,
      %parallel_loop3A_790 = vector.shape_cast %parallel_loop3A_789 : vector<1x16xf32> to vector<16xf32>
      %parallel_loop3A_791 = vector.shape_cast %parallel_loop3A_786 : vector<16xf32> to vector<1x16xf32>
      tpu.vector_store %arg12[%parallel_loop3A_787, %parallel_loop3A_788], %parallel_loop3A_791 {strides = array<i32>} : memref<64x768xf32, #tpu.memory_space<vmem>>, vector<1x16xf32>,
    } {sc.loop_unroll_factor = 4 : i64, sc.parallel_access}
    "tpu.region"() ({
      %run_scoped3A = tpu.sem_alloc : memref<!tpu.dma_semaphore, #tpu.memory_space<semaphore_mem>>
      %dma_start3A_15 = arith.constant 0 : i32
      %dma_start3A_16 = tpu.memref_slice %arg7[%mul3A_2, %dma_start3A_15] : memref<2048x768xf32, #tpu.memory_space<hbm>> -> memref<64x768xf32, #tpu.memory_space<hbm>>
      %dma_start3A_17 = arith.constant 0 : i32
      %dma_start3A_18 = tpu.memref_slice %arg7[%mul3A_2, %dma_start3A_17] : memref<2048x768xf32, #tpu.memory_space<hbm>> -> memref<64x768xf32, #tpu.memory_space<hbm>>
      tpu.enqueue_dma source(%arg12 : memref<64x768xf32, #tpu.memory_space<vmem>>) target(%dma_start3A_18 : memref<64x768xf32, #tpu.memory_space<hbm>>) target_semaphore(%run_scoped3A : memref<!tpu.dma_semaphore, #tpu.memory_space<semaphore_mem>>)
      %dma_wait3A_19 = arith.constant 0 : i32
      %dma_wait3A_20 = tpu.memref_slice %arg7[%mul3A_2, %dma_wait3A_19] : memref<2048x768xf32, #tpu.memory_space<hbm>> -> memref<64x768xf32, #tpu.memory_space<hbm>>
      %dma_wait3A_21 = arith.constant 0 : i32
      %dma_wait3A_22 = tpu.memref_slice %arg7[%mul3A_2, %dma_wait3A_21] : memref<2048x768xf32, #tpu.memory_space<hbm>> -> memref<64x768xf32, #tpu.memory_space<hbm>>
      tpu.wait_dma2 semaphore(%run_scoped3A : memref<!tpu.dma_semaphore, #tpu.memory_space<semaphore_mem>>) src(%arg12 : memref<64x768xf32, #tpu.memory_space<vmem>>) dst(%dma_wait3A_22 : memref<64x768xf32, #tpu.memory_space<hbm>>)
      tpu.yield
    }) : () -> ()
    return
  }
}

#map = affine_map<(d0, d1) -> (0, 0)>
#map1 = affine_map<(d0, d1) -> (0)>
module attributes {stable_mosaic.version = 14 : i64} {
  func.func @_sc_scatter_body(%arg0: i32, %arg1: i32, %arg2: memref<2048x768xf32, #tpu.memory_space<hbm>>, %arg3: memref<2048xi32, #tpu.memory_space<hbm>>, %arg4: memref<2048xi32, #tpu.memory_space<hbm>>, %arg5: memref<6144x768xf32, #tpu.memory_space<hbm>>, %arg6: memref<64xi32, #tpu.memory_space<vmem>>, %arg7: memref<64xi32, #tpu.memory_space<vmem>>, %arg8: memref<64x768xf32, #tpu.memory_space<vmem>>, %arg9: memref<!tpu.dma_semaphore, #tpu.memory_space<semaphore_mem>>, %arg10: memref<!tpu.dma_semaphore, #tpu.memory_space<semaphore_mem>>) attributes {dimension_semantics = [#tpu.dimension_semantics<core_parallel>, #tpu.dimension_semantics<subcore_parallel>], iteration_bounds = array<i64: 2, 16>, scalar_prefetch = 0 : i64, scratch_operands = 5 : i64, tpu.core_type = #tpu.core_type<sc_vector_subcore>, window_params = [{transform_indices = #map}, {transform_indices = #map1}, {transform_indices = #map1}, {transform_indices = #map}]} {
    %mul3A = arith.constant 2 : i32
    %mul3A_0 = arith.muli %arg1, %mul3A : i32
    %add3A = arith.addi %mul3A_0, %arg0 : i32
    %mul3A_1 = arith.constant 64 : i32
    %mul3A_2 = arith.muli %add3A, %mul3A_1 : i32
    "tpu.region"() ({
      %run_scoped3A = tpu.sem_alloc : memref<!tpu.dma_semaphore, #tpu.memory_space<semaphore_mem>>
      %dma_start3A_13 = tpu.memref_slice %arg3[%mul3A_2] : memref<2048xi32, #tpu.memory_space<hbm>> -> memref<64xi32, #tpu.memory_space<hbm>>
      %dma_start3A_14 = tpu.memref_slice %arg3[%mul3A_2] : memref<2048xi32, #tpu.memory_space<hbm>> -> memref<64xi32, #tpu.memory_space<hbm>>
      tpu.enqueue_dma source(%dma_start3A_14 : memref<64xi32, #tpu.memory_space<hbm>>) target(%arg6 : memref<64xi32, #tpu.memory_space<vmem>>) target_semaphore(%run_scoped3A : memref<!tpu.dma_semaphore, #tpu.memory_space<semaphore_mem>>)
      %dma_wait3A_15 = tpu.memref_slice %arg3[%mul3A_2] : memref<2048xi32, #tpu.memory_space<hbm>> -> memref<64xi32, #tpu.memory_space<hbm>>
      %dma_wait3A_16 = tpu.memref_slice %arg3[%mul3A_2] : memref<2048xi32, #tpu.memory_space<hbm>> -> memref<64xi32, #tpu.memory_space<hbm>>
      tpu.wait_dma2 semaphore(%run_scoped3A : memref<!tpu.dma_semaphore, #tpu.memory_space<semaphore_mem>>) src(%dma_wait3A_16 : memref<64xi32, #tpu.memory_space<hbm>>) dst(%arg6 : memref<64xi32, #tpu.memory_space<vmem>>)
      tpu.yield
    }) : () -> ()
    "tpu.region"() ({
      %run_scoped3A = tpu.sem_alloc : memref<!tpu.dma_semaphore, #tpu.memory_space<semaphore_mem>>
      %dma_start3A_13 = tpu.memref_slice %arg4[%mul3A_2] : memref<2048xi32, #tpu.memory_space<hbm>> -> memref<64xi32, #tpu.memory_space<hbm>>
      %dma_start3A_14 = tpu.memref_slice %arg4[%mul3A_2] : memref<2048xi32, #tpu.memory_space<hbm>> -> memref<64xi32, #tpu.memory_space<hbm>>
      tpu.enqueue_dma source(%dma_start3A_14 : memref<64xi32, #tpu.memory_space<hbm>>) target(%arg7 : memref<64xi32, #tpu.memory_space<vmem>>) target_semaphore(%run_scoped3A : memref<!tpu.dma_semaphore, #tpu.memory_space<semaphore_mem>>)
      %dma_wait3A_15 = tpu.memref_slice %arg4[%mul3A_2] : memref<2048xi32, #tpu.memory_space<hbm>> -> memref<64xi32, #tpu.memory_space<hbm>>
      %dma_wait3A_16 = tpu.memref_slice %arg4[%mul3A_2] : memref<2048xi32, #tpu.memory_space<hbm>> -> memref<64xi32, #tpu.memory_space<hbm>>
      tpu.wait_dma2 semaphore(%run_scoped3A : memref<!tpu.dma_semaphore, #tpu.memory_space<semaphore_mem>>) src(%dma_wait3A_16 : memref<64xi32, #tpu.memory_space<hbm>>) dst(%arg7 : memref<64xi32, #tpu.memory_space<vmem>>)
      tpu.yield
    }) : () -> ()
    "tpu.region"() ({
      %run_scoped3A = tpu.sem_alloc : memref<!tpu.dma_semaphore, #tpu.memory_space<semaphore_mem>>
      %dma_start3A_13 = arith.constant 0 : i32
      %dma_start3A_14 = tpu.memref_slice %arg2[%mul3A_2, %dma_start3A_13] : memref<2048x768xf32, #tpu.memory_space<hbm>> -> memref<64x768xf32, #tpu.memory_space<hbm>>
      %dma_start3A_15 = arith.constant 0 : i32
      %dma_start3A_16 = tpu.memref_slice %arg2[%mul3A_2, %dma_start3A_15] : memref<2048x768xf32, #tpu.memory_space<hbm>> -> memref<64x768xf32, #tpu.memory_space<hbm>>
      tpu.enqueue_dma source(%dma_start3A_16 : memref<64x768xf32, #tpu.memory_space<hbm>>) target(%arg8 : memref<64x768xf32, #tpu.memory_space<vmem>>) target_semaphore(%run_scoped3A : memref<!tpu.dma_semaphore, #tpu.memory_space<semaphore_mem>>)
      %dma_wait3A_17 = arith.constant 0 : i32
      %dma_wait3A_18 = tpu.memref_slice %arg2[%mul3A_2, %dma_wait3A_17] : memref<2048x768xf32, #tpu.memory_space<hbm>> -> memref<64x768xf32, #tpu.memory_space<hbm>>
      %dma_wait3A_19 = arith.constant 0 : i32
      %dma_wait3A_20 = tpu.memref_slice %arg2[%mul3A_2, %dma_wait3A_19] : memref<2048x768xf32, #tpu.memory_space<hbm>> -> memref<64x768xf32, #tpu.memory_space<hbm>>
      tpu.wait_dma2 semaphore(%run_scoped3A : memref<!tpu.dma_semaphore, #tpu.memory_space<semaphore_mem>>) src(%dma_wait3A_20 : memref<64x768xf32, #tpu.memory_space<hbm>>) dst(%arg8 : memref<64x768xf32, #tpu.memory_space<vmem>>)
      tpu.yield
    }) : () -> ()
    %dma_start3A = arith.constant 0 : i32
    %dma_start3A_3 = arith.constant 0 : i32
    %dma_start3A_4 = tpu.memref_slice %arg5[%dma_start3A, %dma_start3A_3] : memref<6144x768xf32, #tpu.memory_space<hbm>> -> memref<6144x768xf32, #tpu.memory_space<hbm>>
    tpu.enqueue_indirect_dma source(%arg8 : memref<64x768xf32, #tpu.memory_space<vmem>>) target(%dma_start3A_4 : memref<6144x768xf32, #tpu.memory_space<hbm>>) offsets(%arg6 : memref<64xi32, #tpu.memory_space<vmem>>) semaphore(%arg9 : memref<!tpu.dma_semaphore, #tpu.memory_space<semaphore_mem>>)
    %dma_start3A_5 = arith.constant 0 : i32
    %dma_start3A_6 = arith.constant 0 : i32
    %dma_start3A_7 = tpu.memref_slice %arg5[%dma_start3A_5, %dma_start3A_6] : memref<6144x768xf32, #tpu.memory_space<hbm>> -> memref<6144x768xf32, #tpu.memory_space<hbm>>
    tpu.enqueue_indirect_dma source(%arg8 : memref<64x768xf32, #tpu.memory_space<vmem>>) target(%dma_start3A_7 : memref<6144x768xf32, #tpu.memory_space<hbm>>) offsets(%arg7 : memref<64xi32, #tpu.memory_space<vmem>>) semaphore(%arg10 : memref<!tpu.dma_semaphore, #tpu.memory_space<semaphore_mem>>)
    %dma_wait3A = arith.constant 0 : i32
    %dma_wait3A_8 = arith.constant 0 : i32
    %dma_wait3A_9 = tpu.memref_slice %arg5[%dma_wait3A, %dma_wait3A_8] : memref<6144x768xf32, #tpu.memory_space<hbm>> -> memref<6144x768xf32, #tpu.memory_space<hbm>>
    tpu.wait_indirect_dma semaphore(%arg9 : memref<!tpu.dma_semaphore, #tpu.memory_space<semaphore_mem>>) src(%arg8 : memref<64x768xf32, #tpu.memory_space<vmem>>) dst(%dma_wait3A_9 : memref<6144x768xf32, #tpu.memory_space<hbm>>)
    %dma_wait3A_10 = arith.constant 0 : i32
    %dma_wait3A_11 = arith.constant 0 : i32
    %dma_wait3A_12 = tpu.memref_slice %arg5[%dma_wait3A_10, %dma_wait3A_11] : memref<6144x768xf32, #tpu.memory_space<hbm>> -> memref<6144x768xf32, #tpu.memory_space<hbm>>
    tpu.wait_indirect_dma semaphore(%arg10 : memref<!tpu.dma_semaphore, #tpu.memory_space<semaphore_mem>>) src(%arg8 : memref<64x768xf32, #tpu.memory_space<vmem>>) dst(%dma_wait3A_12 : memref<6144x768xf32, #tpu.memory_space<hbm>>)
    return
  }
}

module attributes {stable_mosaic.version = 14 : i64} {
  func.func @_router_body(%arg0: memref<2048x768xf32, #tpu.memory_space<vmem>>, %arg1: memref<8x768xf32, #tpu.memory_space<vmem>>, %arg2: memref<1x8xf32, #tpu.memory_space<vmem>>, %arg3: memref<2048x1xi32, #tpu.memory_space<vmem>>, %arg4: memref<2048x1xi32, #tpu.memory_space<vmem>>, %arg5: memref<2048x16xf32, #tpu.memory_space<vmem>>, %arg6: memref<2048x16xf32, #tpu.memory_space<vmem>>, %arg7: memref<24x1xi32, #tpu.memory_space<vmem>>, %arg8: memref<24x1xi32, #tpu.memory_space<vmem>>) attributes {dimension_semantics = [], scalar_prefetch = 0 : i64, scratch_operands = 0 : i64, tpu.core_type = #tpu.core_type<tc>} {
    %get3A = arith.constant 0 : index
    %get3A_0 = arith.constant 0 : index
    %get3A_1 = vector.load %arg0[%get3A, %get3A_0] : memref<2048x768xf32, #tpu.memory_space<vmem>>, vector<2048x768xf32>
    %get3A_2 = arith.constant 0 : index
    %get3A_3 = arith.constant 0 : index
    %get3A_4 = vector.load %arg1[%get3A_2, %get3A_3] : memref<8x768xf32, #tpu.memory_space<vmem>>, vector<8x768xf32>
    %dot_general3A = arith.constant dense<0.000000e+00> : vector<2048x8xf32>
    %dot_general3A_5 = tpu.matmul %get3A_1, %get3A_4, %dot_general3A {dimension_numbers = #tpu.dot_dimension_numbers<[1], [1], [0], [0], [0, 0, 1, 0], [], []>, transpose_lhs_hint = false} : vector<2048x768xf32>, vector<8x768xf32>, vector<2048x8xf32> -> vector<2048x8xf32>
    %get3A_6 = arith.constant 0 : index
    %get3A_7 = arith.constant 0 : index
    %get3A_8 = vector.load %arg2[%get3A_6, %get3A_7] : memref<1x8xf32, #tpu.memory_space<vmem>>, vector<1x8xf32>
    %add3A = vector.broadcast %get3A_8 : vector<1x8xf32> to vector<2048x8xf32>
    %add3A_9 = arith.addf %dot_general3A_5, %add3A : vector<2048x8xf32>
    %reduce_max3A = arith.constant dense<0xFF800000> : vector<2048xf32>
    %reduce_max3A_10 = vector.multi_reduction <maximumf>, %add3A_9, %reduce_max3A [1] : vector<2048x8xf32> to vector<2048xf32>
    %broadcast_in_dim3A = vector.shape_cast %reduce_max3A_10 : vector<2048xf32> to vector<2048x1xf32>
    %sub3A = vector.broadcast %broadcast_in_dim3A : vector<2048x1xf32> to vector<2048x8xf32>
    %sub3A_11 = arith.subf %add3A_9, %sub3A : vector<2048x8xf32>
    %exp3A = math.exp %sub3A_11 : vector<2048x8xf32>
    %reduce_sum3A = arith.constant dense<0.000000e+00> : vector<2048xf32>
    %reduce_sum3A_12 = vector.multi_reduction <add>, %exp3A, %reduce_sum3A [1] : vector<2048x8xf32> to vector<2048xf32>
    %broadcast_in_dim3A_13 = vector.shape_cast %reduce_sum3A_12 : vector<2048xf32> to vector<2048x1xf32>
    %div3A = vector.broadcast %broadcast_in_dim3A_13 : vector<2048x1xf32> to vector<2048x8xf32>
    %div3A_14 = arith.divf %exp3A, %div3A : vector<2048x8xf32>
    %iota3A = tpu.iota {dimensions = array<i32: 1>} : vector<2048x8xi32>
    %reduce_max3A_15 = arith.constant dense<0xFF800000> : vector<2048xf32>
    %reduce_max3A_16 = vector.multi_reduction <maximumf>, %div3A_14, %reduce_max3A_15 [1] : vector<2048x8xf32> to vector<2048xf32>
    %broadcast_in_dim3A_17 = vector.shape_cast %reduce_max3A_16 : vector<2048xf32> to vector<2048x1xf32>
    %ge3A = vector.broadcast %broadcast_in_dim3A_17 : vector<2048x1xf32> to vector<2048x8xf32>
    %ge3A_18 = arith.cmpf oge, %div3A_14, %ge3A : vector<2048x8xf32>
    %jit3A = arith.constant 8 : i32
    %broadcast_in_dim3A_19 = vector.broadcast %jit3A : i32 to vector<2048x8xi32>
    %select_n3A = arith.select %ge3A_18, %iota3A, %broadcast_in_dim3A_19 : vector<2048x8xi1>, vector<2048x8xi32>
    %reduce_min3A = arith.constant dense<2147483647> : vector<2048xi32>
    %reduce_min3A_20 = vector.multi_reduction <minsi>, %select_n3A, %reduce_min3A [1] : vector<2048x8xi32> to vector<2048xi32>
    %broadcast_in_dim3A_21 = vector.shape_cast %reduce_min3A_20 : vector<2048xi32> to vector<2048x1xi32>
    %eq3A = vector.broadcast %broadcast_in_dim3A_21 : vector<2048x1xi32> to vector<2048x8xi32>
    %eq3A_22 = arith.cmpi eq, %iota3A, %eq3A : vector<2048x8xi32>
    %jit3A_23 = arith.constant -1.000000e+00 : f32
    %broadcast_in_dim3A_24 = vector.broadcast %jit3A_23 : f32 to vector<2048x8xf32>
    %select_n3A_25 = arith.select %eq3A_22, %broadcast_in_dim3A_24, %div3A_14 : vector<2048x8xi1>, vector<2048x8xf32>
    %reduce_max3A_26 = arith.constant dense<0xFF800000> : vector<2048xf32>
    %reduce_max3A_27 = vector.multi_reduction <maximumf>, %select_n3A_25, %reduce_max3A_26 [1] : vector<2048x8xf32> to vector<2048xf32>
    %broadcast_in_dim3A_28 = vector.shape_cast %reduce_max3A_27 : vector<2048xf32> to vector<2048x1xf32>
    %ge3A_29 = vector.broadcast %broadcast_in_dim3A_28 : vector<2048x1xf32> to vector<2048x8xf32>
    %ge3A_30 = arith.cmpf oge, %select_n3A_25, %ge3A_29 : vector<2048x8xf32>
    %jit3A_31 = arith.constant 8 : i32
    %broadcast_in_dim3A_32 = vector.broadcast %jit3A_31 : i32 to vector<2048x8xi32>
    %select_n3A_33 = arith.select %ge3A_30, %iota3A, %broadcast_in_dim3A_32 : vector<2048x8xi1>, vector<2048x8xi32>
    %reduce_min3A_34 = arith.constant dense<2147483647> : vector<2048xi32>
    %reduce_min3A_35 = vector.multi_reduction <minsi>, %select_n3A_33, %reduce_min3A_34 [1] : vector<2048x8xi32> to vector<2048xi32>
    %broadcast_in_dim3A_36 = vector.shape_cast %reduce_min3A_35 : vector<2048xi32> to vector<2048x1xi32>
    %eq3A_37 = vector.broadcast %broadcast_in_dim3A_36 : vector<2048x1xi32> to vector<2048x8xi32>
    %eq3A_38 = arith.cmpi eq, %iota3A, %eq3A_37 : vector<2048x8xi32>
    %broadcast_in_dim3A_39 = arith.constant 1.000000e+00 : f32
    %broadcast_in_dim3A_40 = vector.broadcast %broadcast_in_dim3A_39 : f32 to vector<1x16xf32>
    %add3A_41 = arith.addf %broadcast_in_dim3A_17, %broadcast_in_dim3A_28 : vector<2048x1xf32>
    %div3A_42 = arith.divf %broadcast_in_dim3A_17, %add3A_41 : vector<2048x1xf32>
    %mul3A = vector.broadcast %div3A_42 : vector<2048x1xf32> to vector<2048x16xf32>
    %mul3A_43 = vector.broadcast %broadcast_in_dim3A_40 : vector<1x16xf32> to vector<2048x16xf32>
    %mul3A_44 = arith.mulf %mul3A, %mul3A_43 : vector<2048x16xf32>
    %swap3A = arith.constant 0 : index
    %swap3A_45 = arith.constant 0 : index
    %swap3A_46 = vector.load %arg5[%swap3A, %swap3A_45] : memref<2048x16xf32, #tpu.memory_space<vmem>>, vector<2048x16xf32>
    tpu.vector_store %arg5[%swap3A, %swap3A_45], %mul3A_44 {strides = array<i32>} : memref<2048x16xf32, #tpu.memory_space<vmem>>, vector<2048x16xf32>,
    %add3A_47 = arith.addf %broadcast_in_dim3A_17, %broadcast_in_dim3A_28 : vector<2048x1xf32>
    %div3A_48 = arith.divf %broadcast_in_dim3A_28, %add3A_47 : vector<2048x1xf32>
    %mul3A_49 = vector.broadcast %div3A_48 : vector<2048x1xf32> to vector<2048x16xf32>
    %mul3A_50 = vector.broadcast %broadcast_in_dim3A_40 : vector<1x16xf32> to vector<2048x16xf32>
    %mul3A_51 = arith.mulf %mul3A_49, %mul3A_50 : vector<2048x16xf32>
    %swap3A_52 = arith.constant 0 : index
    %swap3A_53 = arith.constant 0 : index
    %swap3A_54 = vector.load %arg6[%swap3A_52, %swap3A_53] : memref<2048x16xf32, #tpu.memory_space<vmem>>, vector<2048x16xf32>
    tpu.vector_store %arg6[%swap3A_52, %swap3A_53], %mul3A_51 {strides = array<i32>} : memref<2048x16xf32, #tpu.memory_space<vmem>>, vector<2048x16xf32>,
    %convert_element_type3A = arith.extui %eq3A_22 : vector<2048x8xi1> to vector<2048x8xi32>
    %convert_element_type3A_55 = arith.sitofp %convert_element_type3A : vector<2048x8xi32> to vector<2048x8xf32>
    %convert_element_type3A_56 = arith.extui %eq3A_38 : vector<2048x8xi1> to vector<2048x8xi32>
    %convert_element_type3A_57 = arith.sitofp %convert_element_type3A_56 : vector<2048x8xi32> to vector<2048x8xf32>
    %add3A_58 = arith.addf %convert_element_type3A_55, %convert_element_type3A_57 : vector<2048x8xf32>
    %broadcast_in_dim3A_59 = arith.constant 0.000000e+00 : f32
    %broadcast_in_dim3A_60 = vector.broadcast %broadcast_in_dim3A_59 : f32 to vector<1x8xf32>
    %slice3A = vector.extract_strided_slice %add3A_58 {offsets = [0, 0], sizes = [2047, 8], strides = [1, 1]} : vector<2048x8xf32> to vector<2047x8xf32>
    %concatenate3A = tpu.concatenate %broadcast_in_dim3A_60, %slice3A in 0 : vector<1x8xf32>, vector<2047x8xf32> -> vector<2048x8xf32>
    %add3A_61 = arith.addf %add3A_58, %concatenate3A : vector<2048x8xf32>
    %broadcast_in_dim3A_62 = arith.constant 0.000000e+00 : f32
    %broadcast_in_dim3A_63 = vector.broadcast %broadcast_in_dim3A_62 : f32 to vector<2x8xf32>
    %slice3A_64 = vector.extract_strided_slice %add3A_61 {offsets = [0, 0], sizes = [2046, 8], strides = [1, 1]} : vector<2048x8xf32> to vector<2046x8xf32>
    %concatenate3A_65 = tpu.concatenate %broadcast_in_dim3A_63, %slice3A_64 in 0 : vector<2x8xf32>, vector<2046x8xf32> -> vector<2048x8xf32>
    %add3A_66 = arith.addf %add3A_61, %concatenate3A_65 : vector<2048x8xf32>
    %broadcast_in_dim3A_67 = arith.constant 0.000000e+00 : f32
    %broadcast_in_dim3A_68 = vector.broadcast %broadcast_in_dim3A_67 : f32 to vector<4x8xf32>
    %slice3A_69 = vector.extract_strided_slice %add3A_66 {offsets = [0, 0], sizes = [2044, 8], strides = [1, 1]} : vector<2048x8xf32> to vector<2044x8xf32>
    %concatenate3A_70 = tpu.concatenate %broadcast_in_dim3A_68, %slice3A_69 in 0 : vector<4x8xf32>, vector<2044x8xf32> -> vector<2048x8xf32>
    %add3A_71 = arith.addf %add3A_66, %concatenate3A_70 : vector<2048x8xf32>
    %broadcast_in_dim3A_72 = arith.constant 0.000000e+00 : f32
    %broadcast_in_dim3A_73 = vector.broadcast %broadcast_in_dim3A_72 : f32 to vector<8x8xf32>
    %slice3A_74 = vector.extract_strided_slice %add3A_71 {offsets = [0, 0], sizes = [2040, 8], strides = [1, 1]} : vector<2048x8xf32> to vector<2040x8xf32>
    %concatenate3A_75 = tpu.concatenate %broadcast_in_dim3A_73, %slice3A_74 in 0 : vector<8x8xf32>, vector<2040x8xf32> -> vector<2048x8xf32>
    %add3A_76 = arith.addf %add3A_71, %concatenate3A_75 : vector<2048x8xf32>
    %broadcast_in_dim3A_77 = arith.constant 0.000000e+00 : f32
    %broadcast_in_dim3A_78 = vector.broadcast %broadcast_in_dim3A_77 : f32 to vector<16x8xf32>
    %slice3A_79 = vector.extract_strided_slice %add3A_76 {offsets = [0, 0], sizes = [2032, 8], strides = [1, 1]} : vector<2048x8xf32> to vector<2032x8xf32>
    %concatenate3A_80 = tpu.concatenate %broadcast_in_dim3A_78, %slice3A_79 in 0 : vector<16x8xf32>, vector<2032x8xf32> -> vector<2048x8xf32>
    %add3A_81 = arith.addf %add3A_76, %concatenate3A_80 : vector<2048x8xf32>
    %broadcast_in_dim3A_82 = arith.constant 0.000000e+00 : f32
    %broadcast_in_dim3A_83 = vector.broadcast %broadcast_in_dim3A_82 : f32 to vector<32x8xf32>
    %slice3A_84 = vector.extract_strided_slice %add3A_81 {offsets = [0, 0], sizes = [2016, 8], strides = [1, 1]} : vector<2048x8xf32> to vector<2016x8xf32>
    %concatenate3A_85 = tpu.concatenate %broadcast_in_dim3A_83, %slice3A_84 in 0 : vector<32x8xf32>, vector<2016x8xf32> -> vector<2048x8xf32>
    %add3A_86 = arith.addf %add3A_81, %concatenate3A_85 : vector<2048x8xf32>
    %broadcast_in_dim3A_87 = arith.constant 0.000000e+00 : f32
    %broadcast_in_dim3A_88 = vector.broadcast %broadcast_in_dim3A_87 : f32 to vector<64x8xf32>
    %slice3A_89 = vector.extract_strided_slice %add3A_86 {offsets = [0, 0], sizes = [1984, 8], strides = [1, 1]} : vector<2048x8xf32> to vector<1984x8xf32>
    %concatenate3A_90 = tpu.concatenate %broadcast_in_dim3A_88, %slice3A_89 in 0 : vector<64x8xf32>, vector<1984x8xf32> -> vector<2048x8xf32>
    %add3A_91 = arith.addf %add3A_86, %concatenate3A_90 : vector<2048x8xf32>
    %broadcast_in_dim3A_92 = arith.constant 0.000000e+00 : f32
    %broadcast_in_dim3A_93 = vector.broadcast %broadcast_in_dim3A_92 : f32 to vector<128x8xf32>
    %slice3A_94 = vector.extract_strided_slice %add3A_91 {offsets = [0, 0], sizes = [1920, 8], strides = [1, 1]} : vector<2048x8xf32> to vector<1920x8xf32>
    %concatenate3A_95 = tpu.concatenate %broadcast_in_dim3A_93, %slice3A_94 in 0 : vector<128x8xf32>, vector<1920x8xf32> -> vector<2048x8xf32>
    %add3A_96 = arith.addf %add3A_91, %concatenate3A_95 : vector<2048x8xf32>
    %broadcast_in_dim3A_97 = arith.constant 0.000000e+00 : f32
    %broadcast_in_dim3A_98 = vector.broadcast %broadcast_in_dim3A_97 : f32 to vector<256x8xf32>
    %slice3A_99 = vector.extract_strided_slice %add3A_96 {offsets = [0, 0], sizes = [1792, 8], strides = [1, 1]} : vector<2048x8xf32> to vector<1792x8xf32>
    %concatenate3A_100 = tpu.concatenate %broadcast_in_dim3A_98, %slice3A_99 in 0 : vector<256x8xf32>, vector<1792x8xf32> -> vector<2048x8xf32>
    %add3A_101 = arith.addf %add3A_96, %concatenate3A_100 : vector<2048x8xf32>
    %broadcast_in_dim3A_102 = arith.constant 0.000000e+00 : f32
    %broadcast_in_dim3A_103 = vector.broadcast %broadcast_in_dim3A_102 : f32 to vector<512x8xf32>
    %slice3A_104 = vector.extract_strided_slice %add3A_101 {offsets = [0, 0], sizes = [1536, 8], strides = [1, 1]} : vector<2048x8xf32> to vector<1536x8xf32>
    %concatenate3A_105 = tpu.concatenate %broadcast_in_dim3A_103, %slice3A_104 in 0 : vector<512x8xf32>, vector<1536x8xf32> -> vector<2048x8xf32>
    %add3A_106 = arith.addf %add3A_101, %concatenate3A_105 : vector<2048x8xf32>
    %broadcast_in_dim3A_107 = arith.constant 0.000000e+00 : f32
    %broadcast_in_dim3A_108 = vector.broadcast %broadcast_in_dim3A_107 : f32 to vector<1024x8xf32>
    %slice3A_109 = vector.extract_strided_slice %add3A_106 {offsets = [0, 0], sizes = [1024, 8], strides = [1, 1]} : vector<2048x8xf32> to vector<1024x8xf32>
    %concatenate3A_110 = tpu.concatenate %broadcast_in_dim3A_108, %slice3A_109 in 0 : vector<1024x8xf32>, vector<1024x8xf32> -> vector<2048x8xf32>
    %add3A_111 = arith.addf %add3A_106, %concatenate3A_110 : vector<2048x8xf32>
    %slice3A_112 = vector.extract_strided_slice %add3A_111 {offsets = [2047, 0], sizes = [1, 8], strides = [1, 1]} : vector<2048x8xf32> to vector<1x8xf32>
    %sub3A_113 = arith.subf %add3A_111, %add3A_58 : vector<2048x8xf32>
    %add3A_114 = arith.constant 2.550000e+02 : f32
    %add3A_115 = vector.broadcast %add3A_114 : f32 to vector<1x8xf32>
    %add3A_116 = arith.addf %slice3A_112, %add3A_115 : vector<1x8xf32>
    %mul3A_117 = arith.constant 3.906250e-03 : f32
    %mul3A_118 = vector.broadcast %mul3A_117 : f32 to vector<1x8xf32>
    %mul3A_119 = arith.mulf %add3A_116, %mul3A_118 : vector<1x8xf32>
    %floor3A = math.floor %mul3A_119 : vector<1x8xf32>
    %iota3A_120 = tpu.iota {dimensions = array<i32: 0>} : vector<8x8xi32>
    %iota3A_121 = tpu.iota {dimensions = array<i32: 1>} : vector<8x8xi32>
    %le3A = arith.cmpi sle, %iota3A_120, %iota3A_121 : vector<8x8xi32>
    %convert_element_type3A_122 = arith.extui %le3A : vector<8x8xi1> to vector<8x8xi32>
    %convert_element_type3A_123 = arith.sitofp %convert_element_type3A_122 : vector<8x8xi32> to vector<8x8xf32>
    %dot_general3A_124 = arith.constant dense<0.000000e+00> : vector<1x8xf32>
    %dot_general3A_125 = tpu.matmul %floor3A, %convert_element_type3A_123, %dot_general3A_124 {dimension_numbers = #tpu.dot_dimension_numbers<[1], [0], [0], [1], [0, 0, 1, 1], [], []>, transpose_lhs_hint = false} : vector<1x8xf32>, vector<8x8xf32>, vector<1x8xf32> -> vector<1x8xf32>
    %sub3A_126 = arith.subf %dot_general3A_125, %floor3A : vector<1x8xf32>
    %mul3A_127 = arith.constant 2.560000e+02 : f32
    %mul3A_128 = vector.broadcast %mul3A_127 : f32 to vector<1x8xf32>
    %mul3A_129 = arith.mulf %sub3A_126, %mul3A_128 : vector<1x8xf32>
    %mul3A_130 = arith.mulf %convert_element_type3A_55, %sub3A_113 : vector<2048x8xf32>
    %reduce_sum3A_131 = arith.constant dense<0.000000e+00> : vector<2048xf32>
    %reduce_sum3A_132 = vector.multi_reduction <add>, %mul3A_130, %reduce_sum3A_131 [1] : vector<2048x8xf32> to vector<2048xf32>
    %broadcast_in_dim3A_133 = vector.shape_cast %reduce_sum3A_132 : vector<2048xf32> to vector<2048x1xf32>
    %mul3A_134 = arith.mulf %convert_element_type3A_57, %sub3A_113 : vector<2048x8xf32>
    %reduce_sum3A_135 = arith.constant dense<0.000000e+00> : vector<2048xf32>
    %reduce_sum3A_136 = vector.multi_reduction <add>, %mul3A_134, %reduce_sum3A_135 [1] : vector<2048x8xf32> to vector<2048xf32>
    %broadcast_in_dim3A_137 = vector.shape_cast %reduce_sum3A_136 : vector<2048xf32> to vector<2048x1xf32>
    %mul3A_138 = vector.broadcast %mul3A_129 : vector<1x8xf32> to vector<2048x8xf32>
    %mul3A_139 = arith.mulf %convert_element_type3A_55, %mul3A_138 : vector<2048x8xf32>
    %reduce_sum3A_140 = arith.constant dense<0.000000e+00> : vector<2048xf32>
    %reduce_sum3A_141 = vector.multi_reduction <add>, %mul3A_139, %reduce_sum3A_140 [1] : vector<2048x8xf32> to vector<2048xf32>
    %broadcast_in_dim3A_142 = vector.shape_cast %reduce_sum3A_141 : vector<2048xf32> to vector<2048x1xf32>
    %mul3A_143 = vector.broadcast %mul3A_129 : vector<1x8xf32> to vector<2048x8xf32>
    %mul3A_144 = arith.mulf %convert_element_type3A_57, %mul3A_143 : vector<2048x8xf32>
    %reduce_sum3A_145 = arith.constant dense<0.000000e+00> : vector<2048xf32>
    %reduce_sum3A_146 = vector.multi_reduction <add>, %mul3A_144, %reduce_sum3A_145 [1] : vector<2048x8xf32> to vector<2048xf32>
    %broadcast_in_dim3A_147 = vector.shape_cast %reduce_sum3A_146 : vector<2048xf32> to vector<2048x1xf32>
    %add3A_148 = arith.addf %broadcast_in_dim3A_142, %broadcast_in_dim3A_133 : vector<2048x1xf32>
    %convert_element_type3A_149 = arith.fptosi %add3A_148 : vector<2048x1xf32> to vector<2048x1xi32>
    %swap3A_150 = arith.constant 0 : index
    %swap3A_151 = arith.constant 0 : index
    %swap3A_152 = vector.load %arg3[%swap3A_150, %swap3A_151] : memref<2048x1xi32, #tpu.memory_space<vmem>>, vector<2048x1xi32>
    tpu.vector_store %arg3[%swap3A_150, %swap3A_151], %convert_element_type3A_149 {strides = array<i32>} : memref<2048x1xi32, #tpu.memory_space<vmem>>, vector<2048x1xi32>,
    %add3A_153 = arith.addf %broadcast_in_dim3A_147, %broadcast_in_dim3A_137 : vector<2048x1xf32>
    %convert_element_type3A_154 = arith.fptosi %add3A_153 : vector<2048x1xf32> to vector<2048x1xi32>
    %swap3A_155 = arith.constant 0 : index
    %swap3A_156 = arith.constant 0 : index
    %swap3A_157 = vector.load %arg4[%swap3A_155, %swap3A_156] : memref<2048x1xi32, #tpu.memory_space<vmem>>, vector<2048x1xi32>
    tpu.vector_store %arg4[%swap3A_155, %swap3A_156], %convert_element_type3A_154 {strides = array<i32>} : memref<2048x1xi32, #tpu.memory_space<vmem>>, vector<2048x1xi32>,
    %iota3A_158 = tpu.iota {dimensions = array<i32: 0>} : vector<24x8xi32>
    %convert_element_type3A_159 = arith.sitofp %iota3A_158 : vector<24x8xi32> to vector<24x8xf32>
    %ge3A_160 = vector.broadcast %dot_general3A_125 : vector<1x8xf32> to vector<24x8xf32>
    %ge3A_161 = arith.cmpf oge, %convert_element_type3A_159, %ge3A_160 : vector<24x8xf32>
    %convert_element_type3A_162 = arith.extui %ge3A_161 : vector<24x8xi1> to vector<24x8xi32>
    %convert_element_type3A_163 = arith.sitofp %convert_element_type3A_162 : vector<24x8xi32> to vector<24x8xf32>
    %reduce_sum3A_164 = arith.constant dense<0.000000e+00> : vector<24xf32>
    %reduce_sum3A_165 = vector.multi_reduction <add>, %convert_element_type3A_163, %reduce_sum3A_164 [1] : vector<24x8xf32> to vector<24xf32>
    %broadcast_in_dim3A_166 = vector.shape_cast %reduce_sum3A_165 : vector<24xf32> to vector<24x1xf32>
    %min3A = arith.constant 7.000000e+00 : f32
    %min3A_167 = vector.broadcast %min3A : f32 to vector<24x1xf32>
    %min3A_168 = arith.minimumf %broadcast_in_dim3A_166, %min3A_167 : vector<24x1xf32>
    %convert_element_type3A_169 = arith.fptosi %min3A_168 : vector<24x1xf32> to vector<24x1xi32>
    %swap3A_170 = arith.constant 0 : index
    %swap3A_171 = arith.constant 0 : index
    %swap3A_172 = vector.load %arg7[%swap3A_170, %swap3A_171] : memref<24x1xi32, #tpu.memory_space<vmem>>, vector<24x1xi32>
    tpu.vector_store %arg7[%swap3A_170, %swap3A_171], %convert_element_type3A_169 {strides = array<i32>} : memref<24x1xi32, #tpu.memory_space<vmem>>, vector<24x1xi32>,
    %slice3A_173 = vector.extract_strided_slice %dot_general3A_125 {offsets = [0, 7], sizes = [1, 1], strides = [1, 1]} : vector<1x8xf32> to vector<1x1xf32>
    %slice3A_174 = vector.extract_strided_slice %convert_element_type3A_159 {offsets = [0, 0], sizes = [24, 1], strides = [1, 1]} : vector<24x8xf32> to vector<24x1xf32>
    %lt3A = vector.broadcast %slice3A_173 : vector<1x1xf32> to vector<24x1xf32>
    %lt3A_175 = arith.cmpf olt, %slice3A_174, %lt3A : vector<24x1xf32>
    %convert_element_type3A_176 = arith.extui %lt3A_175 : vector<24x1xi1> to vector<24x1xi32>
    %swap3A_177 = arith.constant 0 : index
    %swap3A_178 = arith.constant 0 : index
    %swap3A_179 = vector.load %arg8[%swap3A_177, %swap3A_178] : memref<24x1xi32, #tpu.memory_space<vmem>>, vector<24x1xi32>
    tpu.vector_store %arg8[%swap3A_177, %swap3A_178], %convert_element_type3A_176 {strides = array<i32>} : memref<24x1xi32, #tpu.memory_space<vmem>>, vector<24x1xi32>,
    return
  }
}

module attributes {stable_mosaic.version = 14 : i64} {
  func.func @_ffn_body(%arg0: i32, %arg1: memref<24xi32, #tpu.memory_space<smem>>, %arg2: memref<24xi32, #tpu.memory_space<smem>>, %arg3: memref<256x768xf32, #tpu.memory_space<vmem>>, %arg4: memref<1x3072x768xf32, #tpu.memory_space<vmem>>, %arg5: memref<1x3072x768xf32, #tpu.memory_space<vmem>>, %arg6: memref<1x768x3072xf32, #tpu.memory_space<vmem>>, %arg7: memref<1x1x768xf32, #tpu.memory_space<vmem>>, %arg8: memref<1x1x768xf32, #tpu.memory_space<vmem>>, %arg9: memref<256x768xf32, #tpu.memory_space<vmem>>) attributes {dimension_semantics = [#tpu.dimension_semantics<arbitrary>], iteration_bounds = array<i64: 24>, scalar_prefetch = 2 : i64, scratch_operands = 0 : i64, tpu.core_type = #tpu.core_type<tc>, window_params = [{transform_indices = @transform_0, window_bounds = array<i64: 256, 768>}, {transform_indices = @transform_1, window_bounds = array<i64: 1, 3072, 768>}, {transform_indices = @transform_2, window_bounds = array<i64: 1, 3072, 768>}, {transform_indices = @transform_3, window_bounds = array<i64: 1, 768, 3072>}, {transform_indices = @transform_4, window_bounds = array<i64: 1, 1, 768>}, {transform_indices = @transform_5, window_bounds = array<i64: 1, 1, 768>}, {transform_indices = @transform_6, window_bounds = array<i64: 256, 768>}]} {
    %get3A = arith.index_cast %arg0 : i32 to index
    %get3A_0 = memref.load %arg2[%get3A] : memref<24xi32, #tpu.memory_space<smem>>
    %ne3A = arith.constant 0 : i32
    %ne3A_1 = arith.cmpi ne, %get3A_0, %ne3A : i32
    %convert_element_type3A = arith.extui %ne3A_1 : i1 to i32
    %cond3A = arith.constant 0 : i32
    %cond3A_2 = arith.cmpi ne, %convert_element_type3A, %cond3A : i32
    scf.if %cond3A_2 {
      %get3A_3 = arith.constant 0 : index
      %get3A_4 = arith.constant 0 : index
      %get3A_5 = vector.load %arg3[%get3A_3, %get3A_4] : memref<256x768xf32, #tpu.memory_space<vmem>>, vector<256x768xf32>
      %get3A_6 = arith.constant 0 : index
      %get3A_7 = arith.constant 0 : index
      %get3A_8 = arith.constant 0 : index
      %get3A_9 = vector.load %arg4[%get3A_6, %get3A_7, %get3A_8] : memref<1x3072x768xf32, #tpu.memory_space<vmem>>, vector<1x3072x768xf32>
      %get3A_10 = vector.shape_cast %get3A_9 : vector<1x3072x768xf32> to vector<3072x768xf32>
      %dot_general3A = arith.constant dense<0.000000e+00> : vector<256x3072xf32>
      %dot_general3A_11 = tpu.matmul %get3A_5, %get3A_10, %dot_general3A {dimension_numbers = #tpu.dot_dimension_numbers<[1], [1], [0], [0], [0, 0, 1, 0], [], []>, transpose_lhs_hint = false} : vector<256x768xf32>, vector<3072x768xf32>, vector<256x3072xf32> -> vector<256x3072xf32>
      %get3A_12 = arith.constant 0 : index
      %get3A_13 = arith.constant 0 : index
      %get3A_14 = arith.constant 0 : index
      %get3A_15 = vector.load %arg5[%get3A_12, %get3A_13, %get3A_14] : memref<1x3072x768xf32, #tpu.memory_space<vmem>>, vector<1x3072x768xf32>
      %get3A_16 = vector.shape_cast %get3A_15 : vector<1x3072x768xf32> to vector<3072x768xf32>
      %dot_general3A_17 = arith.constant dense<0.000000e+00> : vector<256x3072xf32>
      %dot_general3A_18 = tpu.matmul %get3A_5, %get3A_16, %dot_general3A_17 {dimension_numbers = #tpu.dot_dimension_numbers<[1], [1], [0], [0], [0, 0, 1, 0], [], []>, transpose_lhs_hint = false} : vector<256x768xf32>, vector<3072x768xf32>, vector<256x3072xf32> -> vector<256x3072xf32>
      %logistic3A = arith.negf %dot_general3A_11 : vector<256x3072xf32>
      %logistic3A_19 = math.exp %logistic3A : vector<256x3072xf32>
      %logistic3A_20 = arith.constant 1.000000e+00 : f32
      %logistic3A_21 = vector.broadcast %logistic3A_20 : f32 to vector<256x3072xf32>
      %logistic3A_22 = arith.addf %logistic3A_21, %logistic3A_19 : vector<256x3072xf32>
      %logistic3A_23 = arith.divf %logistic3A_21, %logistic3A_22 : vector<256x3072xf32>
      %mul3A = arith.mulf %dot_general3A_11, %logistic3A_23 : vector<256x3072xf32>
      %mul3A_24 = arith.mulf %mul3A, %dot_general3A_18 : vector<256x3072xf32>
      %get3A_25 = arith.constant 0 : index
      %get3A_26 = arith.constant 0 : index
      %get3A_27 = arith.constant 0 : index
      %get3A_28 = vector.load %arg6[%get3A_25, %get3A_26, %get3A_27] : memref<1x768x3072xf32, #tpu.memory_space<vmem>>, vector<1x768x3072xf32>
      %get3A_29 = vector.shape_cast %get3A_28 : vector<1x768x3072xf32> to vector<768x3072xf32>
      %dot_general3A_30 = arith.constant dense<0.000000e+00> : vector<256x768xf32>
      %dot_general3A_31 = tpu.matmul %mul3A_24, %get3A_29, %dot_general3A_30 {dimension_numbers = #tpu.dot_dimension_numbers<[1], [1], [0], [0], [0, 0, 1, 0], [], []>, transpose_lhs_hint = false} : vector<256x3072xf32>, vector<768x3072xf32>, vector<256x768xf32> -> vector<256x768xf32>
      %reduce_sum3A = arith.constant dense<0.000000e+00> : vector<256xf32>
      %reduce_sum3A_32 = vector.multi_reduction <add>, %dot_general3A_31, %reduce_sum3A [1] : vector<256x768xf32> to vector<256xf32>
      %broadcast_in_dim3A = vector.shape_cast %reduce_sum3A_32 : vector<256xf32> to vector<256x1xf32>
      %div3A = arith.constant 7.680000e+02 : f32
      %div3A_33 = vector.broadcast %div3A : f32 to vector<256x1xf32>
      %div3A_34 = arith.divf %broadcast_in_dim3A, %div3A_33 : vector<256x1xf32>
      %sub3A = vector.broadcast %div3A_34 : vector<256x1xf32> to vector<256x768xf32>
      %sub3A_35 = arith.subf %dot_general3A_31, %sub3A : vector<256x768xf32>
      %mul3A_36 = arith.mulf %sub3A_35, %sub3A_35 : vector<256x768xf32>
      %reduce_sum3A_37 = arith.constant dense<0.000000e+00> : vector<256xf32>
      %reduce_sum3A_38 = vector.multi_reduction <add>, %mul3A_36, %reduce_sum3A_37 [1] : vector<256x768xf32> to vector<256xf32>
      %broadcast_in_dim3A_39 = vector.shape_cast %reduce_sum3A_38 : vector<256xf32> to vector<256x1xf32>
      %div3A_40 = arith.constant 7.680000e+02 : f32
      %div3A_41 = vector.broadcast %div3A_40 : f32 to vector<256x1xf32>
      %div3A_42 = arith.divf %broadcast_in_dim3A_39, %div3A_41 : vector<256x1xf32>
      %add3A = arith.constant 9.99999974E-6 : f32
      %add3A_43 = vector.broadcast %add3A : f32 to vector<256x1xf32>
      %add3A_44 = arith.addf %div3A_42, %add3A_43 : vector<256x1xf32>
      %rsqrt3A = math.rsqrt %add3A_44 : vector<256x1xf32>
      %mul3A_45 = vector.broadcast %rsqrt3A : vector<256x1xf32> to vector<256x768xf32>
      %mul3A_46 = arith.mulf %sub3A_35, %mul3A_45 : vector<256x768xf32>
      %get3A_47 = arith.constant 0 : index
      %get3A_48 = arith.constant 0 : index
      %get3A_49 = arith.constant 0 : index
      %get3A_50 = vector.load %arg7[%get3A_47, %get3A_48, %get3A_49] : memref<1x1x768xf32, #tpu.memory_space<vmem>>, vector<1x1x768xf32>
      %get3A_51 = vector.shape_cast %get3A_50 : vector<1x1x768xf32> to vector<1x768xf32>
      %mul3A_52 = vector.broadcast %get3A_51 : vector<1x768xf32> to vector<256x768xf32>
      %mul3A_53 = arith.mulf %mul3A_46, %mul3A_52 : vector<256x768xf32>
      %get3A_54 = arith.constant 0 : index
      %get3A_55 = arith.constant 0 : index
      %get3A_56 = arith.constant 0 : index
      %get3A_57 = vector.load %arg8[%get3A_54, %get3A_55, %get3A_56] : memref<1x1x768xf32, #tpu.memory_space<vmem>>, vector<1x1x768xf32>
      %get3A_58 = vector.shape_cast %get3A_57 : vector<1x1x768xf32> to vector<1x768xf32>
      %add3A_59 = vector.broadcast %get3A_58 : vector<1x768xf32> to vector<256x768xf32>
      %add3A_60 = arith.addf %mul3A_53, %add3A_59 : vector<256x768xf32>
      %swap3A = arith.constant 0 : index
      %swap3A_61 = arith.constant 0 : index
      %swap3A_62 = vector.load %arg9[%swap3A, %swap3A_61] : memref<256x768xf32, #tpu.memory_space<vmem>>, vector<256x768xf32>
      tpu.vector_store %arg9[%swap3A, %swap3A_61], %add3A_60 {strides = array<i32>} : memref<256x768xf32, #tpu.memory_space<vmem>>, vector<256x768xf32>,
    } else {
    }
    return
  }
  func.func @transform_0(%arg0: i32, %arg1: memref<24xi32, #tpu.memory_space<smem>>, %arg2: memref<24xi32, #tpu.memory_space<smem>>) -> (i32, i32) {
    %get3A = arith.index_cast %arg0 : i32 to index
    %get3A_0 = memref.load %arg2[%get3A] : memref<24xi32, #tpu.memory_space<smem>>
    %mul3A = arith.muli %arg0, %get3A_0 : i32
    %c0_i32 = arith.constant 0 : i32
    %c0_i32_1 = arith.constant 0 : i32
    return %mul3A, %c0_i32 : i32, i32
  }
  func.func @transform_1(%arg0: i32, %arg1: memref<24xi32, #tpu.memory_space<smem>>, %arg2: memref<24xi32, #tpu.memory_space<smem>>) -> (i32, i32, i32) {
    %get3A = arith.index_cast %arg0 : i32 to index
    %get3A_0 = memref.load %arg1[%get3A] : memref<24xi32, #tpu.memory_space<smem>>
    %c0_i32 = arith.constant 0 : i32
    %c0_i32_1 = arith.constant 0 : i32
    %c0_i32_2 = arith.constant 0 : i32
    return %get3A_0, %c0_i32, %c0_i32_1 : i32, i32, i32
  }
  func.func @transform_2(%arg0: i32, %arg1: memref<24xi32, #tpu.memory_space<smem>>, %arg2: memref<24xi32, #tpu.memory_space<smem>>) -> (i32, i32, i32) {
    %get3A = arith.index_cast %arg0 : i32 to index
    %get3A_0 = memref.load %arg1[%get3A] : memref<24xi32, #tpu.memory_space<smem>>
    %c0_i32 = arith.constant 0 : i32
    %c0_i32_1 = arith.constant 0 : i32
    %c0_i32_2 = arith.constant 0 : i32
    return %get3A_0, %c0_i32, %c0_i32_1 : i32, i32, i32
  }
  func.func @transform_3(%arg0: i32, %arg1: memref<24xi32, #tpu.memory_space<smem>>, %arg2: memref<24xi32, #tpu.memory_space<smem>>) -> (i32, i32, i32) {
    %get3A = arith.index_cast %arg0 : i32 to index
    %get3A_0 = memref.load %arg1[%get3A] : memref<24xi32, #tpu.memory_space<smem>>
    %c0_i32 = arith.constant 0 : i32
    %c0_i32_1 = arith.constant 0 : i32
    %c0_i32_2 = arith.constant 0 : i32
    return %get3A_0, %c0_i32, %c0_i32_1 : i32, i32, i32
  }
  func.func @transform_4(%arg0: i32, %arg1: memref<24xi32, #tpu.memory_space<smem>>, %arg2: memref<24xi32, #tpu.memory_space<smem>>) -> (i32, i32, i32) {
    %get3A = arith.index_cast %arg0 : i32 to index
    %get3A_0 = memref.load %arg1[%get3A] : memref<24xi32, #tpu.memory_space<smem>>
    %c0_i32 = arith.constant 0 : i32
    %c0_i32_1 = arith.constant 0 : i32
    %c0_i32_2 = arith.constant 0 : i32
    return %get3A_0, %c0_i32, %c0_i32_1 : i32, i32, i32
  }
  func.func @transform_5(%arg0: i32, %arg1: memref<24xi32, #tpu.memory_space<smem>>, %arg2: memref<24xi32, #tpu.memory_space<smem>>) -> (i32, i32, i32) {
    %get3A = arith.index_cast %arg0 : i32 to index
    %get3A_0 = memref.load %arg1[%get3A] : memref<24xi32, #tpu.memory_space<smem>>
    %c0_i32 = arith.constant 0 : i32
    %c0_i32_1 = arith.constant 0 : i32
    %c0_i32_2 = arith.constant 0 : i32
    return %get3A_0, %c0_i32, %c0_i32_1 : i32, i32, i32
  }
  func.func @transform_6(%arg0: i32, %arg1: memref<24xi32, #tpu.memory_space<smem>>, %arg2: memref<24xi32, #tpu.memory_space<smem>>) -> (i32, i32) {
    %get3A = arith.index_cast %arg0 : i32 to index
    %get3A_0 = memref.load %arg2[%get3A] : memref<24xi32, #tpu.memory_space<smem>>
    %mul3A = arith.muli %arg0, %get3A_0 : i32
    %get3A_1 = arith.index_cast %arg0 : i32 to index
    %get3A_2 = memref.load %arg2[%get3A_1] : memref<24xi32, #tpu.memory_space<smem>>
    %sub3A = arith.constant 1 : i32
    %sub3A_3 = arith.subi %sub3A, %get3A_2 : i32
    %mul3A_4 = arith.constant 23 : i32
    %mul3A_5 = arith.muli %mul3A_4, %sub3A_3 : i32
    %add3A = arith.addi %mul3A, %mul3A_5 : i32
    %c0_i32 = arith.constant 0 : i32
    %c0_i32_6 = arith.constant 0 : i32
    return %add3A, %c0_i32 : i32, i32
  }
}

</mosaic_0001>

<sc_bundles>
// kernel: kernel.6.cloned.1.call-start
scs
__scs_entry_jumppad:
0x0: {  	(pc) =	sbr.rel $0x88, $3  }
0x1: {  	(tag) =	ssettag $0x0;
	lr =	simm.s32 $0x1  }
0x2: {  	[smem:$0x3F99] =	sst lr;
	_ =	strace $0xD0000000  }
0x3: {  	_ = 	snop  }
0x4: {  	_ = 	snop  }
0x5: {  	_ = 	snop  }
0x6: {  	_ = 	snop  }
0x7: {  	_ = 	snop  }
__scs_overlays_trampoline_lowered:
0x8: {  	[smem:$0x3FA8] =	sst s0  }
0x9: {  	[smem:$0x3FA9] =	sst s1  }
0xa: {  	[smem:$0x3FAA] =	sst s2  }
0xb: {  	[smem:$0x3FAB] =	sst s3  }
0xc: {  	[smem:$0x3FAC] =	sst s4  }
0xd: {  	[smem:$0x3FAD] =	sst s5  }
0xe: {  	[smem:$0x3FAE] =	sst s6  }
0xf: {  	[smem:$0x3FAF] =	sst s7  }
0x10: {  	[smem:$0x3FB0] =	sst s8  }
0x11: {  	[smem:$0x3FB1] =	sst s9;
	s0 =	simm.s32 @!p0 $0x0  }
0x12: {  	s1 =	sld [smem:$0x3F97];
	s0 =	simm.s32 @p0 $0x1  }
0x13: {  	[smem:$0x3FB2] =	sst s0;
	s0 =	simm.s32 @!p1 $0x0  }
0x14: {  	s2 =	sld [smem:$0x3F96];
	s0 =	simm.s32 @p1 $0x1  }
0x15: {  	[smem:$0x3FB3] =	sst s0;
	s0 =	simm.s32 @!p2 $0x0  }
0x16: {  	s3 =	sld [smem:$0x3FDB];
	s0 =	simm.s32 @p2 $0x1  }
0x17: {  	s4 =	simm.s32 $0x1BF5;
	[smem:$0x3FB5] =	sst s0  }
0x18: {  	s0 =	sld [smem:$0x3F98];
	_ =	swait.ge [sflag:s4], $0x0  }
0x19: {  	s7 =	sld [smem:$0x3F99]  }
0x1a: {  	s8 =	sadd.s32 $0xFFFFE003, lr  }
0x1b: {  	s9 =	sadd.s32 $0xFFFFFEF7, lr;
	s5 =	simm.s32 $0xFFFFFFFF;
	p2 =	slt.u32 s8, $0xFFFFF086  }
0x1c: {  	p1 =	slt.u32 s9, $0xF7A;
	s5 =	simm.s32 @!p2 $0x0  }
0x1d: {  	s5 =	simm.s32 @p1 $0x1;
	p0 =	seq.s32 s7, s2  }
0x1e: {  	s7 =	smul.u32 @!p0 $0xF7A, s2;
	p2 =	seq.s32 @!p0 s5, $0x0  }
0x1f: {  	s9 =	smul.u32 $0xF7A, s1;
	s8 =	simm.s32 @!p0 $0x1BF5;
	p2 =	por !p2, p0  }
0x20: {  	[sflag:s8] =	ssyncset.s32 @!p0 $0xFFFFF086;
	s6 =	sadd.s32 @!p0 s3, s7;
	s7 =	simm.s32 @!p0 $0x108  }
0x21: {  	s3 =	sadd.s32 s3, s9;
	s6 =	sadd.s32 @!p0 $0x88, s6;
	s7 =	simm.s32 @p2 $0x1082  }
0x22: {  	[simem:s7], [sflag:s8] =	dma.local @!p0 [hbm:s6], $0xF7A  }
0x23: {  	s9 =	sor.u32 $0xD0000000, s2;
	s6 =	simm.s32 $0x108;
	_ =	swait.ge @!p0 [sflag:s8], $0x0  }
0x24: {  	s3 =	sadd.s32 $0x88, s3;
	s6 =	simm.s32 @!p1 $0x1082;
	[sflag:s4] =	ssyncset.s32 $0xFFFFF086  }
0x25: {  	[simem:s6], [sflag:s4] =	dma.local [hbm:s3], $0xF7A  }
0x26: {  	[smem:$0x3F99] =	sst s1;
	(tag) =	ssettag s2;
	_ =	strace s9  }
0x27: {  	s1 =	sld [smem:$0x3FA9]  }
0x28: {  	s2 =	sld [smem:$0x3FAA]  }
0x29: {  	s4 =	sld [smem:$0x3FAC]  }
0x2a: {  	p0 =	seq.s32 s5, $0x0;
	s5 =	sld [smem:$0x3FAD]  }
0x2b: {  	s6 =	sld [smem:$0x3FAE]  }
0x2c: {  	s7 =	sld [smem:$0x3FAF]  }
0x2d: {  	s3 =	simm.s32 $0x108;
	s8 =	sld [smem:$0x3FB0]  }
0x2e: {  	s3 =	simm.s32 @!p0 $0x1082;
	s9 =	sld [smem:$0x3FB1]  }
0x2f: {  	lr =	sadd.s32 s0, s3;
	s0 =	sld [smem:$0x3FA8]  }
0x30: {  	s3 =	sld [smem:$0x3FAB]  }
0x31: {  	[smem:$0x3FB4] =	sst s10  }
0x32: {  	s10 =	sld [smem:$0x3FB2];
	_ =	sdelay $0x3  }
0x33: {  	p0 =	seq.s32 s10, $0x1;
	s10 =	sld [smem:$0x3FB4];
	_ =	sdelay $0x3  }
0x34: {  	[smem:$0x3FB4] =	sst s10  }
0x35: {  	s10 =	sld [smem:$0x3FB3];
	_ =	sdelay $0x3  }
0x36: {  	p1 =	seq.s32 s10, $0x1;
	s10 =	sld [smem:$0x3FB4];
	_ =	sdelay $0x3  }
0x37: {  	[smem:$0x3FB4] =	sst s10  }
0x38: {  	s10 =	sld [smem:$0x3FB5]  }
0x39: {  	_ = 	snop;
	(pc) =	sbr.ind lr, $3  }
0x3a: {  	_ = 	snop  }
0x3b: {  	_ = 	snop  }
0x3c: {  	p2 =	seq.s32 s10, $0x1;
	s10 =	sld [smem:$0x3FB4]  }
0x3d: {  	_ =	shalt  }
0x3e: {  	_ =	shalt  }
0x3f: {  	_ =	shalt  }
0x40: {  	_ =	shalt  }
0x41: {  	_ =	shalt  }
0x42: {  	_ =	shalt  }
0x43: {  	_ =	shalt  }
0x44: {  	_ =	shalt  }
0x45: {  	_ =	shalt  }
0x46: {  	_ =	shalt  }
0x47: {  	_ =	shalt  }
0x48: {  	_ =	shalt  }
0x49: {  	_ =	shalt  }
0x4a: {  	_ =	shalt  }
0x4b: {  	_ =	shalt  }
0x4c: {  	_ =	shalt  }
0x4d: {  	_ =	shalt  }
0x4e: {  	_ =	shalt  }
0x4f: {  	_ =	shalt  }
0x50: {  	_ =	shalt  }
0x51: {  	_ =	shalt  }
0x52: {  	_ =	shalt  }
0x53: {  	_ =	shalt  }
0x54: {  	_ =	shalt  }
0x55: {  	_ =	shalt  }
0x56: {  	_ =	shalt  }
0x57: {  	_ =	shalt  }
0x58: {  	_ =	shalt  }
0x59: {  	_ =	shalt  }
0x5a: {  	_ =	shalt  }
0x5b: {  	_ =	shalt  }
0x5c: {  	_ =	shalt  }
0x5d: {  	_ =	shalt  }
0x5e: {  	_ =	shalt  }
0x5f: {  	_ =	shalt  }
0x60: {  	_ =	shalt  }
0x61: {  	_ =	shalt  }
0x62: {  	_ =	shalt  }
0x63: {  	_ =	shalt  }
0x64: {  	_ =	shalt  }
0x65: {  	_ =	shalt  }
0x66: {  	_ =	shalt  }
0x67: {  	_ =	shalt  }
0x68: {  	_ =	shalt  }
0x69: {  	_ =	shalt  }
0x6a: {  	_ =	shalt  }
0x6b: {  	_ =	shalt  }
0x6c: {  	_ =	shalt  }
0x6d: {  	_ =	shalt  }
0x6e: {  	_ =	shalt  }
0x6f: {  	_ =	shalt  }
0x70: {  	_ =	shalt  }
0x71: {  	_ =	shalt  }
0x72: {  	_ =	shalt  }
0x73: {  	_ =	shalt  }
0x74: {  	_ =	shalt  }
0x75: {  	_ =	shalt  }
0x76: {  	_ =	shalt  }
0x77: {  	_ =	shalt  }
0x78: {  	_ =	shalt  }
0x79: {  	_ =	shalt  }
0x7a: {  	_ =	shalt  }
0x7b: {  	_ =	shalt  }
0x7c: {  	_ =	shalt  }
0x7d: {  	_ =	shalt  }
0x7e: {  	_ =	shalt  }
0x7f: {  	_ =	shalt  }
0x80: {  	_ =	shalt  }
0x81: {  	_ =	shalt  }
0x82: {  	_ =	shalt  }
0x83: {  	_ =	shalt  }
0x84: {  	_ =	shalt  }
0x85: {  	_ =	shalt  }
0x86: {  	_ =	shalt  }
0x87: {  	_ =	shalt  }
.Lfunc_end0:
.L_simem_size_0:
called_computation_lowered:
.L_overlay_start_0:
0x88: {  	s2 =	sld [smem:$0x3FD9]  }
0x89: {  	s3 =	sld [smem:$0x3FFE];
	_ =	sdelay $0x1  }
0x8a: {  	s1 =	srdreg.scid  }
0x8b: {  	s0 =	sand.u32 $0x1, s1  }
0x8c: {  	s17 =	sshll.u32 s0, $0xA;
	s2 =	sadd.s32 s3, s2  }
0x8d: {  	s2 =	sadd.s32 s2, s17  }
0x8e: {  	[smem:$0x3FC0] =	sst s2  }
0x8f: {  	_ = 	snop  }
0x90: {  	s2 =	sld [smem:$0x3FC9];
	(tm) =	ssettm $0x1  }
0x91: {  	s18 =	sld [smem:$0x3FFB];
	_ =	sdelay $0x3  }
0x92: {  	_ =	strace s18  }
0x93: {  	s3 =	sld [smem:$0x3FFC];
	_ =	sdelay $0x3  }
0x94: {  	_ =	strace s3  }
0x95: {  	s3 =	sld [smem:$0x3FFD];
	_ =	sdelay $0x3  }
0x96: {  	_ =	strace s3  }
0x97: {  	_ =	strace $0x8FFFFFFF  }
0x98: {  	s19 =	sld [smem:$0x3FDB];
	_ =	sdelay $0x1  }
0x99: {  	s4 =	simm.s32 $_scs_section_size  }
0x9a: {  	s5 =	simm.s32 $_size__tile_overlayer_lowered;
	s6 =	simm.s32 $_tile_overlayer_lowered  }
0x9b: {  	s22 =	simm.s32 $0x1BFF;
	s21 =	sshll.u32 s6, $0x1;
	s3 =	sadd.s32 s4, s19  }
0x9c: {  	s7 =	simm.s32 $0x0;
	s20 =	sshll.u32 s5, $0x1;
	s5 =	sadd.s32 s21, s3  }
0x9d: {  	[timem:s7], [sflag:s22] =	dma.local [hbm:s5], s20  }
0x9e: {  	_ =	swait.ge [sflag:s22], s20  }
0x9f: {  	s4 =	ssub.s32 $0x0, s20;
	[sflag:s22] =	ssyncset.done $0x0  }
0xa0: {  	[sflag:s22] =	ssyncadd.s32 s4;
	_ =	sdelay $0x1  }
0xa1: {  	s23 =	simm.s32 $0x1B8B  }
0xa2: {  	_ =	swait.ge [sflag:s23], $0x1  }
0xa3: {  	[sflag:s23] =	ssyncset.done $0x0  }
0xa4: {  	s25 =	simm.s32 $0x1B8E;
	s24 =	sld [smem:$0x3FFE];
	[sflag:s23] =	ssyncadd.s32 $0xFFFFFFFF  }
0xa5: {  	s26 =	simm.s32 $execute0_lowered;
	[smem:$0x3FD2] =	sst s25  }
0xa6: {  	s5 =	sshll.u32 s26, $0x1;
	_ =	strace $0x80000046;
	[dreg:$0x1] =	wrdreg $0xFFFFFFFF  }
0xa7: {  	s28 =	simm.s32 $_size_execute0_lowered;
	s3 =	sadd.s32 s3, s5;
	[dreg:$0x0] =	wrdreg $0x0  }
0xa8: {  	s5 =	sshll.u32 s28, $0x1;
	[dreg:$0x2] =	wrdreg s3  }
0xa9: {  	[dreg:$0x3] =	wrdreg s5  }
0xaa: {  	[dreg:$0x4] =	wrdreg $0xC0  }
0xab: {  	_ =	task [dreg:s7], $0x5FFFF  }
0xac: {  	[dreg:$0x1] =	wrdreg $0xFFFFFFFF  }
0xad: {  	[dreg:$0x0] =	wrdreg $0x60  }
0xae: {  	[dreg:$0x2] =	wrdreg s2  }
0xaf: {  	[dreg:$0x3] =	wrdreg s24  }
0xb0: {  	[dreg:$0x4] =	wrdreg $0x9  }
0xb1: {  	_ =	task.clear_ibuf [dreg:s7], $0x5FFFF;
	_ =	strace $0x90000046  }
0xb2: {  	s29 =	simm.s32 $0x9;
	_ =	strace $0x80000048  }
0xb3: {  	_ =	swait.ge [sflag:s29], $0x1  }
0xb4: {  	[sflag:s29] =	ssyncadd.s32 $0xFFFFFFFF  }
0xb5: {  	_ =	strace $0x90000048  }
0xb6: {  	_ =	sfence  }
0xb7: {  	s30 =	sld [smem:$0x0];
	_ =	sdelay $0x2  }
0xb8: {  	s31 =	sshll.u32 s1, $0xD;
	s1 =	sshrl.u32 s1, $0x2  }
0xb9: {  	s3 =	sand.u32 $0x4000, s31;
	s1 =	sadd.s32 s1, s30  }
0xba: {  	s0 =	sor.u32 s3, s0;
	s1 =	sshll.u32 s1, $0x11  }
0xbb: {  	s0 =	sor.u32 s1, s0  }
0xbc: {  	s0 =	sadd.s32 $0x8F2B, s0  }
0xbd: {  	[sflag:s0] =	ssyncadd.remote.s32 $0x1  }
0xbe: {  	_ =	sfence.sel $0xFFFF  }
0xbf: {  	[dreg:$0x0] =	wrdreg $0xFFFFFFFF;
	(pc) =	sbr.abs _section_cstart, $3  }
0xc0: {  	[dreg:$0x1] =	wrdreg $0xFFFFFFFF  }
0xc1: {  	_ =	task.clear_ibuf [dreg:s7], $0x2FFFF;
	_ =	strace $0x9FFFFFFF  }
0xc2: {  	(tm) =	ssettm $0x7FFFFFFF  }
0xc3: {  	_ =	shalt  }
tec
execute0_lowered:
.L_overlay_start_1:
0x0: {  	(tag) =	ssettag $0x1  }
0x1: {  	s0 =	rddreg [dreg:$0x0]  }
0x2: {  	s1 =	rddreg [dreg:$0x1];
	s2 =	srdreg.scid  }
0x3: {  	s3 =	stileid.u32;
	s26 =	simm.s32 $0x80;
	s9 =	simm.s32 $0x2  }
0x4: {  	s12 =	simm.s32 $0x1900;
	s13 =	simm.s32 $0x2100;
	s14 =	simm.s32 $0x2900  }
0x5: {  	s15 =	simm.s32 $0x3100;
	s16 =	simm.s32 $0x3900;
	s17 =	simm.s32 $0x4100  }
0x6: {  	s18 =	simm.s32 $0x4900;
	s19 =	simm.s32 $0x5100;
	s20 =	simm.s32 $0x5900  }
0x7: {  	s21 =	simm.s32 $0x6100;
	s22 =	simm.s32 $0x6900;
	s23 =	simm.s32 $0x7100  }
0x8: {  	s24 =	simm.s32 $0x7900;
	s28 =	simm.s32 $0x9100;
	s29 =	simm.s32 $0x9900  }
0x9: {  	s30 =	simm.s32 $0xA100;
	s31 =	simm.s32 $0xA900;
	s4 =	sand.u32 $0x1, s2  }
0xa: {  	s2 =	simm.s32 $0x0;
	s3 =	sshll.u32 s3, $0x4;
	s5 =	sshll.u32 s4, $0x3  }
0xb: {  	[smem:$0x7FF] =	sst s2;
	s4 =	ssub.s32 $0x2, s4;
	s5 =	sor.u32 s5, s3  }
0xc: {  	_ =	strace $0x80000047;
	s3 =	sadd.s32 $0x10600, s1;
	s8 =	sshrl.u32 s4, $0x1  }
0xd: {  	[dreg:$0x6] =	wrdreg s26;
	s26 =	simm.s32 $0x8900;
	s6 =	sadd.s32 s5, s1  }
0xe: {  	s5 =	smul.u32 $0x300, s5;
	s25 =	ssub.s32 s4, s8;
	s7 =	sadd.s32 $0x10200, s6  }
0xf: {  	s4 =	sadd.s32 $0x10700, s1;
	s6 =	sadd.s32 $0x10400, s6;
	[dreg:$0x3] =	wrdreg s7  }
0x10: {  	v2 =	vlaneseq.u32;
	s8 =	simm.s32 $0xB900;
	[dreg:$0x4] =	wrdreg s6;
	s0 =	sadd.s32 s0, s5  }
0x11: {  	vm0 =	vmmov $0xffff;
	v1 =	vshrl.u32 v2, $0x3;
	s5 =	sadd.s32 $0x10800, s1;
	s6 =	smax.u32 s25, $0x1;
	s7 =	simm.s32 $0x3  }
0x12: {  	v0 =	vand.u32 $0x7, v2;
	v2 =	vor.u32 $0x8, v2;
	v1 =	vmul.u32 $0x8, v1;
	s1 =	simm.s32 $0x100;
	s25 =	simm.s32 $0x8100;
	[dreg:$0x5] =	wrdreg s0  }
.LBB2_1:
0x13: {  	s10 =	rddreg [dreg:$0x3]  }
0x14: {  	[tilespmem:s2], [sflag:$0x3] =	stream.linear.gather [hbm4b:s10+s2], $0x40, $0x38;
	[tilespmem:$0xC100] =	vst v63  }
0x15: {  	_ =	swait.ge [sflag:s7], $0x40  }
0x16: {  	s0 =	rddreg [dreg:$0x4];
	[sflag:s7] =	ssyncset.done $0x0  }
0x17: {  	s11 =	rddreg [dreg:$0x6];
	[sflag:s7] =	ssyncadd.s32 $0xFFFFFFC0  }
0x18: {  	[tilespmem:s11], [sflag:$0x3] =	stream.linear.gather [hbm4b:s0+s2], $0x40, $0x38;
	[tilespmem:$0xC100] =	vst v63  }
0x19: {  	_ =	swait.ge [sflag:s7], $0x40  }
0x1a: {  	[sflag:s7] =	ssyncset.done $0x0  }
0x1b: {  	s0 =	rddreg [dreg:$0x5];
	[sflag:s7] =	ssyncadd.s32 $0xFFFFFFC0  }
0x1c: {  	[tilespmem:s1], [sflag:$0x3] =	stream.linear.gather [hbm4b:s0+s2], $0xC000, $0x38;
	[tilespmem:$0xC100] =	vst v63  }
0x1d: {  	_ =	swait.ge [sflag:s7], $0xC000  }
0x1e: {  	[sflag:s7] =	ssyncset.done $0x0  }
0x1f: {  	[sflag:s7] =	ssyncadd.s32 $0xFFFF4000  }
0x20: {  	v3 =	vld [tilespmem:$0x0];
	_ =	sdelay $0x4  }
0x21: {  	v4 =	vshrl.u32 v3, $0x3  }
0x22: {  	v4 =	vmul.u32 $0x30, v4  }
0x23: {  	v3 =	vand.u32 $0x7, v3  }
0x24: {  	v3 =	vor.u32 v3, v4  }
0x25: {  	v4 =	vperm.xlane v3, v0;
	_ =	sdelay $0x1  }
0x26: {  	v4 =	vadd.s32 v1, v4;
	_ =	sdelay $0x3  }
0x27: {  	v3 =	vperm.xlane v3, v2  }
0x28: {  	[hbm4b:s3+s2] =	stream.indirect_vreg.scatter [tilespmem:s1], [sflag:$0x1], $0x80, v4, vm0, $0xb8;
	[tilespmem:$0xC100] =	vst v63  }
0x29: {  	s10 =	simm.s32 $0x900;
	v3 =	vadd.s32 v1, v3  }
0x2a: {  	[hbm4b:s4+s2] =	stream.indirect_vreg.scatter [tilespmem:s10], [sflag:$0x1], $0x80, v4, vm0, $0xb8;
	[tilespmem:$0xC100] =	vst v63  }
0x2b: {  	s11 =	simm.s32 $0x1100  }
0x2c: {  	[hbm4b:s5+s2] =	stream.indirect_vreg.scatter [tilespmem:s11], [sflag:$0x1], $0x80, v4, vm0, $0xb8;
	[tilespmem:$0xC100] =	vst v63  }
0x2d: {  	_ = 	snop  }
0x2e: {  	[hbm4b:s3+s2] =	stream.indirect_vreg.scatter [tilespmem:s12], [sflag:$0x1], $0x80, v3, vm0, $0xb8;
	[tilespmem:$0xC100] =	vst v63  }
0x2f: {  	_ = 	snop  }
0x30: {  	[hbm4b:s4+s2] =	stream.indirect_vreg.scatter [tilespmem:s13], [sflag:$0x1], $0x80, v3, vm0, $0xb8;
	[tilespmem:$0xC100] =	vst v63  }
0x31: {  	_ = 	snop  }
0x32: {  	[hbm4b:s5+s2] =	stream.indirect_vreg.scatter [tilespmem:s14], [sflag:$0x1], $0x80, v3, vm0, $0xb8;
	[tilespmem:$0xC100] =	vst v63  }
0x33: {  	v3 =	vld [tilespmem:$0x10];
	_ =	sdelay $0x4  }
0x34: {  	v57 =	vshrl.u32 v3, $0x3  }
0x35: {  	v4 =	vmul.u32 $0x30, v57  }
0x36: {  	v3 =	vand.u32 $0x7, v3  }
0x37: {  	v3 =	vor.u32 v3, v4  }
0x38: {  	v4 =	vperm.xlane v3, v0;
	_ =	sdelay $0x1  }
0x39: {  	v4 =	vadd.s32 v1, v4;
	_ =	sdelay $0x3  }
0x3a: {  	v3 =	vperm.xlane v3, v2  }
0x3b: {  	[hbm4b:s3+s2] =	stream.indirect_vreg.scatter [tilespmem:s15], [sflag:$0x1], $0x80, v4, vm0, $0xb8;
	[tilespmem:$0xC100] =	vst v63  }
0x3c: {  	v3 =	vadd.s32 v1, v3  }
0x3d: {  	[hbm4b:s4+s2] =	stream.indirect_vreg.scatter [tilespmem:s16], [sflag:$0x1], $0x80, v4, vm0, $0xb8;
	[tilespmem:$0xC100] =	vst v63  }
0x3e: {  	_ = 	snop  }
0x3f: {  	[hbm4b:s5+s2] =	stream.indirect_vreg.scatter [tilespmem:s17], [sflag:$0x1], $0x80, v4, vm0, $0xb8;
	[tilespmem:$0xC100] =	vst v63  }
0x40: {  	_ = 	snop  }
0x41: {  	[hbm4b:s3+s2] =	stream.indirect_vreg.scatter [tilespmem:s18], [sflag:$0x1], $0x80, v3, vm0, $0xb8;
	[tilespmem:$0xC100] =	vst v63  }
0x42: {  	_ = 	snop  }
0x43: {  	[hbm4b:s4+s2] =	stream.indirect_vreg.scatter [tilespmem:s19], [sflag:$0x1], $0x80, v3, vm0, $0xb8;
	[tilespmem:$0xC100] =	vst v63  }
0x44: {  	_ = 	snop  }
0x45: {  	[hbm4b:s5+s2] =	stream.indirect_vreg.scatter [tilespmem:s20], [sflag:$0x1], $0x80, v3, vm0, $0xb8;
	[tilespmem:$0xC100] =	vst v63  }
0x46: {  	v3 =	vld [tilespmem:$0x20];
	_ =	sdelay $0x4  }
0x47: {  	v58 =	vshrl.u32 v3, $0x3  }
0x48: {  	v4 =	vmul.u32 $0x30, v58  }
0x49: {  	v3 =	vand.u32 $0x7, v3  }
0x4a: {  	v3 =	vor.u32 v3, v4  }
0x4b: {  	v4 =	vperm.xlane v3, v0;
	_ =	sdelay $0x1  }
0x4c: {  	v4 =	vadd.s32 v1, v4;
	_ =	sdelay $0x3  }
0x4d: {  	v3 =	vperm.xlane v3, v2  }
0x4e: {  	[hbm4b:s3+s2] =	stream.indirect_vreg.scatter [tilespmem:s21], [sflag:$0x1], $0x80, v4, vm0, $0xb8;
	[tilespmem:$0xC100] =	vst v63  }
0x4f: {  	v3 =	vadd.s32 v1, v3  }
0x50: {  	[hbm4b:s4+s2] =	stream.indirect_vreg.scatter [tilespmem:s22], [sflag:$0x1], $0x80, v4, vm0, $0xb8;
	[tilespmem:$0xC100] =	vst v63  }
0x51: {  	_ = 	snop  }
0x52: {  	[hbm4b:s5+s2] =	stream.indirect_vreg.scatter [tilespmem:s23], [sflag:$0x1], $0x80, v4, vm0, $0xb8;
	[tilespmem:$0xC100] =	vst v63  }
0x53: {  	_ = 	snop  }
0x54: {  	[hbm4b:s3+s2] =	stream.indirect_vreg.scatter [tilespmem:s24], [sflag:$0x1], $0x80, v3, vm0, $0xb8;
	[tilespmem:$0xC100] =	vst v63  }
0x55: {  	_ = 	snop  }
0x56: {  	[hbm4b:s4+s2] =	stream.indirect_vreg.scatter [tilespmem:s25], [sflag:$0x1], $0x80, v3, vm0, $0xb8;
	[tilespmem:$0xC100] =	vst v63  }
0x57: {  	_ = 	snop  }
0x58: {  	[hbm4b:s5+s2] =	stream.indirect_vreg.scatter [tilespmem:s26], [sflag:$0x1], $0x80, v3, vm0, $0xb8;
	[tilespmem:$0xC100] =	vst v63  }
0x59: {  	v3 =	vld [tilespmem:$0x30];
	_ =	sdelay $0x4  }
0x5a: {  	v59 =	vshrl.u32 v3, $0x3  }
0x5b: {  	v4 =	vmul.u32 $0x30, v59  }
0x5c: {  	v3 =	vand.u32 $0x7, v3  }
0x5d: {  	v3 =	vor.u32 v3, v4  }
0x5e: {  	v4 =	vperm.xlane v3, v0;
	_ =	sdelay $0x1  }
0x5f: {  	v4 =	vadd.s32 v1, v4;
	_ =	sdelay $0x3  }
0x60: {  	v3 =	vperm.xlane v3, v2  }
0x61: {  	[hbm4b:s3+s2] =	stream.indirect_vreg.scatter [tilespmem:s28], [sflag:$0x1], $0x80, v4, vm0, $0xb8;
	[tilespmem:$0xC100] =	vst v63  }
0x62: {  	v3 =	vadd.s32 v1, v3  }
0x63: {  	[hbm4b:s4+s2] =	stream.indirect_vreg.scatter [tilespmem:s29], [sflag:$0x1], $0x80, v4, vm0, $0xb8;
	[tilespmem:$0xC100] =	vst v63  }
0x64: {  	_ = 	snop  }
0x65: {  	[hbm4b:s5+s2] =	stream.indirect_vreg.scatter [tilespmem:s30], [sflag:$0x1], $0x80, v4, vm0, $0xb8;
	[tilespmem:$0xC100] =	vst v63  }
0x66: {  	_ = 	snop  }
0x67: {  	[hbm4b:s3+s2] =	stream.indirect_vreg.scatter [tilespmem:s31], [sflag:$0x1], $0x80, v3, vm0, $0xb8;
	[tilespmem:$0xC100] =	vst v63  }
0x68: {  	s0 =	simm.s32 $0xB100  }
0x69: {  	[hbm4b:s4+s2] =	stream.indirect_vreg.scatter [tilespmem:s0], [sflag:$0x1], $0x80, v3, vm0, $0xb8;
	[tilespmem:$0xC100] =	vst v63  }
0x6a: {  	_ = 	snop  }
0x6b: {  	[hbm4b:s5+s2] =	stream.indirect_vreg.scatter [tilespmem:s8], [sflag:$0x1], $0x80, v3, vm0, $0xb8;
	[tilespmem:$0xC100] =	vst v63  }
0x6c: {  	v3 =	vld [tilespmem:$0x80];
	_ =	sdelay $0x4  }
0x6d: {  	v60 =	vshrl.u32 v3, $0x3  }
0x6e: {  	v4 =	vmul.u32 $0x30, v60  }
0x6f: {  	v3 =	vand.u32 $0x7, v3  }
0x70: {  	v3 =	vor.u32 v3, v4  }
0x71: {  	v4 =	vperm.xlane v3, v0;
	_ =	sdelay $0x1  }
0x72: {  	v4 =	vadd.s32 v1, v4;
	_ =	sdelay $0x3  }
0x73: {  	v3 =	vperm.xlane v3, v2  }
0x74: {  	[hbm4b:s3+s2] =	stream.indirect_vreg.scatter [tilespmem:s1], [sflag:$0x2], $0x80, v4, vm0, $0xb8;
	[tilespmem:$0xC100] =	vst v63  }
0x75: {  	v3 =	vadd.s32 v1, v3  }
0x76: {  	[hbm4b:s4+s2] =	stream.indirect_vreg.scatter [tilespmem:s10], [sflag:$0x2], $0x80, v4, vm0, $0xb8;
	[tilespmem:$0xC100] =	vst v63  }
0x77: {  	_ = 	snop  }
0x78: {  	[hbm4b:s5+s2] =	stream.indirect_vreg.scatter [tilespmem:s11], [sflag:$0x2], $0x80, v4, vm0, $0xb8;
	[tilespmem:$0xC100] =	vst v63  }
0x79: {  	_ = 	snop  }
0x7a: {  	[hbm4b:s3+s2] =	stream.indirect_vreg.scatter [tilespmem:s12], [sflag:$0x2], $0x80, v3, vm0, $0xb8;
	[tilespmem:$0xC100] =	vst v63  }
0x7b: {  	_ = 	snop  }
0x7c: {  	[hbm4b:s4+s2] =	stream.indirect_vreg.scatter [tilespmem:s13], [sflag:$0x2], $0x80, v3, vm0, $0xb8;
	[tilespmem:$0xC100] =	vst v63  }
0x7d: {  	_ = 	snop  }
0x7e: {  	[hbm4b:s5+s2] =	stream.indirect_vreg.scatter [tilespmem:s14], [sflag:$0x2], $0x80, v3, vm0, $0xb8;
	[tilespmem:$0xC100] =	vst v63  }
0x7f: {  	v3 =	vld [tilespmem:$0x90];
	_ =	sdelay $0x4  }
0x80: {  	v61 =	vshrl.u32 v3, $0x3  }
0x81: {  	v4 =	vmul.u32 $0x30, v61  }
0x82: {  	v3 =	vand.u32 $0x7, v3  }
0x83: {  	v3 =	vor.u32 v3, v4  }
0x84: {  	v4 =	vperm.xlane v3, v0;
	_ =	sdelay $0x1  }
0x85: {  	v4 =	vadd.s32 v1, v4;
	_ =	sdelay $0x3  }
0x86: {  	v3 =	vperm.xlane v3, v2  }
0x87: {  	[hbm4b:s3+s2] =	stream.indirect_vreg.scatter [tilespmem:s15], [sflag:$0x2], $0x80, v4, vm0, $0xb8;
	[tilespmem:$0xC100] =	vst v63  }
0x88: {  	v3 =	vadd.s32 v1, v3  }
0x89: {  	[hbm4b:s4+s2] =	stream.indirect_vreg.scatter [tilespmem:s16], [sflag:$0x2], $0x80, v4, vm0, $0xb8;
	[tilespmem:$0xC100] =	vst v63  }
0x8a: {  	_ = 	snop  }
0x8b: {  	[hbm4b:s5+s2] =	stream.indirect_vreg.scatter [tilespmem:s17], [sflag:$0x2], $0x80, v4, vm0, $0xb8;
	[tilespmem:$0xC100] =	vst v63  }
0x8c: {  	_ = 	snop  }
0x8d: {  	[hbm4b:s3+s2] =	stream.indirect_vreg.scatter [tilespmem:s18], [sflag:$0x2], $0x80, v3, vm0, $0xb8;
	[tilespmem:$0xC100] =	vst v63  }
0x8e: {  	_ = 	snop  }
0x8f: {  	[hbm4b:s4+s2] =	stream.indirect_vreg.scatter [tilespmem:s19], [sflag:$0x2], $0x80, v3, vm0, $0xb8;
	[tilespmem:$0xC100] =	vst v63  }
0x90: {  	_ = 	snop  }
0x91: {  	[hbm4b:s5+s2] =	stream.indirect_vreg.scatter [tilespmem:s20], [sflag:$0x2], $0x80, v3, vm0, $0xb8;
	[tilespmem:$0xC100] =	vst v63  }
0x92: {  	v3 =	vld [tilespmem:$0xA0];
	_ =	sdelay $0x4  }
0x93: {  	v62 =	vshrl.u32 v3, $0x3  }
0x94: {  	v4 =	vmul.u32 $0x30, v62  }
0x95: {  	v3 =	vand.u32 $0x7, v3  }
0x96: {  	v3 =	vor.u32 v3, v4  }
0x97: {  	v4 =	vperm.xlane v3, v0;
	_ =	sdelay $0x1  }
0x98: {  	v4 =	vadd.s32 v1, v4;
	_ =	sdelay $0x3  }
0x99: {  	v3 =	vperm.xlane v3, v2  }
0x9a: {  	[hbm4b:s3+s2] =	stream.indirect_vreg.scatter [tilespmem:s21], [sflag:$0x2], $0x80, v4, vm0, $0xb8;
	[tilespmem:$0xC100] =	vst v63  }
0x9b: {  	v3 =	vadd.s32 v1, v3  }
0x9c: {  	[hbm4b:s4+s2] =	stream.indirect_vreg.scatter [tilespmem:s22], [sflag:$0x2], $0x80, v4, vm0, $0xb8;
	[tilespmem:$0xC100] =	vst v63  }
0x9d: {  	_ = 	snop  }
0x9e: {  	[hbm4b:s5+s2] =	stream.indirect_vreg.scatter [tilespmem:s23], [sflag:$0x2], $0x80, v4, vm0, $0xb8;
	[tilespmem:$0xC100] =	vst v63  }
0x9f: {  	_ = 	snop  }
0xa0: {  	[hbm4b:s3+s2] =	stream.indirect_vreg.scatter [tilespmem:s24], [sflag:$0x2], $0x80, v3, vm0, $0xb8;
	[tilespmem:$0xC100] =	vst v63  }
0xa1: {  	_ = 	snop  }
0xa2: {  	[hbm4b:s4+s2] =	stream.indirect_vreg.scatter [tilespmem:s25], [sflag:$0x2], $0x80, v3, vm0, $0xb8;
	[tilespmem:$0xC100] =	vst v63  }
0xa3: {  	_ = 	snop  }
0xa4: {  	[hbm4b:s5+s2] =	stream.indirect_vreg.scatter [tilespmem:s26], [sflag:$0x2], $0x80, v3, vm0, $0xb8;
	[tilespmem:$0xC100] =	vst v63  }
0xa5: {  	v3 =	vld [tilespmem:$0xB0];
	_ =	sdelay $0x4  }
0xa6: {  	v63 =	vshrl.u32 v3, $0x3  }
0xa7: {  	v4 =	vmul.u32 $0x30, v63  }
0xa8: {  	v3 =	vand.u32 $0x7, v3  }
0xa9: {  	v3 =	vor.u32 v3, v4  }
0xaa: {  	v4 =	vperm.xlane v3, v0;
	_ =	sdelay $0x1  }
0xab: {  	v4 =	vadd.s32 v1, v4;
	_ =	sdelay $0x3  }
0xac: {  	v3 =	vperm.xlane v3, v2  }
0xad: {  	[hbm4b:s3+s2] =	stream.indirect_vreg.scatter [tilespmem:s28], [sflag:$0x2], $0x80, v4, vm0, $0xb8;
	[tilespmem:$0xC100] =	vst v63  }
0xae: {  	v3 =	vadd.s32 v1, v3  }
0xaf: {  	[hbm4b:s4+s2] =	stream.indirect_vreg.scatter [tilespmem:s29], [sflag:$0x2], $0x80, v4, vm0, $0xb8;
	[tilespmem:$0xC100] =	vst v63  }
0xb0: {  	_ = 	snop  }
0xb1: {  	[hbm4b:s5+s2] =	stream.indirect_vreg.scatter [tilespmem:s30], [sflag:$0x2], $0x80, v4, vm0, $0xb8;
	[tilespmem:$0xC100] =	vst v63  }
0xb2: {  	_ = 	snop  }
0xb3: {  	[hbm4b:s3+s2] =	stream.indirect_vreg.scatter [tilespmem:s31], [sflag:$0x2], $0x80, v3, vm0, $0xb8;
	[tilespmem:$0xC100] =	vst v63  }
0xb4: {  	_ = 	snop  }
0xb5: {  	[hbm4b:s4+s2] =	stream.indirect_vreg.scatter [tilespmem:s0], [sflag:$0x2], $0x80, v3, vm0, $0xb8;
	[tilespmem:$0xC100] =	vst v63  }
0xb6: {  	s11 =	simm.s32 $0x1  }
0xb7: {  	[hbm4b:s5+s2] =	stream.indirect_vreg.scatter [tilespmem:s8], [sflag:$0x2], $0x80, v3, vm0, $0xb8;
	[tilespmem:$0xC100] =	vst v63  }
0xb8: {  	p0 =	sne.s32 s6, $0x1;
	_ =	swait.ge [sflag:s11], $0xC000  }
.Ltmp0:
0xb9: {  	[sflag:s11] =	ssyncset.done $0x0;
	(pc) =	sbr.rel @p0 .LBB2_1-.Ltmp0, $4  }
0xba: {  	[sflag:s11] =	ssyncadd.s32 $0xFFFF4000  }
0xbb: {  	_ =	swait.ge [sflag:s9], $0xC000  }
0xbc: {  	[sflag:s9] =	ssyncset.done $0x0  }
0xbd: {  	s6 =	sadd.s32 $0xFFFFFFFF, s6;
	[sflag:s9] =	ssyncadd.s32 $0xFFFF4000  }
0xbe: {  	_ =	sfence.sel $0x180000  }
0xbf: {  	[bflag:$0x0] =	sbarrier.arrive $0xFFFF  }
0xc0: {  	_ =	strace $0x90000047  }
0xc1: {  	s0 =	stileid.u32;
	[bflag:$0x2] =	sbarrier.arrive $0xFFFF  }
0xc2: {  	p0 =	sne.s32 s0, $0x0;
	s0 =	rddreg [dreg:$0x2]  }
0xc3: {  	s0 =	sadd.s32 @!p0 $0x100000, s0  }
0xc4: {  	[sflag:s0] =	ssyncadd.tile.s32 @!p0 $0x1;
	_ =	shalt  }
.Lfunc_end2:
_tile_overlayer_lowered:
.L_overlay_start_2:
0xc5: {  	(tag) =	ssettag $0x2  }
0xc6: {  	s0 =	rddreg [dreg:$0x0];
	s2 =	stileid.u32  }
0xc7: {  	s1 =	rddreg [dreg:$0x1];
	p0 =	sne.s32 s2, $0x0  }
0xc8: {  	s3 =	rddreg [dreg:$0x2];
	[bflag:$0x3] =	sbarrier.arrive $0xFFFF;
	s2 =	simm.s32 @!p0 $0x1C03  }
0xc9: {  	[timem:s3], [sflag:s2] =	dma.local @!p0 [hbm:s0], s1  }
0xca: {  	s0 =	simm.s32 @!p0 $0x3  }
0xcb: {  	_ =	swait.ge @!p0 [sflag:s0], s1  }
0xcc: {  	s1 =	ssub.s32 @!p0 $0x0, s1;
	[sflag:s0] =	ssyncset.done @!p0 $0x0  }
0xcd: {  	[sflag:s0] =	ssyncadd.s32 @!p0 s1  }
0xce: {  	[bflag:$0x3] =	sbarrier.arrive $0xFFFF  }
0xcf: {  	_ =	shalt  }

// kernel: kernel.9.cloned.1.call-start
scs
__scs_entry_jumppad:
0x0: {  	(pc) =	sbr.rel $0x88, $3  }
0x1: {  	(tag) =	ssettag $0x0;
	lr =	simm.s32 $0x1  }
0x2: {  	[smem:$0x3F99] =	sst lr;
	_ =	strace $0xD0000000  }
0x3: {  	_ = 	snop  }
0x4: {  	_ = 	snop  }
0x5: {  	_ = 	snop  }
0x6: {  	_ = 	snop  }
0x7: {  	_ = 	snop  }
__scs_overlays_trampoline_lowered:
0x8: {  	[smem:$0x3FA8] =	sst s0  }
0x9: {  	[smem:$0x3FA9] =	sst s1  }
0xa: {  	[smem:$0x3FAA] =	sst s2  }
0xb: {  	[smem:$0x3FAB] =	sst s3  }
0xc: {  	[smem:$0x3FAC] =	sst s4  }
0xd: {  	[smem:$0x3FAD] =	sst s5  }
0xe: {  	[smem:$0x3FAE] =	sst s6  }
0xf: {  	[smem:$0x3FAF] =	sst s7  }
0x10: {  	[smem:$0x3FB0] =	sst s8  }
0x11: {  	[smem:$0x3FB1] =	sst s9;
	s0 =	simm.s32 @!p0 $0x0  }
0x12: {  	s1 =	sld [smem:$0x3F97];
	s0 =	simm.s32 @p0 $0x1  }
0x13: {  	[smem:$0x3FB2] =	sst s0;
	s0 =	simm.s32 @!p1 $0x0  }
0x14: {  	s2 =	sld [smem:$0x3F96];
	s0 =	simm.s32 @p1 $0x1  }
0x15: {  	[smem:$0x3FB3] =	sst s0;
	s0 =	simm.s32 @!p2 $0x0  }
0x16: {  	s3 =	sld [smem:$0x3FDB];
	s0 =	simm.s32 @p2 $0x1  }
0x17: {  	s4 =	simm.s32 $0x1BF5;
	[smem:$0x3FB5] =	sst s0  }
0x18: {  	s0 =	sld [smem:$0x3F98];
	_ =	swait.ge [sflag:s4], $0x0  }
0x19: {  	s7 =	sld [smem:$0x3F99]  }
0x1a: {  	s8 =	sadd.s32 $0xFFFFE003, lr  }
0x1b: {  	s9 =	sadd.s32 $0xFFFFFEF7, lr;
	s5 =	simm.s32 $0xFFFFFFFF;
	p2 =	slt.u32 s8, $0xFFFFF086  }
0x1c: {  	p1 =	slt.u32 s9, $0xF7A;
	s5 =	simm.s32 @!p2 $0x0  }
0x1d: {  	s5 =	simm.s32 @p1 $0x1;
	p0 =	seq.s32 s7, s2  }
0x1e: {  	s7 =	smul.u32 @!p0 $0xF7A, s2;
	p2 =	seq.s32 @!p0 s5, $0x0  }
0x1f: {  	s9 =	smul.u32 $0xF7A, s1;
	s8 =	simm.s32 @!p0 $0x1BF5;
	p2 =	por !p2, p0  }
0x20: {  	[sflag:s8] =	ssyncset.s32 @!p0 $0xFFFFF086;
	s6 =	sadd.s32 @!p0 s3, s7;
	s7 =	simm.s32 @!p0 $0x108  }
0x21: {  	s3 =	sadd.s32 s3, s9;
	s6 =	sadd.s32 @!p0 $0x88, s6;
	s7 =	simm.s32 @p2 $0x1082  }
0x22: {  	[simem:s7], [sflag:s8] =	dma.local @!p0 [hbm:s6], $0xF7A  }
0x23: {  	s9 =	sor.u32 $0xD0000000, s2;
	s6 =	simm.s32 $0x108;
	_ =	swait.ge @!p0 [sflag:s8], $0x0  }
0x24: {  	s3 =	sadd.s32 $0x88, s3;
	s6 =	simm.s32 @!p1 $0x1082;
	[sflag:s4] =	ssyncset.s32 $0xFFFFF086  }
0x25: {  	[simem:s6], [sflag:s4] =	dma.local [hbm:s3], $0xF7A  }
0x26: {  	[smem:$0x3F99] =	sst s1;
	(tag) =	ssettag s2;
	_ =	strace s9  }
0x27: {  	s1 =	sld [smem:$0x3FA9]  }
0x28: {  	s2 =	sld [smem:$0x3FAA]  }
0x29: {  	s4 =	sld [smem:$0x3FAC]  }
0x2a: {  	p0 =	seq.s32 s5, $0x0;
	s5 =	sld [smem:$0x3FAD]  }
0x2b: {  	s6 =	sld [smem:$0x3FAE]  }
0x2c: {  	s7 =	sld [smem:$0x3FAF]  }
0x2d: {  	s3 =	simm.s32 $0x108;
	s8 =	sld [smem:$0x3FB0]  }
0x2e: {  	s3 =	simm.s32 @!p0 $0x1082;
	s9 =	sld [smem:$0x3FB1]  }
0x2f: {  	lr =	sadd.s32 s0, s3;
	s0 =	sld [smem:$0x3FA8]  }
0x30: {  	s3 =	sld [smem:$0x3FAB]  }
0x31: {  	[smem:$0x3FB4] =	sst s10  }
0x32: {  	s10 =	sld [smem:$0x3FB2];
	_ =	sdelay $0x3  }
0x33: {  	p0 =	seq.s32 s10, $0x1;
	s10 =	sld [smem:$0x3FB4];
	_ =	sdelay $0x3  }
0x34: {  	[smem:$0x3FB4] =	sst s10  }
0x35: {  	s10 =	sld [smem:$0x3FB3];
	_ =	sdelay $0x3  }
0x36: {  	p1 =	seq.s32 s10, $0x1;
	s10 =	sld [smem:$0x3FB4];
	_ =	sdelay $0x3  }
0x37: {  	[smem:$0x3FB4] =	sst s10  }
0x38: {  	s10 =	sld [smem:$0x3FB5]  }
0x39: {  	_ = 	snop;
	(pc) =	sbr.ind lr, $3  }
0x3a: {  	_ = 	snop  }
0x3b: {  	_ = 	snop  }
0x3c: {  	p2 =	seq.s32 s10, $0x1;
	s10 =	sld [smem:$0x3FB4]  }
0x3d: {  	_ =	shalt  }
0x3e: {  	_ =	shalt  }
0x3f: {  	_ =	shalt  }
0x40: {  	_ =	shalt  }
0x41: {  	_ =	shalt  }
0x42: {  	_ =	shalt  }
0x43: {  	_ =	shalt  }
0x44: {  	_ =	shalt  }
0x45: {  	_ =	shalt  }
0x46: {  	_ =	shalt  }
0x47: {  	_ =	shalt  }
0x48: {  	_ =	shalt  }
0x49: {  	_ =	shalt  }
0x4a: {  	_ =	shalt  }
0x4b: {  	_ =	shalt  }
0x4c: {  	_ =	shalt  }
0x4d: {  	_ =	shalt  }
0x4e: {  	_ =	shalt  }
0x4f: {  	_ =	shalt  }
0x50: {  	_ =	shalt  }
0x51: {  	_ =	shalt  }
0x52: {  	_ =	shalt  }
0x53: {  	_ =	shalt  }
0x54: {  	_ =	shalt  }
0x55: {  	_ =	shalt  }
0x56: {  	_ =	shalt  }
0x57: {  	_ =	shalt  }
0x58: {  	_ =	shalt  }
0x59: {  	_ =	shalt  }
0x5a: {  	_ =	shalt  }
0x5b: {  	_ =	shalt  }
0x5c: {  	_ =	shalt  }
0x5d: {  	_ =	shalt  }
0x5e: {  	_ =	shalt  }
0x5f: {  	_ =	shalt  }
0x60: {  	_ =	shalt  }
0x61: {  	_ =	shalt  }
0x62: {  	_ =	shalt  }
0x63: {  	_ =	shalt  }
0x64: {  	_ =	shalt  }
0x65: {  	_ =	shalt  }
0x66: {  	_ =	shalt  }
0x67: {  	_ =	shalt  }
0x68: {  	_ =	shalt  }
0x69: {  	_ =	shalt  }
0x6a: {  	_ =	shalt  }
0x6b: {  	_ =	shalt  }
0x6c: {  	_ =	shalt  }
0x6d: {  	_ =	shalt  }
0x6e: {  	_ =	shalt  }
0x6f: {  	_ =	shalt  }
0x70: {  	_ =	shalt  }
0x71: {  	_ =	shalt  }
0x72: {  	_ =	shalt  }
0x73: {  	_ =	shalt  }
0x74: {  	_ =	shalt  }
0x75: {  	_ =	shalt  }
0x76: {  	_ =	shalt  }
0x77: {  	_ =	shalt  }
0x78: {  	_ =	shalt  }
0x79: {  	_ =	shalt  }
0x7a: {  	_ =	shalt  }
0x7b: {  	_ =	shalt  }
0x7c: {  	_ =	shalt  }
0x7d: {  	_ =	shalt  }
0x7e: {  	_ =	shalt  }
0x7f: {  	_ =	shalt  }
0x80: {  	_ =	shalt  }
0x81: {  	_ =	shalt  }
0x82: {  	_ =	shalt  }
0x83: {  	_ =	shalt  }
0x84: {  	_ =	shalt  }
0x85: {  	_ =	shalt  }
0x86: {  	_ =	shalt  }
0x87: {  	_ =	shalt  }
.Lfunc_end0:
.L_simem_size_0:
called_computation.1_lowered:
.L_overlay_start_0:
0x88: {  	s2 =	sld [smem:$0x3FD9]  }
0x89: {  	s3 =	sld [smem:$0x3FFE];
	_ =	sdelay $0x1  }
0x8a: {  	s1 =	srdreg.scid  }
0x8b: {  	s0 =	sand.u32 $0x1, s1  }
0x8c: {  	s17 =	sshll.u32 s0, $0xA;
	s2 =	sadd.s32 s3, s2  }
0x8d: {  	s2 =	sadd.s32 s2, s17  }
0x8e: {  	[smem:$0x3FC0] =	sst s2  }
0x8f: {  	_ = 	snop  }
0x90: {  	s2 =	sld [smem:$0x3FD0];
	(tm) =	ssettm $0x1  }
0x91: {  	s18 =	sld [smem:$0x3FFB];
	_ =	sdelay $0x3  }
0x92: {  	_ =	strace s18  }
0x93: {  	s3 =	sld [smem:$0x3FFC];
	_ =	sdelay $0x3  }
0x94: {  	_ =	strace s3  }
0x95: {  	s3 =	sld [smem:$0x3FFD];
	_ =	sdelay $0x3  }
0x96: {  	_ =	strace s3  }
0x97: {  	_ =	strace $0x8FFFFFFF  }
0x98: {  	s19 =	sld [smem:$0x3FDB];
	_ =	sdelay $0x1  }
0x99: {  	s4 =	simm.s32 $_scs_section_size  }
0x9a: {  	s5 =	simm.s32 $_size__tile_overlayer_lowered;
	s6 =	simm.s32 $_tile_overlayer_lowered  }
0x9b: {  	s22 =	simm.s32 $0x1BFF;
	s21 =	sshll.u32 s6, $0x1;
	s3 =	sadd.s32 s4, s19  }
0x9c: {  	s7 =	simm.s32 $0x0;
	s20 =	sshll.u32 s5, $0x1;
	s5 =	sadd.s32 s21, s3  }
0x9d: {  	[timem:s7], [sflag:s22] =	dma.local [hbm:s5], s20  }
0x9e: {  	_ =	swait.ge [sflag:s22], s20  }
0x9f: {  	s4 =	ssub.s32 $0x0, s20;
	[sflag:s22] =	ssyncset.done $0x0  }
0xa0: {  	[sflag:s22] =	ssyncadd.s32 s4;
	_ =	sdelay $0x1  }
0xa1: {  	s23 =	simm.s32 $0x1B8B  }
0xa2: {  	_ =	swait.ge [sflag:s23], $0x1  }
0xa3: {  	[sflag:s23] =	ssyncset.done $0x0  }
0xa4: {  	s25 =	simm.s32 $0x1B8E;
	s24 =	sld [smem:$0x3FFE];
	[sflag:s23] =	ssyncadd.s32 $0xFFFFFFFF  }
0xa5: {  	s26 =	simm.s32 $execute0_lowered;
	[smem:$0x3FD2] =	sst s25  }
0xa6: {  	s5 =	sshll.u32 s26, $0x1;
	_ =	strace $0x80000049;
	[dreg:$0x1] =	wrdreg $0xFFFFFFFF  }
0xa7: {  	s28 =	simm.s32 $_size_execute0_lowered;
	s3 =	sadd.s32 s3, s5;
	[dreg:$0x0] =	wrdreg $0x0  }
0xa8: {  	s5 =	sshll.u32 s28, $0x1;
	[dreg:$0x2] =	wrdreg s3  }
0xa9: {  	[dreg:$0x3] =	wrdreg s5  }
0xaa: {  	[dreg:$0x4] =	wrdreg $0xC0  }
0xab: {  	_ =	task [dreg:s7], $0x5FFFF  }
0xac: {  	[dreg:$0x1] =	wrdreg $0xFFFFFFFF  }
0xad: {  	[dreg:$0x0] =	wrdreg $0x60  }
0xae: {  	[dreg:$0x2] =	wrdreg s24  }
0xaf: {  	[dreg:$0x3] =	wrdreg s2  }
0xb0: {  	[dreg:$0x4] =	wrdreg $0x9  }
0xb1: {  	_ =	task.clear_ibuf [dreg:s7], $0x5FFFF;
	_ =	strace $0x90000049  }
0xb2: {  	s29 =	simm.s32 $0x9;
	_ =	strace $0x8000004B  }
0xb3: {  	_ =	swait.ge [sflag:s29], $0x1  }
0xb4: {  	[sflag:s29] =	ssyncadd.s32 $0xFFFFFFFF  }
0xb5: {  	_ =	strace $0x9000004B  }
0xb6: {  	_ =	sfence  }
0xb7: {  	s30 =	sld [smem:$0x0];
	_ =	sdelay $0x2  }
0xb8: {  	s31 =	sshll.u32 s1, $0xD;
	s1 =	sshrl.u32 s1, $0x2  }
0xb9: {  	s3 =	sand.u32 $0x4000, s31;
	s1 =	sadd.s32 s1, s30  }
0xba: {  	s0 =	sor.u32 s3, s0;
	s1 =	sshll.u32 s1, $0x11  }
0xbb: {  	s0 =	sor.u32 s1, s0  }
0xbc: {  	s0 =	sadd.s32 $0x8F2B, s0  }
0xbd: {  	[sflag:s0] =	ssyncadd.remote.s32 $0x1  }
0xbe: {  	_ =	sfence.sel $0xFFFF  }
0xbf: {  	[dreg:$0x0] =	wrdreg $0xFFFFFFFF;
	(pc) =	sbr.abs _section_cstart, $3  }
0xc0: {  	[dreg:$0x1] =	wrdreg $0xFFFFFFFF  }
0xc1: {  	_ =	task.clear_ibuf [dreg:s7], $0x2FFFF;
	_ =	strace $0x9FFFFFFF  }
0xc2: {  	(tm) =	ssettm $0x7FFFFFFF  }
0xc3: {  	_ =	shalt  }
tec
execute0_lowered:
.L_overlay_start_1:
0x0: {  	(tag) =	ssettag $0x1  }
0x1: {  	s0 =	rddreg [dreg:$0x0]  }
0x2: {  	s1 =	rddreg [dreg:$0x1];
	s3 =	srdreg.scid;
	s2 =	simm.s32 $0x0  }
0x3: {  	s5 =	stileid.u32;
	s12 =	simm.s32 $0x3;
	s13 =	simm.s32 $0x4100  }
0x4: {  	s25 =	simm.s32 $0x2100;
	s28 =	simm.s32 $0x2;
	s29 =	simm.s32 $0x0  }
0x5: {  	s4 =	sand.u32 $0x1, s3;
	[smem:$0x7FF] =	sst s2;
	s26 =	sshll.u32 s5, $0x7  }
0x6: {  	s3 =	sadd.s32 $0xA0E00, s0;
	s30 =	sshll.u32 s4, $0x6;
	s4 =	ssub.s32 $0x2, s4  }
0x7: {  	_ =	strace $0x8000004A;
	s5 =	sor.u32 s30, s26;
	s6 =	sshrl.u32 s4, $0x1  }
0x8: {  	v2 =	vlaneseq.u32;
	s26 =	simm.s32 $0x1;
	s7 =	sshrl.u32 s5, $0x3;
	s5 =	sshll.u32 s5, $0x4  }
0x9: {  	v0 =	vand.u32 $0x7, v2;
	v1 =	vshrl.u32 v2, $0x3;
	s11 =	ssub.s32 s4, s6;
	s6 =	sadd.s32 $0xA1000, s0;
	s8 =	sadd.s32 s7, s0  }
0xa: {  	v63 =	vor.u32 $0x8, v2;
	[tilespmem:$0x1FFD0] =	vst v0;
	v62 =	vmul.u32 $0x8, v1;
	s9 =	sadd.s32 s5, s0;
	s5 =	sadd.s32 $0xA0F00, s0;
	s31 =	smul.u32 $0x300, s7  }
0xb: {  	[tilespmem:$0x1FFF0] =	vst v63;
	s11 =	smax.u32 s11, $0x1;
	s4 =	sadd.s32 $0x10200, s8;
	s7 =	sadd.s32 $0x10400, s8  }
0xc: {  	vm0 =	vmmov $0xffff;
	[tilespmem:$0x1FFE0] =	vst v62;
	s8 =	sadd.s32 $0x200, s9;
	s9 =	sadd.s32 $0x8200, s9;
	s10 =	sadd.s32 s1, s31  }
.LBB2_1:
0xd: {  	[tilespmem:s2], [sflag:$0x3] =	stream.linear.gather [hbm4b:s4+s2], $0x40, $0x38;
	[tilespmem:$0x1C100] =	vst v63  }
0xe: {  	_ =	swait.ge [sflag:s12], $0x40  }
0xf: {  	[sflag:s12] =	ssyncset.done $0x0  }
0x10: {  	[sflag:s12] =	ssyncadd.s32 $0xFFFFFFC0  }
0x11: {  	v3 =	vld [tilespmem:$0x0];
	_ =	sdelay $0x3  }
0x12: {  	v0 =	vld [tilespmem:$0x1FFD0]  }
0x13: {  	v4 =	vshrl.u32 v3, $0x3  }
0x14: {  	v1 =	vld [tilespmem:$0x1FFE0];
	v4 =	vmul.u32 $0x30, v4  }
0x15: {  	v3 =	vand.u32 $0x7, v3  }
0x16: {  	v3 =	vor.u32 v3, v4  }
0x17: {  	v4 =	vperm.xlane v3, v0  }
0x18: {  	v2 =	vld [tilespmem:$0x1FFF0]  }
0x19: {  	v4 =	vadd.s32 v1, v4;
	_ =	sdelay $0x3  }
0x1a: {  	v3 =	vperm.xlane v3, v2  }
0x1b: {  	[tilespmem:s13], [sflag:$0x1] =	stream.indirect_vreg.gather [hbm4b:s3+s2], $0x80, v4, vm0, $0xb8;
	[tilespmem:$0x1C100] =	vst v63  }
0x1c: {  	s0 =	simm.s32 $0x4900;
	v3 =	vadd.s32 v1, v3  }
0x1d: {  	[tilespmem:s0], [sflag:$0x1] =	stream.indirect_vreg.gather [hbm4b:s5+s2], $0x80, v4, vm0, $0xb8;
	[tilespmem:$0x1C100] =	vst v63  }
0x1e: {  	s1 =	simm.s32 $0x5100  }
0x1f: {  	[tilespmem:s1], [sflag:$0x1] =	stream.indirect_vreg.gather [hbm4b:s6+s2], $0x80, v4, vm0, $0xb8;
	[tilespmem:$0x1C100] =	vst v63  }
0x20: {  	s14 =	simm.s32 $0x5900  }
0x21: {  	[tilespmem:s14], [sflag:$0x1] =	stream.indirect_vreg.gather [hbm4b:s3+s2], $0x80, v3, vm0, $0xb8;
	[tilespmem:$0x1C100] =	vst v63  }
0x22: {  	s15 =	simm.s32 $0x6100  }
0x23: {  	[tilespmem:s15], [sflag:$0x1] =	stream.indirect_vreg.gather [hbm4b:s5+s2], $0x80, v3, vm0, $0xb8;
	[tilespmem:$0x1C100] =	vst v63  }
0x24: {  	s16 =	simm.s32 $0x6900  }
0x25: {  	[tilespmem:s16], [sflag:$0x1] =	stream.indirect_vreg.gather [hbm4b:s6+s2], $0x80, v3, vm0, $0xb8;
	[tilespmem:$0x1C100] =	vst v63  }
0x26: {  	v3 =	vld [tilespmem:$0x10];
	_ =	sdelay $0x4  }
0x27: {  	v56 =	vshrl.u32 v3, $0x3  }
0x28: {  	v4 =	vmul.u32 $0x30, v56  }
0x29: {  	v3 =	vand.u32 $0x7, v3  }
0x2a: {  	v3 =	vor.u32 v3, v4  }
0x2b: {  	v4 =	vperm.xlane v3, v0;
	_ =	sdelay $0x1  }
0x2c: {  	v4 =	vadd.s32 v1, v4;
	_ =	sdelay $0x3  }
0x2d: {  	s17 =	simm.s32 $0x7100;
	v3 =	vperm.xlane v3, v2  }
0x2e: {  	[tilespmem:s17], [sflag:$0x1] =	stream.indirect_vreg.gather [hbm4b:s3+s2], $0x80, v4, vm0, $0xb8;
	[tilespmem:$0x1C100] =	vst v63  }
0x2f: {  	s18 =	simm.s32 $0x7900;
	v3 =	vadd.s32 v1, v3  }
0x30: {  	[tilespmem:s18], [sflag:$0x1] =	stream.indirect_vreg.gather [hbm4b:s5+s2], $0x80, v4, vm0, $0xb8;
	[tilespmem:$0x1C100] =	vst v63  }
0x31: {  	s19 =	simm.s32 $0x8100  }
0x32: {  	[tilespmem:s19], [sflag:$0x1] =	stream.indirect_vreg.gather [hbm4b:s6+s2], $0x80, v4, vm0, $0xb8;
	[tilespmem:$0x1C100] =	vst v63  }
0x33: {  	s20 =	simm.s32 $0x8900  }
0x34: {  	[tilespmem:s20], [sflag:$0x1] =	stream.indirect_vreg.gather [hbm4b:s3+s2], $0x80, v3, vm0, $0xb8;
	[tilespmem:$0x1C100] =	vst v63  }
0x35: {  	s21 =	simm.s32 $0x9100  }
0x36: {  	[tilespmem:s21], [sflag:$0x1] =	stream.indirect_vreg.gather [hbm4b:s5+s2], $0x80, v3, vm0, $0xb8;
	[tilespmem:$0x1C100] =	vst v63  }
0x37: {  	s22 =	simm.s32 $0x9900  }
0x38: {  	[tilespmem:s22], [sflag:$0x1] =	stream.indirect_vreg.gather [hbm4b:s6+s2], $0x80, v3, vm0, $0xb8;
	[tilespmem:$0x1C100] =	vst v63  }
0x39: {  	v3 =	vld [tilespmem:$0x20];
	_ =	sdelay $0x4  }
0x3a: {  	v57 =	vshrl.u32 v3, $0x3  }
0x3b: {  	v4 =	vmul.u32 $0x30, v57  }
0x3c: {  	v3 =	vand.u32 $0x7, v3  }
0x3d: {  	v3 =	vor.u32 v3, v4  }
0x3e: {  	v4 =	vperm.xlane v3, v0;
	_ =	sdelay $0x1  }
0x3f: {  	v4 =	vadd.s32 v1, v4;
	_ =	sdelay $0x3  }
0x40: {  	s23 =	simm.s32 $0xA100;
	v3 =	vperm.xlane v3, v2  }
0x41: {  	[tilespmem:s23], [sflag:$0x1] =	stream.indirect_vreg.gather [hbm4b:s3+s2], $0x80, v4, vm0, $0xb8;
	[tilespmem:$0x1C100] =	vst v63  }
0x42: {  	s24 =	simm.s32 $0xA900;
	v3 =	vadd.s32 v1, v3  }
0x43: {  	[tilespmem:s24], [sflag:$0x1] =	stream.indirect_vreg.gather [hbm4b:s5+s2], $0x80, v4, vm0, $0xb8;
	[tilespmem:$0x1C100] =	vst v63  }
0x44: {  	s1 =	simm.s32 $0xB100  }
0x45: {  	[tilespmem:s1], [sflag:$0x1] =	stream.indirect_vreg.gather [hbm4b:s6+s2], $0x80, v4, vm0, $0xb8;
	[tilespmem:$0x1C100] =	vst v63  }
0x46: {  	s14 =	simm.s32 $0xB900  }
0x47: {  	[tilespmem:s14], [sflag:$0x1] =	stream.indirect_vreg.gather [hbm4b:s3+s2], $0x80, v3, vm0, $0xb8;
	[tilespmem:$0x1C100] =	vst v63  }
0x48: {  	s15 =	simm.s32 $0xC100  }
0x49: {  	[tilespmem:s15], [sflag:$0x1] =	stream.indirect_vreg.gather [hbm4b:s5+s2], $0x80, v3, vm0, $0xb8;
	[tilespmem:$0x1C100] =	vst v63  }
0x4a: {  	s16 =	simm.s32 $0xC900  }
0x4b: {  	[tilespmem:s16], [sflag:$0x1] =	stream.indirect_vreg.gather [hbm4b:s6+s2], $0x80, v3, vm0, $0xb8;
	[tilespmem:$0x1C100] =	vst v63  }
0x4c: {  	v3 =	vld [tilespmem:$0x30];
	_ =	sdelay $0x4  }
0x4d: {  	v58 =	vshrl.u32 v3, $0x3  }
0x4e: {  	v4 =	vmul.u32 $0x30, v58  }
0x4f: {  	v3 =	vand.u32 $0x7, v3  }
0x50: {  	v3 =	vor.u32 v3, v4  }
0x51: {  	v4 =	vperm.xlane v3, v0;
	_ =	sdelay $0x1  }
0x52: {  	v4 =	vadd.s32 v1, v4;
	_ =	sdelay $0x3  }
0x53: {  	s17 =	simm.s32 $0xD100;
	v3 =	vperm.xlane v3, v2  }
0x54: {  	[tilespmem:s17], [sflag:$0x1] =	stream.indirect_vreg.gather [hbm4b:s3+s2], $0x80, v4, vm0, $0xb8;
	[tilespmem:$0x1C100] =	vst v63  }
0x55: {  	s18 =	simm.s32 $0xD900;
	v3 =	vadd.s32 v1, v3  }
0x56: {  	[tilespmem:s18], [sflag:$0x1] =	stream.indirect_vreg.gather [hbm4b:s5+s2], $0x80, v4, vm0, $0xb8;
	[tilespmem:$0x1C100] =	vst v63  }
0x57: {  	s19 =	simm.s32 $0xE100  }
0x58: {  	[tilespmem:s19], [sflag:$0x1] =	stream.indirect_vreg.gather [hbm4b:s6+s2], $0x80, v4, vm0, $0xb8;
	[tilespmem:$0x1C100] =	vst v63  }
0x59: {  	s20 =	simm.s32 $0xE900  }
0x5a: {  	[tilespmem:s20], [sflag:$0x1] =	stream.indirect_vreg.gather [hbm4b:s3+s2], $0x80, v3, vm0, $0xb8;
	[tilespmem:$0x1C100] =	vst v63  }
0x5b: {  	s21 =	simm.s32 $0xF100  }
0x5c: {  	[tilespmem:s21], [sflag:$0x1] =	stream.indirect_vreg.gather [hbm4b:s5+s2], $0x80, v3, vm0, $0xb8;
	[tilespmem:$0x1C100] =	vst v63  }
0x5d: {  	s22 =	simm.s32 $0xF900  }
0x5e: {  	[tilespmem:s22], [sflag:$0x1] =	stream.indirect_vreg.gather [hbm4b:s6+s2], $0x80, v3, vm0, $0xb8;
	[tilespmem:$0x1C100] =	vst v63  }
0x5f: {  	s23 =	simm.s32 $0x80  }
0x60: {  	[tilespmem:s23], [sflag:$0x3] =	stream.linear.gather [hbm4b:s7+s2], $0x40, $0x38;
	[tilespmem:$0x1C100] =	vst v63  }
0x61: {  	_ =	swait.ge [sflag:s12], $0x40  }
0x62: {  	[sflag:s12] =	ssyncset.done $0x0  }
0x63: {  	[sflag:s12] =	ssyncadd.s32 $0xFFFFFFC0  }
0x64: {  	v59 =	vld [tilespmem:$0x80];
	_ =	sdelay $0x4  }
0x65: {  	v60 =	vshrl.u32 v59, $0x3  }
0x66: {  	v4 =	vmul.u32 $0x30, v60  }
0x67: {  	v3 =	vand.u32 $0x7, v59  }
0x68: {  	v3 =	vor.u32 v3, v4  }
0x69: {  	v4 =	vperm.xlane v3, v0;
	_ =	sdelay $0x1  }
0x6a: {  	v4 =	vadd.s32 v1, v4;
	_ =	sdelay $0x3  }
0x6b: {  	s24 =	simm.s32 $0x10100;
	v3 =	vperm.xlane v3, v2  }
0x6c: {  	[tilespmem:s24], [sflag:$0x2] =	stream.indirect_vreg.gather [hbm4b:s3+s2], $0x80, v4, vm0, $0xb8;
	[tilespmem:$0x1C100] =	vst v63  }
0x6d: {  	s1 =	simm.s32 $0x10900;
	v3 =	vadd.s32 v1, v3  }
0x6e: {  	[tilespmem:s1], [sflag:$0x2] =	stream.indirect_vreg.gather [hbm4b:s5+s2], $0x80, v4, vm0, $0xb8;
	[tilespmem:$0x1C100] =	vst v63  }
0x6f: {  	s14 =	simm.s32 $0x11100  }
0x70: {  	[tilespmem:s14], [sflag:$0x2] =	stream.indirect_vreg.gather [hbm4b:s6+s2], $0x80, v4, vm0, $0xb8;
	[tilespmem:$0x1C100] =	vst v63  }
0x71: {  	s15 =	simm.s32 $0x11900  }
0x72: {  	[tilespmem:s15], [sflag:$0x2] =	stream.indirect_vreg.gather [hbm4b:s3+s2], $0x80, v3, vm0, $0xb8;
	[tilespmem:$0x1C100] =	vst v63  }
0x73: {  	s16 =	simm.s32 $0x12100  }
0x74: {  	[tilespmem:s16], [sflag:$0x2] =	stream.indirect_vreg.gather [hbm4b:s5+s2], $0x80, v3, vm0, $0xb8;
	[tilespmem:$0x1C100] =	vst v63  }
0x75: {  	s17 =	simm.s32 $0x12900  }
0x76: {  	[tilespmem:s17], [sflag:$0x2] =	stream.indirect_vreg.gather [hbm4b:s6+s2], $0x80, v3, vm0, $0xb8;
	[tilespmem:$0x1C100] =	vst v63  }
0x77: {  	v3 =	vld [tilespmem:$0x90];
	_ =	sdelay $0x4  }
0x78: {  	v61 =	vshrl.u32 v3, $0x3  }
0x79: {  	v4 =	vmul.u32 $0x30, v61  }
0x7a: {  	v3 =	vand.u32 $0x7, v3  }
0x7b: {  	v3 =	vor.u32 v3, v4  }
0x7c: {  	v4 =	vperm.xlane v3, v0;
	_ =	sdelay $0x1  }
0x7d: {  	v4 =	vadd.s32 v1, v4;
	_ =	sdelay $0x3  }
0x7e: {  	s18 =	simm.s32 $0x13100;
	v3 =	vperm.xlane v3, v2  }
0x7f: {  	[tilespmem:s18], [sflag:$0x2] =	stream.indirect_vreg.gather [hbm4b:s3+s2], $0x80, v4, vm0, $0xb8;
	[tilespmem:$0x1C100] =	vst v63  }
0x80: {  	s19 =	simm.s32 $0x13900;
	v3 =	vadd.s32 v1, v3  }
0x81: {  	[tilespmem:s19], [sflag:$0x2] =	stream.indirect_vreg.gather [hbm4b:s5+s2], $0x80, v4, vm0, $0xb8;
	[tilespmem:$0x1C100] =	vst v63  }
0x82: {  	s20 =	simm.s32 $0x14100  }
0x83: {  	[tilespmem:s20], [sflag:$0x2] =	stream.indirect_vreg.gather [hbm4b:s6+s2], $0x80, v4, vm0, $0xb8;
	[tilespmem:$0x1C100] =	vst v63  }
0x84: {  	s21 =	simm.s32 $0x14900  }
0x85: {  	[tilespmem:s21], [sflag:$0x2] =	stream.indirect_vreg.gather [hbm4b:s3+s2], $0x80, v3, vm0, $0xb8;
	[tilespmem:$0x1C100] =	vst v63  }
0x86: {  	s22 =	simm.s32 $0x15100  }
0x87: {  	[tilespmem:s22], [sflag:$0x2] =	stream.indirect_vreg.gather [hbm4b:s5+s2], $0x80, v3, vm0, $0xb8;
	[tilespmem:$0x1C100] =	vst v63  }
0x88: {  	s23 =	simm.s32 $0x15900  }
0x89: {  	[tilespmem:s23], [sflag:$0x2] =	stream.indirect_vreg.gather [hbm4b:s6+s2], $0x80, v3, vm0, $0xb8;
	[tilespmem:$0x1C100] =	vst v63  }
0x8a: {  	v3 =	vld [tilespmem:$0xA0];
	_ =	sdelay $0x4  }
0x8b: {  	v62 =	vshrl.u32 v3, $0x3  }
0x8c: {  	v4 =	vmul.u32 $0x30, v62  }
0x8d: {  	v3 =	vand.u32 $0x7, v3  }
0x8e: {  	v3 =	vor.u32 v3, v4  }
0x8f: {  	v4 =	vperm.xlane v3, v0;
	_ =	sdelay $0x1  }
0x90: {  	v4 =	vadd.s32 v1, v4;
	_ =	sdelay $0x3  }
0x91: {  	s24 =	simm.s32 $0x16100;
	v3 =	vperm.xlane v3, v2  }
0x92: {  	[tilespmem:s24], [sflag:$0x2] =	stream.indirect_vreg.gather [hbm4b:s3+s2], $0x80, v4, vm0, $0xb8;
	[tilespmem:$0x1C100] =	vst v63  }
0x93: {  	s1 =	simm.s32 $0x16900;
	v3 =	vadd.s32 v1, v3  }
0x94: {  	[tilespmem:s1], [sflag:$0x2] =	stream.indirect_vreg.gather [hbm4b:s5+s2], $0x80, v4, vm0, $0xb8;
	[tilespmem:$0x1C100] =	vst v63  }
0x95: {  	s14 =	simm.s32 $0x17100  }
0x96: {  	[tilespmem:s14], [sflag:$0x2] =	stream.indirect_vreg.gather [hbm4b:s6+s2], $0x80, v4, vm0, $0xb8;
	[tilespmem:$0x1C100] =	vst v63  }
0x97: {  	s15 =	simm.s32 $0x17900  }
0x98: {  	[tilespmem:s15], [sflag:$0x2] =	stream.indirect_vreg.gather [hbm4b:s3+s2], $0x80, v3, vm0, $0xb8;
	[tilespmem:$0x1C100] =	vst v63  }
0x99: {  	s16 =	simm.s32 $0x18100  }
0x9a: {  	[tilespmem:s16], [sflag:$0x2] =	stream.indirect_vreg.gather [hbm4b:s5+s2], $0x80, v3, vm0, $0xb8;
	[tilespmem:$0x1C100] =	vst v63  }
0x9b: {  	s17 =	simm.s32 $0x18900  }
0x9c: {  	[tilespmem:s17], [sflag:$0x2] =	stream.indirect_vreg.gather [hbm4b:s6+s2], $0x80, v3, vm0, $0xb8;
	[tilespmem:$0x1C100] =	vst v63  }
0x9d: {  	v3 =	vld [tilespmem:$0xB0];
	_ =	sdelay $0x4  }
0x9e: {  	v63 =	vshrl.u32 v3, $0x3  }
0x9f: {  	v4 =	vmul.u32 $0x30, v63  }
0xa0: {  	v3 =	vand.u32 $0x7, v3  }
0xa1: {  	v3 =	vor.u32 v3, v4  }
0xa2: {  	v4 =	vperm.xlane v3, v0;
	_ =	sdelay $0x1  }
0xa3: {  	v4 =	vadd.s32 v1, v4;
	_ =	sdelay $0x3  }
0xa4: {  	s18 =	simm.s32 $0x19100;
	v3 =	vperm.xlane v3, v2  }
0xa5: {  	[tilespmem:s18], [sflag:$0x2] =	stream.indirect_vreg.gather [hbm4b:s3+s2], $0x80, v4, vm0, $0xb8;
	[tilespmem:$0x1C100] =	vst v63  }
0xa6: {  	s19 =	simm.s32 $0x19900;
	v3 =	vadd.s32 v1, v3  }
0xa7: {  	[tilespmem:s19], [sflag:$0x2] =	stream.indirect_vreg.gather [hbm4b:s5+s2], $0x80, v4, vm0, $0xb8;
	[tilespmem:$0x1C100] =	vst v63  }
0xa8: {  	s20 =	simm.s32 $0x1A100  }
0xa9: {  	[tilespmem:s20], [sflag:$0x2] =	stream.indirect_vreg.gather [hbm4b:s6+s2], $0x80, v4, vm0, $0xb8;
	[tilespmem:$0x1C100] =	vst v63  }
0xaa: {  	s21 =	simm.s32 $0x1A900  }
0xab: {  	[tilespmem:s21], [sflag:$0x2] =	stream.indirect_vreg.gather [hbm4b:s3+s2], $0x80, v3, vm0, $0xb8;
	[tilespmem:$0x1C100] =	vst v63  }
0xac: {  	s22 =	simm.s32 $0x1B100  }
0xad: {  	[tilespmem:s22], [sflag:$0x2] =	stream.indirect_vreg.gather [hbm4b:s5+s2], $0x80, v3, vm0, $0xb8;
	[tilespmem:$0x1C100] =	vst v63  }
0xae: {  	s23 =	simm.s32 $0x1B900  }
0xaf: {  	[tilespmem:s23], [sflag:$0x2] =	stream.indirect_vreg.gather [hbm4b:s6+s2], $0x80, v3, vm0, $0xb8;
	[tilespmem:$0x1C100] =	vst v63  }
0xb0: {  	s24 =	simm.s32 $0x100  }
0xb1: {  	[tilespmem:s24], [sflag:$0x3] =	stream.linear.gather [hbm4b:s8+s2], $0x2000, $0x38;
	[tilespmem:$0x1C100] =	vst v63  }
0xb2: {  	_ =	swait.ge [sflag:s12], $0x2000  }
0xb3: {  	[sflag:s12] =	ssyncset.done $0x0  }
0xb4: {  	[sflag:s12] =	ssyncadd.s32 $0xFFFFE000  }
0xb5: {  	[tilespmem:s25], [sflag:$0x3] =	stream.linear.gather [hbm4b:s9+s2], $0x2000, $0x38;
	[tilespmem:$0x1C100] =	vst v63  }
0xb6: {  	_ =	swait.ge [sflag:s12], $0x2000  }
0xb7: {  	[sflag:s12] =	ssyncset.done $0x0  }
0xb8: {  	[sflag:s12] =	ssyncadd.s32 $0xFFFFE000  }
0xb9: {  	_ =	swait.ge [sflag:s26], $0xC000  }
0xba: {  	[sflag:s26] =	ssyncset.done $0x0  }
0xbb: {  	[sflag:s26] =	ssyncadd.s32 $0xFFFF4000  }
0xbc: {  	_ =	swait.ge [sflag:s28], $0xC000  }
0xbd: {  	s30 =	simm.s32 $0xFFFFFFFC;
	s31 =	simm.s32 $0x2200;
	[sflag:s28] =	ssyncset.done $0x0  }
0xbe: {  	s0 =	simm.s32 $0x200;
	s1 =	simm.s32 $0x0;
	[sflag:s28] =	ssyncadd.s32 $0xFFFF4000  }
.LBB2_2:
0xbf: {  	s30 =	sadd.s32 $0x4, s30  }
0xc0: {  	s14 =	sshrl.u32 s30, $0x3  }
0xc1: {  	s18 =	smul.u32 $0x1800, s14  }
0xc2: {  	v3 =	vld [tilespmem:s0+$0xFFFFFF00];
	s19 =	sand.u32 $0x200, s1  }
0xc3: {  	v4 =	vld [tilespmem:s31+$0xFFFFFF00];
	s14 =	sor.u32 s19, s18  }
0xc4: {  	v5 =	vld [tilespmem:s14+$0x4100]  }
0xc5: {  	v6 =	vld [tilespmem:s14+$0x10100]  }
0xc6: {  	v7 =	vld [tilespmem:s14+$0x4110]  }
0xc7: {  	v8 =	vld [tilespmem:s14+$0x10110]  }
0xc8: {  	v9 =	vld [tilespmem:s14+$0x4120]  }
0xc9: {  	v10 =	vld [tilespmem:s14+$0x10120]  }
0xca: {  	v11 =	vld [tilespmem:s14+$0x4130]  }
0xcb: {  	v12 =	vld [tilespmem:s14+$0x10130]  }
0xcc: {  	v13 =	vld [tilespmem:s14+$0x4140]  }
0xcd: {  	v14 =	vld [tilespmem:s14+$0x10140]  }
0xce: {  	v15 =	vld [tilespmem:s14+$0x4150]  }
0xcf: {  	v16 =	vld [tilespmem:s14+$0x10150]  }
0xd0: {  	v17 =	vld [tilespmem:s14+$0x4160]  }
0xd1: {  	v18 =	vld [tilespmem:s14+$0x10160]  }
0xd2: {  	v19 =	vld [tilespmem:s14+$0x4170]  }
0xd3: {  	v20 =	vld [tilespmem:s14+$0x10170]  }
0xd4: {  	v21 =	vld [tilespmem:s14+$0x4500]  }
0xd5: {  	v22 =	vld [tilespmem:s14+$0x10500]  }
0xd6: {  	v23 =	vld [tilespmem:s14+$0x4510]  }
0xd7: {  	v24 =	vld [tilespmem:s14+$0x10510]  }
0xd8: {  	v25 =	vld [tilespmem:s14+$0x4520]  }
0xd9: {  	v26 =	vld [tilespmem:s14+$0x10520];
	v5 =	vmul.f32 v5, v3;
	v6 =	vmul.f32 v6, v4  }
0xda: {  	v27 =	vld [tilespmem:s14+$0x4530];
	v7 =	vmul.f32 v7, v3;
	v8 =	vmul.f32 v8, v4  }
0xdb: {  	v42 =	vld [tilespmem:s14+$0x10530];
	v40 =	vmul.f32 v9, v3;
	v41 =	vmul.f32 v10, v4;
	v5 =	vadd.f32 v6, v5  }
0xdc: {  	v45 =	vld [tilespmem:s14+$0x4540];
	v43 =	vmul.f32 v11, v3;
	v44 =	vmul.f32 v12, v4;
	v7 =	vadd.f32 v8, v7  }
0xdd: {  	v49 =	vld [tilespmem:s14+$0x10540];
	v47 =	vmul.f32 v13, v3;
	v48 =	vmul.f32 v14, v4;
	v46 =	vadd.f32 v41, v40;
	[tilespmem:s14+$0x4100] =	vst v5  }
0xde: {  	v53 =	vld [tilespmem:s14+$0x4550];
	v51 =	vmul.f32 v15, v3;
	v52 =	vmul.f32 v16, v4;
	v50 =	vadd.f32 v44, v43;
	[tilespmem:s14+$0x4110] =	vst v7  }
0xdf: {  	v57 =	vld [tilespmem:s14+$0x10550];
	v55 =	vmul.f32 v17, v3;
	v56 =	vmul.f32 v18, v4;
	v54 =	vadd.f32 v48, v47;
	[tilespmem:s14+$0x4120] =	vst v46  }
0xe0: {  	v61 =	vld [tilespmem:s14+$0x4560];
	v59 =	vmul.f32 v19, v3;
	v60 =	vmul.f32 v20, v4;
	v58 =	vadd.f32 v52, v51;
	[tilespmem:s14+$0x4130] =	vst v50  }
0xe1: {  	v1 =	vld [tilespmem:s14+$0x10560];
	v63 =	vmul.f32 v21, v3;
	v0 =	vmul.f32 v22, v4;
	v62 =	vadd.f32 v56, v55;
	[tilespmem:s14+$0x4140] =	vst v54  }
0xe2: {  	v29 =	vld [tilespmem:s14+$0x10570];
	v21 =	vmul.f32 v23, v3;
	v22 =	vmul.f32 v24, v4;
	v2 =	vadd.f32 v60, v59;
	[tilespmem:s14+$0x4150] =	vst v58  }
0xe3: {  	v23 =	vld [tilespmem:s14+$0x4570];
	v25 =	vmul.f32 v25, v3;
	v28 =	vmul.f32 v26, v4;
	v24 =	vadd.f32 v0, v63;
	[tilespmem:s14+$0x4160] =	vst v62  }
0xe4: {  	v31 =	vmul.f32 v27, v3;
	v10 =	vmul.f32 v42, v4;
	v30 =	vadd.f32 v22, v21;
	[tilespmem:s14+$0x4170] =	vst v2  }
0xe5: {  	v33 =	vmul.f32 v45, v3;
	v34 =	vmul.f32 v49, v4;
	v32 =	vadd.f32 v28, v25;
	[tilespmem:s14+$0x4500] =	vst v24  }
0xe6: {  	v36 =	vmul.f32 v53, v3;
	v37 =	vmul.f32 v57, v4;
	v35 =	vadd.f32 v10, v31;
	[tilespmem:s14+$0x4510] =	vst v30  }
0xe7: {  	s16 =	sadd.s32 $0x800, s18;
	v39 =	vmul.f32 v61, v3;
	v38 =	vadd.f32 v34, v33;
	v40 =	vmul.f32 v1, v4;
	[tilespmem:s14+$0x4520] =	vst v32  }
0xe8: {  	s17 =	sor.u32 s19, s16;
	v41 =	vadd.f32 v37, v36;
	v43 =	vmul.f32 v29, v4;
	[tilespmem:s14+$0x4530] =	vst v35;
	v42 =	vmul.f32 v23, v3  }
0xe9: {  	[tilespmem:s14+$0x4540] =	vst v38;
	v44 =	vadd.f32 v40, v39;
	v46 =	vld [tilespmem:s17+$0x4100]  }
0xea: {  	[tilespmem:s14+$0x4550] =	vst v41;
	v47 =	vld [tilespmem:s17+$0x4110];
	v45 =	vadd.f32 v43, v42  }
0xeb: {  	v49 =	vld [tilespmem:s17+$0x4120];
	[tilespmem:s14+$0x4560] =	vst v44  }
0xec: {  	v51 =	vld [tilespmem:s17+$0x4130];
	[tilespmem:s14+$0x4570] =	vst v45  }
0xed: {  	v6 =	vld [tilespmem:s17+$0x10100]  }
0xee: {  	v48 =	vld [tilespmem:s17+$0x10110]  }
0xef: {  	v50 =	vld [tilespmem:s17+$0x10120]  }
0xf0: {  	v52 =	vld [tilespmem:s17+$0x10130]  }
0xf1: {  	v53 =	vld [tilespmem:s17+$0x4140]  }
0xf2: {  	v54 =	vld [tilespmem:s17+$0x10140]  }
0xf3: {  	v55 =	vld [tilespmem:s17+$0x4150]  }
0xf4: {  	v56 =	vld [tilespmem:s17+$0x10150]  }
0xf5: {  	v57 =	vld [tilespmem:s17+$0x4160]  }
0xf6: {  	v5 =	vmul.f32 v46, v3;
	v58 =	vld [tilespmem:s17+$0x10160];
	v6 =	vmul.f32 v6, v4  }
0xf7: {  	v7 =	vmul.f32 v47, v3;
	v59 =	vld [tilespmem:s17+$0x4170];
	v8 =	vmul.f32 v48, v4  }
0xf8: {  	v60 =	vmul.f32 v49, v3;
	v62 =	vld [tilespmem:s17+$0x10170];
	v61 =	vmul.f32 v50, v4;
	v5 =	vadd.f32 v6, v5  }
0xf9: {  	v63 =	vmul.f32 v51, v3;
	v0 =	vmul.f32 v52, v4;
	v7 =	vadd.f32 v8, v7  }
0xfa: {  	v2 =	vmul.f32 v53, v3;
	v12 =	vmul.f32 v54, v4;
	v1 =	vadd.f32 v61, v60;
	[tilespmem:s17+$0x4100] =	vst v5  }
0xfb: {  	v14 =	vmul.f32 v55, v3;
	v15 =	vmul.f32 v56, v4;
	v13 =	vadd.f32 v0, v63;
	[tilespmem:s17+$0x4110] =	vst v7  }
0xfc: {  	v17 =	vmul.f32 v57, v3;
	v20 =	vmul.f32 v58, v4;
	v16 =	vadd.f32 v12, v2;
	[tilespmem:s17+$0x4120] =	vst v1  }
0xfd: {  	v22 =	vmul.f32 v59, v3;
	v10 =	vmul.f32 v62, v4;
	v21 =	vadd.f32 v15, v14;
	[tilespmem:s17+$0x4130] =	vst v13  }
0xfe: {  	v23 =	vadd.f32 v20, v17;
	[tilespmem:s17+$0x4140] =	vst v16  }
0xff: {  	s15 =	sadd.s32 $0xC00, s18;
	v24 =	vadd.f32 v10, v22;
	[tilespmem:s17+$0x4150] =	vst v21  }
0x100: {  	s20 =	sor.u32 s19, s15;
	[tilespmem:s17+$0x4160] =	vst v23  }
0x101: {  	[tilespmem:s17+$0x4170] =	vst v24;
	v25 =	vld [tilespmem:s20+$0x4100]  }
0x102: {  	v6 =	vld [tilespmem:s20+$0x10100]  }
0x103: {  	v26 =	vld [tilespmem:s20+$0x4110]  }
0x104: {  	v27 =	vld [tilespmem:s20+$0x10110]  }
0x105: {  	v28 =	vld [tilespmem:s20+$0x4120]  }
0x106: {  	v29 =	vld [tilespmem:s20+$0x10120]  }
0x107: {  	v33 =	vld [tilespmem:s20+$0x4130]  }
0x108: {  	v34 =	vld [tilespmem:s20+$0x10130]  }
0x109: {  	v37 =	vld [tilespmem:s20+$0x4150]  }
0x10a: {  	v38 =	vld [tilespmem:s20+$0x10150]  }
0x10b: {  	v39 =	vld [tilespmem:s20+$0x4160]  }
0x10c: {  	v40 =	vld [tilespmem:s20+$0x10160]  }
0x10d: {  	v41 =	vld [tilespmem:s20+$0x4170]  }
0x10e: {  	v42 =	vld [tilespmem:s20+$0x10170];
	v5 =	vmul.f32 v25, v3;
	v6 =	vmul.f32 v6, v4  }
0x10f: {  	v35 =	vld [tilespmem:s20+$0x4140];
	v7 =	vmul.f32 v26, v3;
	v8 =	vmul.f32 v27, v4  }
0x110: {  	v36 =	vld [tilespmem:s20+$0x10140];
	v30 =	vmul.f32 v28, v3;
	v31 =	vmul.f32 v29, v4;
	v5 =	vadd.f32 v6, v5  }
0x111: {  	v43 =	vmul.f32 v37, v3;
	v44 =	vmul.f32 v38, v4;
	v7 =	vadd.f32 v8, v7  }
0x112: {  	v45 =	vmul.f32 v39, v3;
	v46 =	vmul.f32 v40, v4;
	v32 =	vadd.f32 v31, v30;
	[tilespmem:s20+$0x4100] =	vst v5  }
0x113: {  	v48 =	vmul.f32 v41, v3;
	v49 =	vmul.f32 v42, v4;
	v47 =	vadd.f32 v44, v43;
	[tilespmem:s20+$0x4110] =	vst v7  }
0x114: {  	v6 =	vmul.f32 v34, v4;
	v50 =	vadd.f32 v46, v45;
	[tilespmem:s20+$0x4120] =	vst v32;
	v5 =	vmul.f32 v33, v3  }
0x115: {  	v8 =	vmul.f32 v36, v4;
	v51 =	vadd.f32 v49, v48;
	v7 =	vmul.f32 v35, v3;
	[tilespmem:s20+$0x4150] =	vst v47  }
0x116: {  	[tilespmem:s20+$0x4160] =	vst v50;
	v5 =	vadd.f32 v6, v5  }
0x117: {  	[tilespmem:s20+$0x4170] =	vst v51;
	v7 =	vadd.f32 v8, v7  }
0x118: {  	s14 =	sadd.s32 $0x1000, s18;
	[tilespmem:s20+$0x4130] =	vst v5  }
0x119: {  	s21 =	sor.u32 s19, s14;
	[tilespmem:s20+$0x4140] =	vst v7  }
0x11a: {  	v7 =	vld [tilespmem:s21+$0x4100]  }
0x11b: {  	v8 =	vld [tilespmem:s21+$0x10100]  }
0x11c: {  	v9 =	vld [tilespmem:s21+$0x4110]  }
0x11d: {  	v10 =	vld [tilespmem:s21+$0x10110]  }
0x11e: {  	v11 =	vld [tilespmem:s21+$0x4120]  }
0x11f: {  	v12 =	vld [tilespmem:s21+$0x10120]  }
0x120: {  	v13 =	vld [tilespmem:s21+$0x4130]  }
0x121: {  	s23 =	sadd.s32 $0x80, s1;
	v14 =	vld [tilespmem:s21+$0x10130]  }
0x122: {  	s20 =	sand.u32 $0x280, s23;
	v5 =	vld [tilespmem:s0+$0xFFFFFF80]  }
0x123: {  	v6 =	vld [tilespmem:s31+$0xFFFFFF80];
	s17 =	sor.u32 s18, s20  }
0x124: {  	v52 =	vld [tilespmem:s17+$0x4100]  }
0x125: {  	v53 =	vld [tilespmem:s17+$0x10100]  }
0x126: {  	v54 =	vld [tilespmem:s17+$0x4110]  }
0x127: {  	v55 =	vld [tilespmem:s17+$0x10110]  }
0x128: {  	v56 =	vld [tilespmem:s17+$0x4120]  }
0x129: {  	v57 =	vld [tilespmem:s17+$0x10120]  }
0x12a: {  	v58 =	vld [tilespmem:s17+$0x4130]  }
0x12b: {  	v59 =	vld [tilespmem:s17+$0x10130]  }
0x12c: {  	v60 =	vld [tilespmem:s17+$0x4140]  }
0x12d: {  	v61 =	vld [tilespmem:s17+$0x10140]  }
0x12e: {  	v62 =	vld [tilespmem:s17+$0x4150]  }
0x12f: {  	v63 =	vld [tilespmem:s17+$0x10150]  }
0x130: {  	v0 =	vld [tilespmem:s17+$0x4160]  }
0x131: {  	v28 =	vld [tilespmem:s17+$0x10160]  }
0x132: {  	v29 =	vld [tilespmem:s17+$0x4170]  }
0x133: {  	v30 =	vld [tilespmem:s17+$0x10170]  }
0x134: {  	v31 =	vld [tilespmem:s17+$0x4500]  }
0x135: {  	v32 =	vld [tilespmem:s17+$0x10500]  }
0x136: {  	v33 =	vld [tilespmem:s17+$0x4510]  }
0x137: {  	v34 =	vld [tilespmem:s17+$0x10510]  }
0x138: {  	v35 =	vld [tilespmem:s17+$0x4520]  }
0x139: {  	v36 =	vld [tilespmem:s17+$0x10520];
	v15 =	vmul.f32 v52, v5;
	v16 =	vmul.f32 v53, v6  }
0x13a: {  	v37 =	vld [tilespmem:s17+$0x4530];
	v17 =	vmul.f32 v54, v5;
	v18 =	vmul.f32 v55, v6  }
0x13b: {  	v20 =	vld [tilespmem:s17+$0x10530];
	v1 =	vmul.f32 v56, v5;
	v2 =	vmul.f32 v57, v6;
	v15 =	vadd.f32 v16, v15  }
0x13c: {  	v22 =	vld [tilespmem:s17+$0x4540];
	v38 =	vmul.f32 v58, v5;
	v39 =	vmul.f32 v59, v6;
	v17 =	vadd.f32 v18, v17  }
0x13d: {  	v43 =	vld [tilespmem:s17+$0x4550];
	v41 =	vmul.f32 v60, v5;
	v42 =	vmul.f32 v61, v6;
	v40 =	vadd.f32 v2, v1;
	[tilespmem:s17+$0x4100] =	vst v15  }
0x13e: {  	v47 =	vld [tilespmem:s17+$0x10550];
	v45 =	vmul.f32 v62, v5;
	v46 =	vmul.f32 v63, v6;
	v44 =	vadd.f32 v39, v38;
	[tilespmem:s17+$0x4110] =	vst v17  }
0x13f: {  	v51 =	vld [tilespmem:s17+$0x4560];
	v49 =	vmul.f32 v0, v5;
	v50 =	vmul.f32 v28, v6;
	v48 =	vadd.f32 v42, v41;
	[tilespmem:s17+$0x4120] =	vst v40  }
0x140: {  	v53 =	vmul.f32 v29, v5;
	v54 =	vmul.f32 v30, v6;
	v55 =	vld [tilespmem:s17+$0x10560];
	v52 =	vadd.f32 v46, v45;
	[tilespmem:s17+$0x4130] =	vst v44  }
0x141: {  	v57 =	vmul.f32 v31, v5;
	v58 =	vmul.f32 v32, v6;
	v59 =	vld [tilespmem:s17+$0x4570];
	v56 =	vadd.f32 v50, v49;
	[tilespmem:s17+$0x4140] =	vst v48  }
0x142: {  	v61 =	vmul.f32 v33, v5;
	v62 =	vmul.f32 v34, v6;
	v63 =	vld [tilespmem:s17+$0x10570];
	v60 =	vadd.f32 v54, v53;
	[tilespmem:s17+$0x4150] =	vst v52  }
0x143: {  	v33 =	vld [tilespmem:s17+$0x10540];
	v0 =	vadd.f32 v58, v57;
	v1 =	vmul.f32 v35, v5;
	v2 =	vmul.f32 v36, v6;
	[tilespmem:s17+$0x4160] =	vst v56  }
0x144: {  	v34 =	vld [tilespmem:s21+$0x4140];
	v20 =	vmul.f32 v20, v6;
	v35 =	vadd.f32 v62, v61;
	v36 =	vmul.f32 v37, v5;
	[tilespmem:s17+$0x4170] =	vst v60  }
0x145: {  	v37 =	vld [tilespmem:s21+$0x10140];
	v39 =	vmul.f32 v43, v5;
	[tilespmem:s17+$0x4500] =	vst v0;
	v38 =	vadd.f32 v2, v1;
	v40 =	vmul.f32 v47, v6  }
0x146: {  	v41 =	vld [tilespmem:s21+$0x4150];
	v43 =	vmul.f32 v51, v5;
	[tilespmem:s17+$0x4510] =	vst v35;
	v42 =	vadd.f32 v20, v36;
	v44 =	vmul.f32 v55, v6  }
0x147: {  	v45 =	vld [tilespmem:s21+$0x10150];
	v47 =	vmul.f32 v59, v5;
	v48 =	vmul.f32 v63, v6;
	[tilespmem:s17+$0x4520] =	vst v38;
	v46 =	vadd.f32 v40, v39  }
0x148: {  	v49 =	vld [tilespmem:s21+$0x4160];
	v50 =	vmul.f32 v22, v5;
	v51 =	vmul.f32 v33, v6;
	[tilespmem:s17+$0x4530] =	vst v42;
	v18 =	vadd.f32 v44, v43  }
0x149: {  	v54 =	vld [tilespmem:s21+$0x4170];
	v53 =	vadd.f32 v48, v47;
	[tilespmem:s17+$0x4550] =	vst v46  }
0x14a: {  	v52 =	vld [tilespmem:s21+$0x10160];
	v17 =	vadd.f32 v51, v50;
	[tilespmem:s17+$0x4560] =	vst v18  }
0x14b: {  	s22 =	sor.u32 s20, s16;
	v55 =	vld [tilespmem:s21+$0x10170];
	[tilespmem:s17+$0x4570] =	vst v53  }
0x14c: {  	[tilespmem:s17+$0x4540] =	vst v17;
	v15 =	vld [tilespmem:s22+$0x4100]  }
0x14d: {  	v17 =	vld [tilespmem:s22+$0x10100]  }
0x14e: {  	v56 =	vld [tilespmem:s22+$0x4110]  }
0x14f: {  	v57 =	vld [tilespmem:s22+$0x10110]  }
0x150: {  	v58 =	vld [tilespmem:s22+$0x4120]  }
0x151: {  	v59 =	vld [tilespmem:s22+$0x10120]  }
0x152: {  	v60 =	vld [tilespmem:s22+$0x4130]  }
0x153: {  	v7 =	vmul.f32 v7, v3;
	v8 =	vmul.f32 v8, v4;
	v63 =	vld [tilespmem:s22+$0x10130]  }
0x154: {  	v9 =	vmul.f32 v9, v3;
	v10 =	vmul.f32 v10, v4;
	v31 =	vld [tilespmem:s22+$0x4140]  }
0x155: {  	v7 =	vadd.f32 v8, v7;
	v61 =	vmul.f32 v11, v3;
	v62 =	vmul.f32 v12, v4;
	v35 =	vld [tilespmem:s22+$0x4150]  }
0x156: {  	v29 =	vmul.f32 v14, v4;
	v9 =	vadd.f32 v10, v9;
	v2 =	vmul.f32 v13, v3;
	v39 =	vld [tilespmem:s22+$0x10150]  }
0x157: {  	[tilespmem:s21+$0x4100] =	vst v7;
	v32 =	vadd.f32 v62, v61;
	v33 =	vmul.f32 v34, v3;
	v34 =	vmul.f32 v37, v4;
	v43 =	vld [tilespmem:s22+$0x4160]  }
0x158: {  	[tilespmem:s21+$0x4110] =	vst v9;
	v36 =	vadd.f32 v29, v2;
	v37 =	vmul.f32 v41, v3;
	v38 =	vmul.f32 v45, v4;
	v47 =	vld [tilespmem:s22+$0x10160]  }
0x159: {  	[tilespmem:s21+$0x4120] =	vst v32;
	v41 =	vmul.f32 v49, v3;
	v40 =	vadd.f32 v34, v33;
	v42 =	vmul.f32 v52, v4;
	s17 =	sadd.s32 $0x1400, s18;
	v51 =	vld [tilespmem:s22+$0x4170]  }
0x15a: {  	v45 =	vmul.f32 v54, v3;
	[tilespmem:s21+$0x4130] =	vst v36;
	v44 =	vadd.f32 v38, v37;
	v46 =	vmul.f32 v55, v4;
	v55 =	vld [tilespmem:s22+$0x10170];
	s19 =	sor.u32 s19, s17  }
0x15b: {  	[tilespmem:s21+$0x4140] =	vst v40;
	v48 =	vadd.f32 v42, v41;
	v0 =	vld [tilespmem:s19+$0x4100];
	v49 =	vmul.f32 v15, v5;
	v50 =	vmul.f32 v17, v6  }
0x15c: {  	[tilespmem:s21+$0x4150] =	vst v44;
	v52 =	vadd.f32 v46, v45;
	v25 =	vld [tilespmem:s19+$0x4110];
	v53 =	vmul.f32 v56, v5;
	v54 =	vmul.f32 v57, v6  }
0x15d: {  	[tilespmem:s21+$0x4160] =	vst v48;
	v57 =	vmul.f32 v58, v5;
	v58 =	vmul.f32 v59, v6;
	v59 =	vld [tilespmem:s22+$0x10140];
	v56 =	vadd.f32 v50, v49  }
0x15e: {  	v30 =	vld [tilespmem:s19+$0x4120];
	[tilespmem:s21+$0x4170] =	vst v52;
	v60 =	vmul.f32 v60, v5;
	v12 =	vmul.f32 v63, v6;
	v13 =	vadd.f32 v54, v53  }
0x15f: {  	v34 =	vld [tilespmem:s19+$0x4130];
	v63 =	vmul.f32 v35, v5;
	v24 =	vmul.f32 v39, v6;
	v62 =	vadd.f32 v58, v57;
	[tilespmem:s22+$0x4100] =	vst v56  }
0x160: {  	v61 =	vld [tilespmem:s19+$0x10100];
	v20 =	vmul.f32 v43, v5;
	v16 =	vmul.f32 v47, v6;
	v19 =	vadd.f32 v12, v60;
	[tilespmem:s22+$0x4110] =	vst v13  }
0x161: {  	v26 =	vld [tilespmem:s19+$0x10110];
	v28 =	vmul.f32 v51, v5;
	v29 =	vmul.f32 v55, v6;
	v27 =	vadd.f32 v24, v63;
	[tilespmem:s22+$0x4120] =	vst v62  }
0x162: {  	v31 =	vmul.f32 v31, v5;
	v32 =	vld [tilespmem:s19+$0x10120];
	v16 =	vadd.f32 v16, v20;
	[tilespmem:s22+$0x4130] =	vst v19;
	v18 =	vmul.f32 v59, v6  }
0x163: {  	v17 =	vld [tilespmem:s19+$0x4140];
	v33 =	vadd.f32 v29, v28;
	[tilespmem:s22+$0x4150] =	vst v27  }
0x164: {  	v23 =	vld [tilespmem:s19+$0x10160];
	[tilespmem:s22+$0x4160] =	vst v16;
	v35 =	vadd.f32 v18, v31  }
0x165: {  	s24 =	sor.u32 s20, s15;
	v20 =	vld [tilespmem:s19+$0x10150];
	[tilespmem:s22+$0x4170] =	vst v33  }
0x166: {  	v7 =	vld [tilespmem:s24+$0x4100];
	[tilespmem:s22+$0x4140] =	vst v35  }
0x167: {  	v8 =	vld [tilespmem:s24+$0x10100]  }
0x168: {  	v36 =	vld [tilespmem:s24+$0x4110]  }
0x169: {  	v37 =	vld [tilespmem:s24+$0x10110]  }
0x16a: {  	v19 =	vld [tilespmem:s24+$0x4120]  }
0x16b: {  	v38 =	vld [tilespmem:s24+$0x10120]  }
0x16c: {  	v39 =	vld [tilespmem:s24+$0x4130]  }
0x16d: {  	v40 =	vld [tilespmem:s24+$0x10130]  }
0x16e: {  	v41 =	vld [tilespmem:s24+$0x4140]  }
0x16f: {  	v42 =	vld [tilespmem:s24+$0x4150]  }
0x170: {  	v43 =	vld [tilespmem:s24+$0x10150]  }
0x171: {  	v44 =	vld [tilespmem:s24+$0x4160]  }
0x172: {  	v45 =	vld [tilespmem:s24+$0x10160]  }
0x173: {  	v7 =	vmul.f32 v7, v5;
	v46 =	vld [tilespmem:s24+$0x4170];
	v8 =	vmul.f32 v8, v6  }
0x174: {  	[tilespmem:$0x1FF60] =	vst v0;
	v48 =	vld [tilespmem:s24+$0x10170];
	v47 =	vmul.f32 v36, v5;
	v18 =	vmul.f32 v37, v6  }
0x175: {  	[tilespmem:$0x1FF80] =	vst v25;
	v51 =	vld [tilespmem:s24+$0x10140];
	v49 =	vmul.f32 v19, v5;
	v50 =	vmul.f32 v38, v6;
	v7 =	vadd.f32 v8, v7  }
0x176: {  	v24 =	vld [tilespmem:s19+$0x10170];
	[tilespmem:$0x1FF70] =	vst v61;
	v21 =	vmul.f32 v39, v5;
	v22 =	vmul.f32 v40, v6;
	v52 =	vadd.f32 v18, v47  }
0x177: {  	v16 =	vld [tilespmem:s19+$0x10130];
	v54 =	vmul.f32 v42, v5;
	v55 =	vmul.f32 v43, v6;
	v53 =	vadd.f32 v50, v49;
	[tilespmem:s24+$0x4100] =	vst v7  }
0x178: {  	v19 =	vld [tilespmem:s19+$0x4150];
	v56 =	vmul.f32 v44, v5;
	v57 =	vmul.f32 v45, v6;
	v22 =	vadd.f32 v22, v21;
	[tilespmem:s24+$0x4110] =	vst v52  }
0x179: {  	v59 =	vmul.f32 v46, v5;
	v60 =	vmul.f32 v48, v6;
	v18 =	vld [tilespmem:s19+$0x10140];
	v58 =	vadd.f32 v55, v54;
	[tilespmem:s24+$0x4120] =	vst v53  }
0x17a: {  	v61 =	vmul.f32 v41, v5;
	v62 =	vmul.f32 v51, v6;
	v21 =	vld [tilespmem:s19+$0x4160];
	v25 =	vadd.f32 v57, v56;
	[tilespmem:s24+$0x4130] =	vst v22  }
0x17b: {  	v63 =	vadd.f32 v60, v59;
	v8 =	vld [tilespmem:s31+$0x0];
	[tilespmem:s24+$0x4150] =	vst v58  }
0x17c: {  	v0 =	vadd.f32 v62, v61;
	v22 =	vld [tilespmem:s19+$0x4170];
	[tilespmem:s24+$0x4160] =	vst v25  }
0x17d: {  	s23 =	sor.u32 s20, s14;
	[tilespmem:s24+$0x4170] =	vst v63;
	v7 =	vld [tilespmem:s0+$0x0]  }
0x17e: {  	[tilespmem:s24+$0x4140] =	vst v0;
	v25 =	vld [tilespmem:s23+$0x4100]  }
0x17f: {  	v1 =	vld [tilespmem:s23+$0x10100]  }
0x180: {  	v2 =	vld [tilespmem:s23+$0x4110]  }
0x181: {  	v12 =	vld [tilespmem:s23+$0x10110]  }
0x182: {  	v13 =	vld [tilespmem:s23+$0x4120]  }
0x183: {  	v14 =	vld [tilespmem:s23+$0x10120]  }
0x184: {  	v15 =	vld [tilespmem:s23+$0x4130]  }
0x185: {  	v57 =	vld [tilespmem:s23+$0x10130]  }
0x186: {  	v58 =	vld [tilespmem:s23+$0x4140]  }
0x187: {  	v59 =	vld [tilespmem:s23+$0x10140]  }
0x188: {  	v60 =	vld [tilespmem:s23+$0x4150]  }
0x189: {  	v61 =	vld [tilespmem:s23+$0x10150]  }
0x18a: {  	v62 =	vld [tilespmem:s23+$0x4160]  }
0x18b: {  	s22 =	sadd.s32 $0x100, s1;
	v38 =	vld [tilespmem:s23+$0x10160]  }
0x18c: {  	s21 =	sand.u32 $0x300, s22;
	v39 =	vld [tilespmem:s23+$0x4170]  }
0x18d: {  	s24 =	sor.u32 s18, s21;
	v40 =	vld [tilespmem:s23+$0x10170]  }
0x18e: {  	v41 =	vld [tilespmem:s24+$0x4100]  }
0x18f: {  	v42 =	vld [tilespmem:s24+$0x10100]  }
0x190: {  	v43 =	vld [tilespmem:s24+$0x4110]  }
0x191: {  	v44 =	vld [tilespmem:s24+$0x10110]  }
0x192: {  	v45 =	vld [tilespmem:s24+$0x4120]  }
0x193: {  	v46 =	vld [tilespmem:s24+$0x10120]  }
0x194: {  	v47 =	vld [tilespmem:s24+$0x4130]  }
0x195: {  	v48 =	vld [tilespmem:s24+$0x10130]  }
0x196: {  	v49 =	vld [tilespmem:s24+$0x4140]  }
0x197: {  	v50 =	vld [tilespmem:s24+$0x10140]  }
0x198: {  	v51 =	vld [tilespmem:s24+$0x4150]  }
0x199: {  	v52 =	vld [tilespmem:s24+$0x10150]  }
0x19a: {  	v53 =	vld [tilespmem:s24+$0x4160]  }
0x19b: {  	v54 =	vld [tilespmem:s24+$0x10160]  }
0x19c: {  	[tilespmem:$0x1FFA0] =	vst v30;
	v55 =	vld [tilespmem:s24+$0x4170]  }
0x19d: {  	[tilespmem:$0x1FF90] =	vst v26;
	v30 =	vld [tilespmem:s24+$0x10170]  }
0x19e: {  	[tilespmem:$0x1FFB0] =	vst v32;
	v32 =	vld [tilespmem:s24+$0x4500];
	v25 =	vmul.f32 v25, v5;
	v26 =	vmul.f32 v1, v6  }
0x19f: {  	v33 =	vld [tilespmem:s24+$0x10500];
	v27 =	vmul.f32 v2, v5;
	v28 =	vmul.f32 v12, v6  }
0x1a0: {  	[tilespmem:$0x1FFC0] =	vst v34;
	v34 =	vld [tilespmem:s24+$0x4510];
	v63 =	vmul.f32 v13, v5;
	v0 =	vmul.f32 v14, v6  }
0x1a1: {  	v35 =	vld [tilespmem:s24+$0x10510];
	v1 =	vmul.f32 v15, v5;
	v2 =	vmul.f32 v57, v6  }
0x1a2: {  	v36 =	vld [tilespmem:s24+$0x4520];
	v10 =	vmul.f32 v58, v5;
	v11 =	vmul.f32 v59, v6;
	v25 =	vadd.f32 v26, v25  }
0x1a3: {  	v37 =	vld [tilespmem:s24+$0x10520];
	v13 =	vmul.f32 v60, v5;
	v14 =	vmul.f32 v61, v6;
	v27 =	vadd.f32 v28, v27  }
0x1a4: {  	v56 =	vmul.f32 v62, v5;
	v57 =	vmul.f32 v38, v6;
	v38 =	vld [tilespmem:s24+$0x4530];
	v9 =	vadd.f32 v0, v63;
	[tilespmem:s23+$0x4100] =	vst v25  }
0x1a5: {  	v59 =	vmul.f32 v39, v5;
	v60 =	vmul.f32 v40, v6;
	v39 =	vld [tilespmem:s24+$0x10530];
	v12 =	vadd.f32 v2, v1;
	[tilespmem:s23+$0x4110] =	vst v27  }
0x1a6: {  	v40 =	vld [tilespmem:s24+$0x4540];
	v53 =	vmul.f32 v53, v7;
	v54 =	vmul.f32 v54, v8;
	v15 =	vadd.f32 v11, v10;
	[tilespmem:s23+$0x4120] =	vst v9  }
0x1a7: {  	v58 =	vadd.f32 v14, v13;
	v10 =	vmul.f32 v45, v7;
	v13 =	vmul.f32 v47, v7;
	v47 =	vld [tilespmem:s24+$0x10540];
	[tilespmem:s23+$0x4130] =	vst v12  }
0x1a8: {  	v61 =	vadd.f32 v57, v56;
	v45 =	vmul.f32 v49, v7;
	v49 =	vmul.f32 v51, v7;
	v51 =	vld [tilespmem:s24+$0x4550];
	[tilespmem:s23+$0x4140] =	vst v15  }
0x1a9: {  	v62 =	vmul.f32 v41, v7;
	v63 =	vmul.f32 v42, v8;
	v0 =	vadd.f32 v60, v59;
	v56 =	vld [tilespmem:s24+$0x10550];
	[tilespmem:s23+$0x4150] =	vst v58  }
0x1aa: {  	v1 =	vmul.f32 v43, v7;
	v2 =	vmul.f32 v44, v8;
	v59 =	vld [tilespmem:s24+$0x4560];
	v60 =	vadd.f32 v54, v53;
	[tilespmem:s23+$0x4160] =	vst v61  }
0x1ab: {  	v11 =	vmul.f32 v46, v8;
	v9 =	vadd.f32 v63, v62;
	[tilespmem:s23+$0x4170] =	vst v0;
	v63 =	vld [tilespmem:s24+$0x10560]  }
0x1ac: {  	s20 =	sor.u32 s20, s17;
	v30 =	vmul.f32 v30, v8;
	v14 =	vmul.f32 v48, v8;
	v12 =	vadd.f32 v2, v1;
	v2 =	vld [tilespmem:s24+$0x4570];
	[tilespmem:s24+$0x4160] =	vst v60  }
0x1ad: {  	v46 =	vmul.f32 v50, v8;
	v50 =	vmul.f32 v52, v8;
	v15 =	vadd.f32 v11, v10;
	v27 =	vld [tilespmem:s20+$0x4100];
	[tilespmem:s24+$0x4100] =	vst v9  }
0x1ae: {  	v48 =	vadd.f32 v14, v13;
	v58 =	vmul.f32 v55, v7;
	v61 =	vmul.f32 v32, v7;
	v29 =	vld [tilespmem:s20+$0x4110];
	[tilespmem:s24+$0x4110] =	vst v12  }
0x1af: {  	v52 =	vadd.f32 v46, v45;
	v62 =	vmul.f32 v33, v8;
	v0 =	vmul.f32 v34, v7;
	v31 =	vld [tilespmem:s20+$0x4120];
	[tilespmem:s24+$0x4120] =	vst v15  }
0x1b0: {  	v1 =	vmul.f32 v35, v8;
	v11 =	vmul.f32 v37, v8;
	v37 =	vld [tilespmem:s20+$0x4150];
	[tilespmem:s24+$0x4130] =	vst v48;
	v28 =	vadd.f32 v30, v58  }
0x1b1: {  	v10 =	vmul.f32 v36, v7;
	v13 =	vmul.f32 v38, v7;
	v38 =	vld [tilespmem:s20+$0x10150];
	[tilespmem:s24+$0x4140] =	vst v52;
	v9 =	vadd.f32 v62, v61  }
0x1b2: {  	v14 =	vmul.f32 v39, v8;
	v12 =	vld [tilespmem:s24+$0x10570];
	v30 =	vadd.f32 v1, v0;
	[tilespmem:s24+$0x4170] =	vst v28  }
0x1b3: {  	v41 =	vld [tilespmem:s20+$0x10160];
	v15 =	vadd.f32 v11, v10;
	[tilespmem:s24+$0x4500] =	vst v9  }
0x1b4: {  	v40 =	vmul.f32 v40, v7;
	v44 =	vmul.f32 v47, v8;
	v33 =	vadd.f32 v14, v13;
	v28 =	vld [tilespmem:s20+$0x10100];
	[tilespmem:s24+$0x4510] =	vst v30  }
0x1b5: {  	v57 =	vadd.f32 v50, v49;
	v45 =	vmul.f32 v51, v7;
	v46 =	vmul.f32 v56, v8;
	v30 =	vld [tilespmem:s20+$0x10110];
	[tilespmem:s24+$0x4520] =	vst v15  }
0x1b6: {  	s23 =	sor.u32 s21, s16;
	v48 =	vmul.f32 v59, v7;
	v47 =	vadd.f32 v44, v40;
	v32 =	vmul.f32 v63, v8;
	[tilespmem:s24+$0x4530] =	vst v33;
	v33 =	vld [tilespmem:s20+$0x10120]  }
0x1b7: {  	[tilespmem:s24+$0x4150] =	vst v57;
	v36 =	vadd.f32 v46, v45;
	v34 =	vmul.f32 v2, v7;
	v51 =	vld [tilespmem:s23+$0x4100];
	v35 =	vmul.f32 v12, v8  }
0x1b8: {  	[tilespmem:s24+$0x4540] =	vst v47;
	v49 =	vadd.f32 v32, v48;
	v32 =	vld [tilespmem:s20+$0x4130]  }
0x1b9: {  	[tilespmem:s24+$0x4550] =	vst v36;
	v52 =	vld [tilespmem:s23+$0x4110];
	v50 =	vadd.f32 v35, v34  }
0x1ba: {  	v53 =	vld [tilespmem:s23+$0x4120];
	[tilespmem:s24+$0x4560] =	vst v49  }
0x1bb: {  	v55 =	vld [tilespmem:s23+$0x4130];
	[tilespmem:s24+$0x4570] =	vst v50  }
0x1bc: {  	v26 =	vld [tilespmem:s23+$0x10100]  }
0x1bd: {  	v36 =	vld [tilespmem:s23+$0x10110]  }
0x1be: {  	v54 =	vld [tilespmem:s23+$0x10120]  }
0x1bf: {  	v56 =	vld [tilespmem:s23+$0x10130]  }
0x1c0: {  	v57 =	vld [tilespmem:s23+$0x4140]  }
0x1c1: {  	v58 =	vld [tilespmem:s23+$0x10140]  }
0x1c2: {  	v59 =	vld [tilespmem:s23+$0x4150]  }
0x1c3: {  	v60 =	vld [tilespmem:s23+$0x10150]  }
0x1c4: {  	v61 =	vld [tilespmem:s23+$0x4160]  }
0x1c5: {  	v25 =	vmul.f32 v51, v7;
	v62 =	vld [tilespmem:s23+$0x10160];
	v26 =	vmul.f32 v26, v8  }
0x1c6: {  	v0 =	vld [tilespmem:s23+$0x4170];
	v63 =	vmul.f32 v52, v7;
	v36 =	vmul.f32 v36, v8  }
0x1c7: {  	v9 =	vld [tilespmem:s23+$0x10170];
	v1 =	vmul.f32 v53, v7;
	v2 =	vmul.f32 v54, v8;
	v25 =	vadd.f32 v26, v25  }
0x1c8: {  	v34 =	vld [tilespmem:s20+$0x10130];
	v39 =	vmul.f32 v55, v7;
	v40 =	vmul.f32 v56, v8;
	v10 =	vadd.f32 v36, v63  }
0x1c9: {  	v35 =	vld [tilespmem:s20+$0x4140];
	v12 =	vmul.f32 v57, v7;
	v13 =	vmul.f32 v58, v8;
	v11 =	vadd.f32 v2, v1;
	[tilespmem:s23+$0x4100] =	vst v25  }
0x1ca: {  	v14 =	vmul.f32 v59, v7;
	v15 =	vmul.f32 v60, v8;
	v36 =	vld [tilespmem:s20+$0x10140];
	v40 =	vadd.f32 v40, v39;
	[tilespmem:s23+$0x4110] =	vst v10  }
0x1cb: {  	v51 =	vmul.f32 v61, v7;
	v52 =	vmul.f32 v62, v8;
	v50 =	vadd.f32 v13, v12;
	v39 =	vld [tilespmem:s20+$0x4160];
	[tilespmem:s23+$0x4120] =	vst v11  }
0x1cc: {  	v53 =	vmul.f32 v0, v7;
	v54 =	vmul.f32 v9, v8;
	v42 =	vadd.f32 v15, v14;
	v26 =	vld [tilespmem:s31+$0x80];
	[tilespmem:s23+$0x4130] =	vst v40  }
0x1cd: {  	v55 =	vadd.f32 v52, v51;
	[tilespmem:s23+$0x4140] =	vst v50;
	v40 =	vld [tilespmem:s20+$0x4170]  }
0x1ce: {  	v56 =	vadd.f32 v54, v53;
	[tilespmem:s23+$0x4150] =	vst v42;
	v42 =	vld [tilespmem:s20+$0x10170]  }
0x1cf: {  	s24 =	sor.u32 s21, s15;
	[tilespmem:s23+$0x4160] =	vst v55;
	v25 =	vld [tilespmem:s0+$0x80]  }
0x1d0: {  	[tilespmem:s23+$0x4170] =	vst v56;
	v43 =	vld [tilespmem:s24+$0x4100]  }
0x1d1: {  	v44 =	vld [tilespmem:s24+$0x10100]  }
0x1d2: {  	v45 =	vld [tilespmem:s24+$0x4110]  }
0x1d3: {  	v46 =	vld [tilespmem:s24+$0x10110]  }
0x1d4: {  	v47 =	vld [tilespmem:s24+$0x4120]  }
0x1d5: {  	v48 =	vld [tilespmem:s24+$0x10120]  }
0x1d6: {  	v49 =	vld [tilespmem:s24+$0x4130]  }
0x1d7: {  	v50 =	vld [tilespmem:s24+$0x10130]  }
0x1d8: {  	v51 =	vld [tilespmem:s24+$0x4140]  }
0x1d9: {  	v52 =	vld [tilespmem:s24+$0x10140]  }
0x1da: {  	v53 =	vld [tilespmem:s24+$0x4150]  }
0x1db: {  	v54 =	vld [tilespmem:s24+$0x10150]  }
0x1dc: {  	v55 =	vld [tilespmem:s24+$0x4160]  }
0x1dd: {  	s23 =	sadd.s32 $0x180, s1;
	v56 =	vld [tilespmem:s24+$0x10160]  }
0x1de: {  	v57 =	vld [tilespmem:s24+$0x4170];
	s22 =	sand.u32 $0x380, s23  }
0x1df: {  	v58 =	vld [tilespmem:s24+$0x10170];
	s23 =	sor.u32 s18, s22  }
0x1e0: {  	v59 =	vld [tilespmem:s23+$0x4100]  }
0x1e1: {  	v60 =	vld [tilespmem:s23+$0x10100]  }
0x1e2: {  	v61 =	vld [tilespmem:s23+$0x4110]  }
0x1e3: {  	v62 =	vld [tilespmem:s23+$0x10110]  }
0x1e4: {  	v63 =	vld [tilespmem:s23+$0x4120]  }
0x1e5: {  	v0 =	vld [tilespmem:s23+$0x10120]  }
0x1e6: {  	v2 =	vld [tilespmem:s23+$0x4130]  }
0x1e7: {  	v1 =	vld [tilespmem:s23+$0x10130]  }
0x1e8: {  	v9 =	vld [tilespmem:s23+$0x4140]  }
0x1e9: {  	v10 =	vld [tilespmem:s23+$0x10140]  }
0x1ea: {  	v11 =	vld [tilespmem:s23+$0x4150]  }
0x1eb: {  	v12 =	vld [tilespmem:s23+$0x10150]  }
0x1ec: {  	v15 =	vld [tilespmem:s23+$0x4160];
	v43 =	vmul.f32 v43, v7;
	v44 =	vmul.f32 v44, v8  }
0x1ed: {  	v13 =	vld [tilespmem:s23+$0x10160];
	v45 =	vmul.f32 v45, v7;
	v46 =	vmul.f32 v46, v8  }
0x1ee: {  	v14 =	vld [tilespmem:s23+$0x4170];
	v57 =	vmul.f32 v57, v7;
	v43 =	vadd.f32 v44, v43;
	v44 =	vmul.f32 v47, v7  }
0x1ef: {  	v47 =	vmul.f32 v48, v8;
	v48 =	vld [tilespmem:s23+$0x10170];
	v45 =	vadd.f32 v46, v45;
	v46 =	vmul.f32 v49, v7  }
0x1f0: {  	v49 =	vmul.f32 v50, v8;
	v50 =	vld [tilespmem:s23+$0x4500];
	v2 =	vmul.f32 v2, v25  }
0x1f1: {  	v1 =	vmul.f32 v1, v26;
	[tilespmem:s24+$0x4100] =	vst v43;
	v43 =	vadd.f32 v47, v44;
	v44 =	vmul.f32 v51, v7;
	v51 =	vld [tilespmem:s23+$0x10500]  }
0x1f2: {  	v58 =	vmul.f32 v58, v8;
	v47 =	vmul.f32 v52, v8;
	[tilespmem:s24+$0x4110] =	vst v45;
	v45 =	vadd.f32 v49, v46;
	v52 =	vld [tilespmem:s23+$0x4510]  }
0x1f3: {  	v46 =	vmul.f32 v53, v7;
	v49 =	vmul.f32 v54, v8;
	v53 =	vld [tilespmem:s23+$0x10510];
	v1 =	vadd.f32 v1, v2;
	[tilespmem:s24+$0x4120] =	vst v43  }
0x1f4: {  	v54 =	vld [tilespmem:s23+$0x4520];
	v43 =	vadd.f32 v47, v44;
	v44 =	vmul.f32 v55, v7;
	v47 =	vmul.f32 v56, v8;
	[tilespmem:s24+$0x4130] =	vst v45  }
0x1f5: {  	v61 =	vmul.f32 v61, v25;
	v62 =	vmul.f32 v62, v26;
	v45 =	vadd.f32 v49, v46;
	v55 =	vld [tilespmem:s23+$0x10520];
	[tilespmem:s23+$0x4130] =	vst v1  }
0x1f6: {  	v9 =	vmul.f32 v9, v25;
	v10 =	vmul.f32 v10, v26;
	v56 =	vld [tilespmem:s23+$0x4530];
	[tilespmem:s24+$0x4140] =	vst v43;
	v43 =	vadd.f32 v47, v44  }
0x1f7: {  	v46 =	vld [tilespmem:s23+$0x4540];
	v44 =	vmul.f32 v59, v25;
	v47 =	vmul.f32 v60, v26;
	[tilespmem:s24+$0x4150] =	vst v45;
	v60 =	vadd.f32 v58, v57  }
0x1f8: {  	v59 =	vmul.f32 v63, v25;
	v63 =	vadd.f32 v10, v9;
	v45 =	vmul.f32 v13, v26;
	v13 =	vld [tilespmem:s23+$0x4560];
	[tilespmem:s24+$0x4160] =	vst v43  }
0x1f9: {  	v0 =	vmul.f32 v0, v26;
	v57 =	vmul.f32 v14, v25;
	v14 =	vld [tilespmem:s23+$0x10560];
	v58 =	vadd.f32 v47, v44;
	[tilespmem:s24+$0x4170] =	vst v60  }
0x1fa: {  	v47 =	vld [tilespmem:s23+$0x10530];
	v60 =	vadd.f32 v62, v61;
	v61 =	vmul.f32 v11, v25;
	v62 =	vmul.f32 v12, v26;
	[tilespmem:s23+$0x4140] =	vst v63  }
0x1fb: {  	v0 =	vadd.f32 v0, v59;
	v43 =	vld [tilespmem:s23+$0x4550];
	v44 =	vmul.f32 v15, v25;
	[tilespmem:s23+$0x4100] =	vst v58  }
0x1fc: {  	v12 =	vld [tilespmem:s23+$0x10550];
	[tilespmem:s23+$0x4110] =	vst v60;
	v49 =	vadd.f32 v62, v61;
	v58 =	vmul.f32 v48, v26  }
0x1fd: {  	v15 =	vld [tilespmem:s23+$0x4570];
	[tilespmem:s23+$0x4120] =	vst v0;
	v59 =	vadd.f32 v45, v44;
	v60 =	vmul.f32 v50, v25;
	v61 =	vmul.f32 v51, v26  }
0x1fe: {  	v63 =	vmul.f32 v52, v25;
	v52 =	vmul.f32 v53, v26;
	v44 =	vld [tilespmem:s23+$0x10570];
	[tilespmem:s23+$0x4150] =	vst v49;
	v62 =	vadd.f32 v58, v57  }
0x1ff: {  	s18 =	sor.u32 s21, s14;
	[tilespmem:s23+$0x4160] =	vst v59;
	v53 =	vadd.f32 v61, v60;
	v57 =	vmul.f32 v54, v25;
	v58 =	vmul.f32 v55, v26;
	v59 =	vld [tilespmem:s23+$0x10540]  }
0x200: {  	v11 =	vld [tilespmem:s18+$0x10120];
	v51 =	vmul.f32 v13, v25;
	v60 =	vadd.f32 v52, v63;
	v52 =	vmul.f32 v14, v26;
	[tilespmem:s23+$0x4170] =	vst v62  }
0x201: {  	v9 =	vld [tilespmem:s18+$0x4130];
	v43 =	vmul.f32 v43, v25;
	v49 =	vmul.f32 v12, v26;
	[tilespmem:s23+$0x4500] =	vst v53;
	v63 =	vadd.f32 v58, v57  }
0x202: {  	v48 =	vld [tilespmem:s18+$0x4100];
	v61 =	vmul.f32 v56, v25;
	v62 =	vmul.f32 v47, v26;
	[tilespmem:s23+$0x4510] =	vst v60;
	v2 =	vadd.f32 v52, v51  }
0x203: {  	v13 =	vld [tilespmem:s18+$0x10110];
	v54 =	vmul.f32 v15, v25;
	v53 =	vadd.f32 v49, v43;
	v55 =	vmul.f32 v44, v26;
	[tilespmem:s23+$0x4520] =	vst v63  }
0x204: {  	v14 =	vld [tilespmem:s18+$0x4120];
	v56 =	vmul.f32 v46, v25;
	v50 =	vadd.f32 v62, v61;
	[tilespmem:s23+$0x4560] =	vst v2;
	v57 =	vmul.f32 v59, v26  }
0x205: {  	v12 =	vld [tilespmem:s18+$0x4110];
	[tilespmem:s23+$0x4550] =	vst v53;
	v58 =	vadd.f32 v55, v54  }
0x206: {  	v47 =	vld [tilespmem:s18+$0x10100];
	[tilespmem:s23+$0x4530] =	vst v50;
	v1 =	vadd.f32 v57, v56  }
0x207: {  	s16 =	sor.u32 s22, s16;
	v51 =	vld [tilespmem:s18+$0x4150];
	[tilespmem:s23+$0x4570] =	vst v58  }
0x208: {  	v0 =	vld [tilespmem:s16+$0x4100];
	[tilespmem:s23+$0x4540] =	vst v1  }
0x209: {  	v1 =	vld [tilespmem:s16+$0x10100]  }
0x20a: {  	v10 =	vld [tilespmem:s16+$0x4110]  }
0x20b: {  	v15 =	vld [tilespmem:s16+$0x10110]  }
0x20c: {  	v59 =	vld [tilespmem:s16+$0x4120]  }
0x20d: {  	v60 =	vld [tilespmem:s16+$0x10120]  }
0x20e: {  	v45 =	vld [tilespmem:s16+$0x4130]  }
0x20f: {  	v61 =	vld [tilespmem:s16+$0x10130]  }
0x210: {  	v49 =	vld [tilespmem:s16+$0x4140]  }
0x211: {  	v62 =	vld [tilespmem:s16+$0x4150]  }
0x212: {  	v63 =	vld [tilespmem:s16+$0x10150]  }
0x213: {  	v57 =	vld [tilespmem:s16+$0x4160]  }
0x214: {  	v58 =	vld [tilespmem:s16+$0x10160]  }
0x215: {  	v54 =	vld [tilespmem:s16+$0x4170];
	v0 =	vmul.f32 v0, v25;
	v1 =	vmul.f32 v1, v26  }
0x216: {  	v55 =	vld [tilespmem:s16+$0x10170];
	v10 =	vmul.f32 v10, v25;
	v15 =	vmul.f32 v15, v26  }
0x217: {  	v44 =	vld [tilespmem:s16+$0x10140];
	v59 =	vmul.f32 v59, v25;
	v60 =	vmul.f32 v60, v26;
	v0 =	vadd.f32 v1, v0  }
0x218: {  	v52 =	vld [tilespmem:s18+$0x10150];
	v45 =	vmul.f32 v45, v25;
	v46 =	vmul.f32 v61, v26;
	v10 =	vadd.f32 v15, v10  }
0x219: {  	v43 =	vld [tilespmem:s18+$0x4170];
	v61 =	vmul.f32 v62, v25;
	v62 =	vmul.f32 v63, v26;
	v1 =	vadd.f32 v60, v59;
	[tilespmem:s16+$0x4100] =	vst v0  }
0x21a: {  	v2 =	vld [tilespmem:s18+$0x10130];
	v56 =	vmul.f32 v57, v25;
	v57 =	vmul.f32 v58, v26;
	v63 =	vadd.f32 v46, v45;
	[tilespmem:s16+$0x4110] =	vst v10  }
0x21b: {  	v15 =	vld [tilespmem:s18+$0x4140];
	v58 =	vadd.f32 v62, v61;
	v59 =	vmul.f32 v54, v25;
	v60 =	vmul.f32 v55, v26;
	[tilespmem:s16+$0x4120] =	vst v1  }
0x21c: {  	v44 =	vmul.f32 v44, v26;
	v61 =	vld [tilespmem:s18+$0x4160];
	v62 =	vmul.f32 v49, v25;
	v45 =	vadd.f32 v57, v56;
	[tilespmem:s16+$0x4130] =	vst v63  }
0x21d: {  	v57 =	vld [tilespmem:s18+$0x10170];
	[tilespmem:s16+$0x4150] =	vst v58;
	v56 =	vadd.f32 v60, v59  }
0x21e: {  	v0 =	vld [tilespmem:s18+$0x10140];
	v10 =	vadd.f32 v44, v62;
	[tilespmem:s16+$0x4160] =	vst v45  }
0x21f: {  	s24 =	sor.u32 s22, s15;
	v63 =	vld [tilespmem:s18+$0x10160];
	[tilespmem:s16+$0x4170] =	vst v56  }
0x220: {  	[tilespmem:s16+$0x4140] =	vst v10;
	v1 =	vld [tilespmem:s24+$0x4100]  }
0x221: {  	v10 =	vld [tilespmem:s24+$0x10100]  }
0x222: {  	v45 =	vld [tilespmem:s24+$0x4110]  }
0x223: {  	v49 =	vld [tilespmem:s24+$0x10110]  }
0x224: {  	v11 =	vmul.f32 v11, v8;
	v48 =	vmul.f32 v48, v7;
	v50 =	vld [tilespmem:s24+$0x4120]  }
0x225: {  	v14 =	vmul.f32 v14, v7;
	v47 =	vmul.f32 v47, v8;
	v54 =	vld [tilespmem:s24+$0x10120]  }
0x226: {  	v13 =	vmul.f32 v13, v8;
	v12 =	vmul.f32 v12, v7;
	v55 =	vld [tilespmem:s24+$0x4130]  }
0x227: {  	v9 =	vmul.f32 v9, v7;
	v11 =	vadd.f32 v11, v14;
	v47 =	vadd.f32 v47, v48;
	v48 =	vld [tilespmem:s24+$0x10130]  }
0x228: {  	v12 =	vadd.f32 v13, v12;
	v2 =	vmul.f32 v2, v8;
	v59 =	vmul.f32 v51, v7;
	v13 =	vld [tilespmem:s24+$0x4140]  }
0x229: {  	[tilespmem:s18+$0x4120] =	vst v11;
	v60 =	vmul.f32 v52, v8;
	v58 =	vmul.f32 v15, v7;
	v15 =	vld [tilespmem:s24+$0x4150]  }
0x22a: {  	[tilespmem:s18+$0x4100] =	vst v47;
	v2 =	vadd.f32 v2, v9;
	v47 =	vld [tilespmem:s24+$0x10150];
	v0 =	vmul.f32 v0, v8  }
0x22b: {  	[tilespmem:s18+$0x4110] =	vst v12;
	v61 =	vmul.f32 v61, v7;
	v46 =	vld [tilespmem:s24+$0x4160];
	v62 =	vmul.f32 v63, v8;
	v63 =	vadd.f32 v60, v59  }
0x22c: {  	v43 =	vmul.f32 v43, v7;
	[tilespmem:s18+$0x4130] =	vst v2;
	v56 =	vmul.f32 v57, v8;
	v51 =	vld [tilespmem:s24+$0x10160];
	v0 =	vadd.f32 v0, v58  }
0x22d: {  	v11 =	vld [tilespmem:s24+$0x4170];
	v57 =	vadd.f32 v62, v61;
	[tilespmem:s18+$0x4150] =	vst v63  }
0x22e: {  	v14 =	vld [tilespmem:s24+$0x10170];
	v58 =	vadd.f32 v56, v43;
	[tilespmem:s18+$0x4140] =	vst v0  }
0x22f: {  	s15 =	sor.u32 s21, s17;
	v52 =	vld [tilespmem:s24+$0x10140];
	[tilespmem:s18+$0x4160] =	vst v57  }
0x230: {  	v43 =	vld [tilespmem:s15+$0x4100];
	[tilespmem:s18+$0x4170] =	vst v58  }
0x231: {  	v59 =	vmul.f32 v45, v25;
	v60 =	vmul.f32 v49, v26;
	v44 =	vld [tilespmem:s15+$0x10100]  }
0x232: {  	v45 =	vld [tilespmem:s15+$0x4110]  }
0x233: {  	v1 =	vmul.f32 v1, v25;
	v53 =	vadd.f32 v60, v59;
	v60 =	vmul.f32 v46, v25;
	v46 =	vld [tilespmem:s15+$0x10110]  }
0x234: {  	v10 =	vmul.f32 v10, v26;
	v58 =	vmul.f32 v47, v26;
	v47 =	vld [tilespmem:s15+$0x4120]  }
0x235: {  	v62 =	vmul.f32 v50, v25;
	v63 =	vmul.f32 v54, v26;
	v49 =	vld [tilespmem:s15+$0x10120]  }
0x236: {  	v54 =	vmul.f32 v55, v25;
	v55 =	vmul.f32 v48, v26;
	v61 =	vadd.f32 v10, v1;
	v48 =	vld [tilespmem:s15+$0x4130]  }
0x237: {  	v57 =	vmul.f32 v15, v25;
	v50 =	vld [tilespmem:s15+$0x10130]  }
0x238: {  	v56 =	vadd.f32 v63, v62;
	v59 =	vadd.f32 v55, v54;
	v55 =	vld [tilespmem:$0x1FF60];
	[tilespmem:s24+$0x4100] =	vst v61  }
0x239: {  	v52 =	vmul.f32 v52, v26;
	v15 =	vmul.f32 v13, v25;
	v62 =	vadd.f32 v58, v57;
	v57 =	vld [tilespmem:$0x1FF80];
	[tilespmem:s24+$0x4110] =	vst v53  }
0x23a: {  	v14 =	vmul.f32 v14, v26;
	v63 =	vmul.f32 v11, v25;
	v58 =	vld [tilespmem:$0x1FF90];
	[tilespmem:s24+$0x4120] =	vst v56  }
0x23b: {  	v54 =	vadd.f32 v52, v15;
	v61 =	vmul.f32 v51, v26;
	[tilespmem:s24+$0x4130] =	vst v59;
	v56 =	vld [tilespmem:$0x1FF70]  }
0x23c: {  	v53 =	vadd.f32 v14, v63;
	v59 =	vld [tilespmem:$0x1FFA0];
	[tilespmem:s24+$0x4150] =	vst v62  }
0x23d: {  	[tilespmem:s24+$0x4140] =	vst v54;
	v9 =	vadd.f32 v61, v60;
	v60 =	vld [tilespmem:$0x1FFB0]  }
0x23e: {  	s21 =	sor.u32 s22, s14;
	[tilespmem:s24+$0x4170] =	vst v53;
	v61 =	vld [tilespmem:$0x1FFC0]  }
0x23f: {  	v10 =	vld [tilespmem:s21+$0x4120];
	[tilespmem:s24+$0x4160] =	vst v9  }
0x240: {  	v0 =	vld [tilespmem:s21+$0x4100]  }
0x241: {  	v1 =	vld [tilespmem:s21+$0x10100]  }
0x242: {  	v2 =	vld [tilespmem:s21+$0x4110]  }
0x243: {  	v16 =	vmul.f32 v16, v4;
	v9 =	vld [tilespmem:s21+$0x10110]  }
0x244: {  	v14 =	vmul.f32 v57, v3;
	v15 =	vmul.f32 v58, v4;
	v13 =	vld [tilespmem:s21+$0x10120]  }
0x245: {  	v11 =	vmul.f32 v55, v3;
	v12 =	vmul.f32 v56, v4;
	v51 =	vld [tilespmem:s21+$0x4130]  }
0x246: {  	v57 =	vmul.f32 v20, v4;
	v53 =	vld [tilespmem:s21+$0x10130];
	v56 =	vmul.f32 v19, v3;
	v14 =	vadd.f32 v15, v14  }
0x247: {  	v54 =	vld [tilespmem:s21+$0x4140];
	v11 =	vadd.f32 v12, v11;
	v12 =	vmul.f32 v59, v3;
	v52 =	vmul.f32 v60, v4  }
0x248: {  	v63 =	vmul.f32 v17, v3;
	v19 =	vld [tilespmem:s21+$0x10150];
	v15 =	vmul.f32 v61, v3;
	v61 =	vadd.f32 v57, v56;
	[tilespmem:s19+$0x4110] =	vst v14  }
0x249: {  	v20 =	vld [tilespmem:s21+$0x4160];
	v59 =	vmul.f32 v21, v3;
	[tilespmem:s19+$0x4100] =	vst v11;
	v62 =	vadd.f32 v52, v12;
	v52 =	vmul.f32 v18, v4  }
0x24a: {  	v60 =	vmul.f32 v23, v4;
	v3 =	vmul.f32 v22, v3;
	v22 =	vld [tilespmem:s21+$0x10170];
	v55 =	vadd.f32 v16, v15;
	[tilespmem:s19+$0x4150] =	vst v61  }
0x24b: {  	v18 =	vld [tilespmem:s21+$0x4150];
	v4 =	vmul.f32 v24, v4;
	[tilespmem:s19+$0x4120] =	vst v62;
	v58 =	vadd.f32 v52, v63  }
0x24c: {  	v15 =	vld [tilespmem:s21+$0x10160];
	v0 =	vmul.f32 v0, v25;
	v1 =	vmul.f32 v1, v26;
	[tilespmem:s19+$0x4130] =	vst v55;
	v62 =	vadd.f32 v60, v59  }
0x24d: {  	v2 =	vmul.f32 v2, v25;
	v21 =	vmul.f32 v9, v26;
	v63 =	vld [tilespmem:s21+$0x4170];
	v3 =	vadd.f32 v4, v3;
	[tilespmem:s19+$0x4140] =	vst v58  }
0x24e: {  	v23 =	vmul.f32 v10, v25;
	v24 =	vmul.f32 v13, v26;
	v52 =	vld [tilespmem:s21+$0x10140];
	v0 =	vadd.f32 v1, v0;
	[tilespmem:s19+$0x4160] =	vst v62  }
0x24f: {  	v10 =	vld [tilespmem:s15+$0x10150];
	v56 =	vmul.f32 v53, v26;
	v55 =	vmul.f32 v51, v25;
	v2 =	vadd.f32 v21, v2;
	[tilespmem:s19+$0x4170] =	vst v3  }
0x250: {  	v13 =	vld [tilespmem:s15+$0x4160];
	v59 =	vmul.f32 v19, v26;
	v57 =	vadd.f32 v24, v23;
	[tilespmem:s21+$0x4100] =	vst v0;
	v58 =	vmul.f32 v18, v25  }
0x251: {  	v61 =	vmul.f32 v20, v25;
	v4 =	vld [tilespmem:s15+$0x4150];
	v60 =	vadd.f32 v56, v55;
	[tilespmem:s21+$0x4110] =	vst v2;
	v15 =	vmul.f32 v15, v26  }
0x252: {  	v1 =	vld [tilespmem:s15+$0x10140];
	v9 =	vmul.f32 v22, v26;
	[tilespmem:s21+$0x4120] =	vst v57;
	v62 =	vadd.f32 v59, v58;
	v12 =	vmul.f32 v63, v25  }
0x253: {  	v20 =	vmul.f32 v54, v25;
	v3 =	vld [tilespmem:s15+$0x4140];
	[tilespmem:s21+$0x4130] =	vst v60;
	v63 =	vadd.f32 v15, v61;
	v11 =	vmul.f32 v52, v26  }
0x254: {  	v43 =	vmul.f32 v43, v7;
	v44 =	vmul.f32 v44, v8;
	v2 =	vld [tilespmem:s15+$0x4170];
	[tilespmem:s21+$0x4150] =	vst v62;
	v9 =	vadd.f32 v9, v12  }
0x255: {  	v21 =	vmul.f32 v27, v5;
	v22 =	vmul.f32 v28, v6;
	v12 =	vld [tilespmem:s15+$0x10160];
	v11 =	vadd.f32 v11, v20;
	[tilespmem:s21+$0x4160] =	vst v63  }
0x256: {  	s24 =	sor.u32 s22, s17;
	v54 =	vadd.f32 v44, v43;
	v23 =	vmul.f32 v29, v5;
	v24 =	vmul.f32 v30, v6;
	[tilespmem:s21+$0x4170] =	vst v9;
	v9 =	vld [tilespmem:s15+$0x10170]  }
0x257: {  	v27 =	vmul.f32 v31, v5;
	v28 =	vmul.f32 v33, v6;
	v0 =	vadd.f32 v22, v21;
	[tilespmem:s21+$0x4140] =	vst v11;
	v11 =	vld [tilespmem:s24+$0x4100]  }
0x258: {  	v29 =	vmul.f32 v32, v5;
	v30 =	vmul.f32 v34, v6;
	[tilespmem:s15+$0x4100] =	vst v54;
	v14 =	vadd.f32 v24, v23;
	v19 =	vld [tilespmem:s24+$0x10100]  }
0x259: {  	v32 =	vmul.f32 v35, v5;
	v33 =	vmul.f32 v36, v6;
	v31 =	vadd.f32 v28, v27;
	[tilespmem:s20+$0x4100] =	vst v0;
	v20 =	vld [tilespmem:s24+$0x4110]  }
0x25a: {  	v35 =	vmul.f32 v37, v5;
	v36 =	vmul.f32 v38, v6;
	v34 =	vadd.f32 v30, v29;
	[tilespmem:s20+$0x4110] =	vst v14;
	v21 =	vld [tilespmem:s24+$0x10110]  }
0x25b: {  	v38 =	vmul.f32 v39, v5;
	v39 =	vmul.f32 v41, v6;
	v37 =	vadd.f32 v33, v32;
	[tilespmem:s20+$0x4120] =	vst v31;
	v16 =	vld [tilespmem:s24+$0x4120]  }
0x25c: {  	v5 =	vmul.f32 v40, v5;
	v6 =	vmul.f32 v42, v6;
	v41 =	vadd.f32 v36, v35;
	[tilespmem:s20+$0x4130] =	vst v34;
	v18 =	vld [tilespmem:s24+$0x10120]  }
0x25d: {  	v51 =	vmul.f32 v45, v7;
	v42 =	vadd.f32 v39, v38;
	[tilespmem:s20+$0x4140] =	vst v37;
	v52 =	vmul.f32 v46, v8;
	v53 =	vld [tilespmem:s24+$0x4130]  }
0x25e: {  	v55 =	vmul.f32 v47, v7;
	v56 =	vmul.f32 v49, v8;
	v5 =	vadd.f32 v6, v5;
	[tilespmem:s20+$0x4150] =	vst v41;
	v57 =	vld [tilespmem:s24+$0x10130]  }
0x25f: {  	v60 =	vmul.f32 v50, v8;
	[tilespmem:s20+$0x4160] =	vst v42;
	v59 =	vmul.f32 v48, v7;
	v58 =	vadd.f32 v52, v51;
	v61 =	vld [tilespmem:s24+$0x4140]  }
0x260: {  	v28 =	vmul.f32 v10, v8;
	[tilespmem:s20+$0x4170] =	vst v5;
	v4 =	vmul.f32 v4, v7;
	v62 =	vadd.f32 v56, v55;
	v63 =	vld [tilespmem:s24+$0x10140]  }
0x261: {  	v1 =	vmul.f32 v1, v8;
	v3 =	vmul.f32 v3, v7;
	v27 =	vadd.f32 v60, v59;
	[tilespmem:s15+$0x4110] =	vst v58;
	v29 =	vld [tilespmem:s24+$0x4150]  }
0x262: {  	v31 =	vmul.f32 v13, v7;
	v4 =	vadd.f32 v28, v4;
	[tilespmem:s15+$0x4120] =	vst v62;
	v33 =	vld [tilespmem:s24+$0x10150];
	v32 =	vmul.f32 v12, v8  }
0x263: {  	v2 =	vmul.f32 v2, v7;
	v30 =	vadd.f32 v1, v3;
	[tilespmem:s15+$0x4130] =	vst v27;
	v35 =	vld [tilespmem:s24+$0x4160];
	v34 =	vmul.f32 v9, v8  }
0x264: {  	[tilespmem:s15+$0x4150] =	vst v4;
	v39 =	vld [tilespmem:s24+$0x10160];
	v36 =	vadd.f32 v32, v31;
	v37 =	vmul.f32 v11, v25;
	v38 =	vmul.f32 v19, v26  }
0x265: {  	v42 =	vld [tilespmem:s24+$0x4170];
	[tilespmem:s15+$0x4140] =	vst v30;
	v40 =	vmul.f32 v20, v25;
	v41 =	vmul.f32 v21, v26;
	v2 =	vadd.f32 v34, v2  }
0x266: {  	v46 =	vld [tilespmem:s24+$0x10170];
	v44 =	vmul.f32 v16, v25;
	v45 =	vmul.f32 v18, v26;
	[tilespmem:s15+$0x4160] =	vst v36;
	v43 =	vadd.f32 v38, v37  }
0x267: {  	v48 =	vmul.f32 v53, v25;
	v49 =	vmul.f32 v57, v26;
	v47 =	vadd.f32 v41, v40;
	[tilespmem:s15+$0x4170] =	vst v2  }
0x268: {  	v51 =	vmul.f32 v61, v25;
	v52 =	vmul.f32 v63, v26;
	v50 =	vadd.f32 v45, v44;
	[tilespmem:s24+$0x4100] =	vst v43  }
0x269: {  	v54 =	vmul.f32 v29, v25;
	v55 =	vmul.f32 v33, v26;
	v53 =	vadd.f32 v49, v48;
	[tilespmem:s24+$0x4110] =	vst v47  }
0x26a: {  	p0 =	slt.u32 s30, $0x3C;
	v57 =	vmul.f32 v35, v25;
	v58 =	vmul.f32 v39, v26;
	v56 =	vadd.f32 v52, v51;
	[tilespmem:s24+$0x4120] =	vst v50  }
.Ltmp0:
0x26b: {  	v60 =	vmul.f32 v42, v25;
	v61 =	vmul.f32 v46, v26;
	v59 =	vadd.f32 v55, v54;
	[tilespmem:s24+$0x4130] =	vst v53;
	(pc) =	sbr.rel @p0 .LBB2_2-.Ltmp0, $4  }
0x26c: {  	v62 =	vadd.f32 v58, v57;
	[tilespmem:s24+$0x4140] =	vst v56  }
0x26d: {  	v63 =	vadd.f32 v61, v60;
	[tilespmem:s24+$0x4150] =	vst v59  }
0x26e: {  	[tilespmem:s24+$0x4160] =	vst v62  }
0x26f: {  	s31 =	sadd.s32 $0x200, s31;
	s1 =	sadd.s32 $0x200, s1;
	s0 =	sadd.s32 $0x200, s0;
	[tilespmem:s24+$0x4170] =	vst v63  }
0x270: {  	s29 =	sadd.s32 $0x1, s29  }
0x271: {  	p0 =	sne.s32 s29, s11  }
.Ltmp1:
0x272: {  	_ = 	snop;
	(pc) =	sbr.rel @p0 .LBB2_1-.Ltmp1, $4  }
0x273: {  	[hbm4b:s10+s2] =	stream.linear.scatter [tilespmem:s13], [sflag:$0x3], $0xC000, $0x38;
	[tilespmem:$0x1C100] =	vst v63  }
0x274: {  	_ =	swait.ge [sflag:s12], $0xC000  }
0x275: {  	[sflag:s12] =	ssyncset.done $0x0  }
0x276: {  	[sflag:s12] =	ssyncadd.s32 $0xFFFF4000  }
0x277: {  	_ =	sfence.sel $0x180000  }
0x278: {  	[bflag:$0x0] =	sbarrier.arrive $0xFFFF  }
0x279: {  	_ =	strace $0x9000004A  }
0x27a: {  	s0 =	stileid.u32;
	[bflag:$0x2] =	sbarrier.arrive $0xFFFF  }
0x27b: {  	p0 =	sne.s32 s0, $0x0;
	s0 =	rddreg [dreg:$0x2]  }
0x27c: {  	s0 =	sadd.s32 @!p0 $0x100000, s0  }
0x27d: {  	[sflag:s0] =	ssyncadd.tile.s32 @!p0 $0x1;
	_ =	shalt  }
.Lfunc_end2:
_tile_overlayer_lowered:
.L_overlay_start_2:
0x27e: {  	(tag) =	ssettag $0x2  }
0x27f: {  	s0 =	rddreg [dreg:$0x0];
	s2 =	stileid.u32  }
0x280: {  	s1 =	rddreg [dreg:$0x1];
	p0 =	sne.s32 s2, $0x0  }
0x281: {  	s3 =	rddreg [dreg:$0x2];
	[bflag:$0x3] =	sbarrier.arrive $0xFFFF;
	s2 =	simm.s32 @!p0 $0x1C03  }
0x282: {  	[timem:s3], [sflag:s2] =	dma.local @!p0 [hbm:s0], s1  }
0x283: {  	s0 =	simm.s32 @!p0 $0x3  }
0x284: {  	_ =	swait.ge @!p0 [sflag:s0], s1  }
0x285: {  	s1 =	ssub.s32 @!p0 $0x0, s1;
	[sflag:s0] =	ssyncset.done @!p0 $0x0  }
0x286: {  	[sflag:s0] =	ssyncadd.s32 @!p0 s1  }
0x287: {  	[bflag:$0x3] =	sbarrier.arrive $0xFFFF  }
0x288: {  	_ =	shalt  }

</sc_bundles>
